<compile_context>
chip_gen: v7x
topology: tpu7x:2x2x1
jax: 0.10.2.dev20260603
libtpu: 0.0.44.dev20260713+nightly
codegen_flags: <defaults>
</compile_context>

<pallas_src>
import functools

import jax
import jax.numpy as jnp
from jax import lax
from jax.experimental import pallas as pl
from jax.experimental.pallas import tpu as pltpu
from jax.experimental.pallas import tpu_sc as plsc

_B, _L, _H = 16, 512, 128
_LB = _B * _L
_N = 10000
_NP = 10240
_E = 320000
_NC, _NS, _NW = 2, 16, 32
_CH = 64
_NCH = _L // _CH
_RT = 1024

_f32 = jnp.float32


def _mesh():
    return plsc.VectorSubcoreMesh(core_axis_name="c", subcore_axis_name="s",
                                  num_cores=_NC, num_subcores=_NS)


def _sc_gather(table, idx, nch, ck):
    R = _NW * nch * ck
    per_w = nch * ck
    idx3 = idx.reshape(_NW, nch, ck)
    D = table.shape[1]

    @functools.partial(
        pl.kernel, mesh=_mesh(),
        out_type=jax.ShapeDtypeStruct((R, D), _f32),
        scratch_types=[pltpu.VMEM((nch, ck), jnp.int32),
                       pltpu.VMEM((ck, D), _f32),
                       pltpu.VMEM((ck, D), _f32),
                       pltpu.SemaphoreType.DMA,
                       pltpu.SemaphoreType.DMA],
    )
    def k(table_hbm, idx_hbm, out_hbm, idx_v, rows_a, rows_b, sem_a, sem_b):
        wid = lax.axis_index("s") * _NC + lax.axis_index("c")
        pltpu.sync_copy(idx_hbm.at[wid], idx_v)
        base = wid * per_w
        bufs = ((rows_a, sem_a), (rows_b, sem_b))
        cps = []
        for j in range(nch):
            buf, sem = bufs[j % 2]
            cps.append(pltpu.async_copy(table_hbm.at[idx_v.at[j]], buf, sem))
            if j >= 1:
                pbuf, _ = bufs[(j - 1) % 2]
                cps[j - 1].wait()
                pltpu.sync_copy(pbuf, out_hbm.at[pl.ds(base + (j - 1) * ck, ck)])
        buf, _ = bufs[(nch - 1) % 2]
        cps[nch - 1].wait()
        pltpu.sync_copy(buf, out_hbm.at[pl.ds(base + (nch - 1) * ck, ck)])

    return k(table, idx3)


_NCHE = 79


def _sc_scatter_halves(m, srcw, dstw, zrows):
    rpt = _NP // _NS

    @functools.partial(
        pl.kernel, mesh=_mesh(),
        out_type=jax.ShapeDtypeStruct((2 * _NP, _H), _f32),
        scratch_types=[pltpu.VMEM((_NCHE, 128), jnp.int32),
                       pltpu.VMEM((_NCHE, 128), jnp.int32),
                       pltpu.VMEM((128, _H), _f32),
                       pltpu.VMEM_SHARED((_NP, _H), _f32),
                       pltpu.SemaphoreType.DMA],
    )
    def k(m_hbm, src_hbm, dst_hbm, z_hbm, out_hbm, src_v, dst_v, rows_v,
          agg_sh, sem):
        cid = lax.axis_index("c")
        sid = lax.axis_index("s")
        wid = sid * _NC + cid
        pltpu.sync_copy(z_hbm, agg_sh.at[pl.ds(sid * rpt, rpt)])
        pltpu.sync_copy(src_hbm.at[wid], src_v)
        pltpu.sync_copy(dst_hbm.at[wid], dst_v)
        plsc.subcore_barrier()

        def body(j, carry):
            pltpu.async_copy(m_hbm.at[src_v.at[j]], rows_v, sem).wait()
            pltpu.sync_copy(rows_v, agg_sh.at[dst_v.at[j]], add=True)
            return carry

        lax.fori_loop(0, _NCHE, body, 0)
        plsc.subcore_barrier()
        pltpu.sync_copy(agg_sh.at[pl.ds(sid * rpt, rpt)],
                        out_hbm.at[pl.ds(cid * _NP + sid * rpt, rpt)])

    return k(m, srcw, dstw, zrows)


def _mm_bias(xs, ws, b):
    nx = len(xs)
    R = xs[0].shape[0]
    Dout = ws[0].shape[1]

    def body(*refs):
        xr = refs[:nx]
        wr = refs[nx:2 * nx]
        br = refs[2 * nx]
        orf = refs[2 * nx + 1]
        acc = jnp.dot(xr[0][...], wr[0][...], preferred_element_type=_f32)
        for i in range(1, nx):
            acc += jnp.dot(xr[i][...], wr[i][...], preferred_element_type=_f32)
        orf[...] = acc + br[...]

    in_specs = ([pl.BlockSpec((_RT, x.shape[1]), lambda r: (r, 0)) for x in xs]
                + [pl.BlockSpec(w.shape, lambda r: (0, 0)) for w in ws]
                + [pl.BlockSpec(b.shape, lambda r: (0, 0))])
    return pl.pallas_call(
        body, grid=(R // _RT,),
        in_specs=in_specs,
        out_specs=pl.BlockSpec((_RT, Dout), lambda r: (r, 0)),
        out_shape=jax.ShapeDtypeStruct((R, Dout), _f32),
    )(*xs, *ws, b)


def _cell(gi, gh, h):
    ir, iz, i_n = gi[:, :_H], gi[:, _H:2 * _H], gi[:, 2 * _H:]
    hr, hz, h_n = gh[:, :_H], gh[:, _H:2 * _H], gh[:, 2 * _H:]
    r = jax.nn.sigmoid(ir + hr)
    z = jax.nn.sigmoid(iz + hz)
    n = jnp.tanh(i_n + r * h_n)
    return (1.0 - z) * n + z * h


def _scan_layer(gi2, whh0, whh1, bhh0, bhh1):
    def body(gf, gb, w0, w1, b0, b1, ys0, ys1, ht0, ht1, h0, h1):
        c = pl.program_id(0)

        @pl.when(c == 0)
        def _init():
            h0[...] = jnp.zeros_like(h0)
            h1[...] = jnp.zeros_like(h1)

        def step(j, carry):
            gif = gf[pl.ds(j * _B, _B), 0:384]
            gh = jnp.dot(h0[...], w0[...], preferred_element_type=_f32) + b0[...]
            hn = _cell(gif, gh, h0[...])
            h0[...] = hn
            ys0[pl.ds(j * _B, _B), :] = hn
            jr = _CH - 1 - j
            gib = gb[pl.ds(jr * _B, _B), 384:768]
            gh1 = jnp.dot(h1[...], w1[...], preferred_element_type=_f32) + b1[...]
            hn1 = _cell(gib, gh1, h1[...])
            h1[...] = hn1
            ys1[pl.ds(jr * _B, _B), :] = hn1
            return carry

        lax.fori_loop(0, _CH, step, 0)
        ht0[...] = h0[...]
        ht1[...] = h1[...]

    blk = _CH * _B
    outs = pl.pallas_call(
        body, grid=(_NCH,),
        in_specs=[
            pl.BlockSpec((blk, 768), lambda c: (c, 0)),
            pl.BlockSpec((blk, 768), lambda c: (_NCH - 1 - c, 0)),
            pl.BlockSpec((_H, 384), lambda c: (0, 0)),
            pl.BlockSpec((_H, 384), lambda c: (0, 0)),
            pl.BlockSpec((1, 384), lambda c: (0, 0)),
            pl.BlockSpec((1, 384), lambda c: (0, 0)),
        ],
        out_specs=[
            pl.BlockSpec((blk, _H), lambda c: (c, 0)),
            pl.BlockSpec((blk, _H), lambda c: (_NCH - 1 - c, 0)),
            pl.BlockSpec((_B, _H), lambda c: (0, 0)),
            pl.BlockSpec((_B, _H), lambda c: (0, 0)),
        ],
        out_shape=[jax.ShapeDtypeStruct((_LB, _H), _f32),
                   jax.ShapeDtypeStruct((_LB, _H), _f32),
                   jax.ShapeDtypeStruct((_B, _H), _f32),
                   jax.ShapeDtypeStruct((_B, _H), _f32)],
        scratch_shapes=[pltpu.VMEM((_B, _H), _f32),
                        pltpu.VMEM((_B, _H), _f32)],
    )(gi2, gi2, whh0, whh1, bhh0, bhh1)
    return outs


def _ggc_pre(xg, w0, whh_t, bhh):
    def body(x, w, wh, bh, mo, gho):
        xv = x[...]
        mo[...] = jnp.dot(xv, w[...], preferred_element_type=_f32)
        gho[...] = jnp.dot(xv, wh[...], preferred_element_type=_f32) + bh[...]

    return pl.pallas_call(
        body, grid=(_NP // _RT,),
        in_specs=[
            pl.BlockSpec((_RT, _H), lambda r: (r, 0)),
            pl.BlockSpec((_H, _H), lambda r: (0, 0)),
            pl.BlockSpec((_H, 384), lambda r: (0, 0)),
            pl.BlockSpec((1, 384), lambda r: (0, 0)),
        ],
        out_specs=[pl.BlockSpec((_RT, _H), lambda r: (r, 0)),
                   pl.BlockSpec((_RT, 384), lambda r: (r, 0))],
        out_shape=[jax.ShapeDtypeStruct((_NP, _H), _f32),
                   jax.ShapeDtypeStruct((_NP, 384), _f32)],
    )(xg, w0, whh_t, bhh)


def _ggc_step(aggs, gh, xg, wih_t, bih, wnext, whh_t, bhh):
    def body(a0, a1, ghr, xgr, wih, bi, wn, wh, bh, xo, mo, gho):
        agg = a0[...] + a1[...]
        gi = jnp.dot(agg, wih[...], preferred_element_type=_f32) + bi[...]
        x = _cell(gi, ghr[...], xgr[...])
        row = pl.program_id(0) * _RT + lax.broadcasted_iota(jnp.int32,
                                                            (_RT, _H), 0)
        x = jnp.where(row < _N, x, 0.0)
        xo[...] = x
        mo[...] = jnp.dot(x, wn[...], preferred_element_type=_f32)
        gho[...] = jnp.dot(x, wh[...], preferred_element_type=_f32) + bh[...]

    return pl.pallas_call(
        body, grid=(_NP // _RT,),
        in_specs=[
            pl.BlockSpec((_RT, _H), lambda r: (r, 0)),
            pl.BlockSpec((_RT, _H), lambda r: (r + _NP // _RT, 0)),
            pl.BlockSpec((_RT, 384), lambda r: (r, 0)),
            pl.BlockSpec((_RT, _H), lambda r: (r, 0)),
            pl.BlockSpec((_H, 384), lambda r: (0, 0)),
            pl.BlockSpec((1, 384), lambda r: (0, 0)),
            pl.BlockSpec((_H, _H), lambda r: (0, 0)),
            pl.BlockSpec((_H, 384), lambda r: (0, 0)),
            pl.BlockSpec((1, 384), lambda r: (0, 0)),
        ],
        out_specs=[pl.BlockSpec((_RT, _H), lambda r: (r, 0)),
                   pl.BlockSpec((_RT, _H), lambda r: (r, 0)),
                   pl.BlockSpec((_RT, 384), lambda r: (r, 0))],
        out_shape=[jax.ShapeDtypeStruct((_NP, _H), _f32),
                   jax.ShapeDtypeStruct((_NP, _H), _f32),
                   jax.ShapeDtypeStruct((_NP, 384), _f32)],
    )(aggs, aggs, gh, xg, wih_t, bih, wnext, whh_t, bhh)


def kernel(input, node, edge_index, map_idx, len_context, params):
    p = params
    inp = input.astype(jnp.int32)
    node = node.astype(jnp.int32)
    ei = edge_index.astype(jnp.int32)
    mp = map_idx.astype(jnp.int32)
    lc = len_context.astype(jnp.int32)

    xt = _sc_gather(p['emb_ref'], inp.T.reshape(-1), nch=2, ck=128)
    node_pad = jnp.zeros((_NP,), jnp.int32).at[:_N].set(node)
    xg = _sc_gather(p['emb_node'], node_pad, nch=5, ck=64)

    wcat0 = jnp.concatenate([p['gru_Wih_0_0'].T, p['gru_Wih_0_1'].T], axis=1)
    bcat0 = jnp.concatenate([p['gru_bih_0_0'], p['gru_bih_0_1']])[None]
    gi2_0 = _mm_bias([xt], [wcat0], bcat0)
    ys0_0, ys1_0, ht00, ht01 = _scan_layer(
        gi2_0, p['gru_Whh_0_0'].T, p['gru_Whh_0_1'].T,
        p['gru_bhh_0_0'][None], p['gru_bhh_0_1'][None])

    wcat1 = jnp.concatenate([p['gru_Wih_1_0'].T, p['gru_Wih_1_1'].T], axis=1)
    bcat1 = jnp.concatenate([p['gru_bih_1_0'], p['gru_bih_1_1']])[None]
    gi2_1 = _mm_bias([ys0_0, ys1_0], [wcat1[:_H], wcat1[_H:]], bcat1)
    ys0_1, ys1_1, ht10, ht11 = _scan_layer(
        gi2_1, p['gru_Whh_1_0'].T, p['gru_Whh_1_1'].T,
        p['gru_bhh_1_0'][None], p['gru_bhh_1_1'][None])

    hidden = jnp.stack([ht00, ht01, ht10, ht11], axis=0)

    epad = _NW * _NCHE * 128
    srcw = jnp.zeros((epad,), jnp.int32).at[:_E].set(ei[0]).reshape(
        _NW, _NCHE, 128)
    dstw = jnp.full((epad,), _N, jnp.int32).at[:_E].set(ei[1]).reshape(
        _NW, _NCHE, 128)
    zrows = jnp.zeros((_NP // _NS, _H), _f32)

    whh_g_t = p['ggc_Whh'].T
    wih_g_t = p['ggc_Wih'].T
    bhh_g = p['ggc_bhh'][None]
    bih_g = p['ggc_bih'][None]
    m, gh = _ggc_pre(xg, p['ggc_weight'][0], whh_g_t, bhh_g)
    for i in range(4):
        aggs = _sc_scatter_halves(m, srcw, dstw, zrows)
        wnext = p['ggc_weight'][(i + 1) % 4]
        xg, m, gh = _ggc_step(aggs, gh, xg, wih_g_t, bih_g, wnext,
                              whh_g_t, bhh_g)

    tmask = jnp.arange(_L, dtype=jnp.int32)[:, None] < lc[None, :]
    mt = jnp.where(tmask, mp.T, _N).reshape(-1)
    sel = _sc_gather(xg, mt, nch=2, ck=128)

    lwt = p['lin_w'].T
    out_t = _mm_bias([ys0_1, ys1_1, sel],
                     [lwt[:_H], lwt[_H:2 * _H], lwt[2 * _H:]],
                     p['lin_b'][None])
    out = out_t.reshape(_L, _B, 2 * _H).transpose(1, 0, 2)
    return out, hidden

# --- scband reference (transcript-rebuilt; emitter-appended) ---
"""Pipeline reference for scband-encoder-28381143892815 (READ-ONLY COPY).

The authoritative reference and input builder live on the scoring server;
editing this copy changes nothing except your own understanding.
"""

import jax, jax.numpy as jnp
import numpy as np

B, L = 16, 512
NF, H, NL = 128, 128, 2
NODE_SIZE, REF_SIZE = 100000, 100000
N, E = 10000, 320000
GGC_LAYERS = 4

def _rn(key, shape, scale=0.05):
    return (jax.random.normal(key, shape) * scale).astype(jnp.float32)

def _gru_cell(gi, gh, h):
    # PyTorch GRU gate order: r, z, n
    ir, iz, i_n = jnp.split(gi, 3, axis=-1)
    hr, hz, h_n = jnp.split(gh, 3, axis=-1)
    r = jax.nn.sigmoid(ir + hr)
    z = jax.nn.sigmoid(iz + hz)
    n = jnp.tanh(i_n + r * h_n)
    return (1.0 - z) * n + z * h

def make_params(key):
    ks = iter(jax.random.split(key, 64))
    p = {}
    # padding_idx=0 -> row 0 zeroed
    p['emb_ref'] = _rn(next(ks), (REF_SIZE, NF)).at[0].set(0.0)
    p['emb_node'] = _rn(next(ks), (NODE_SIZE, NF)).at[0].set(0.0)
    for l in range(NL):
        D = NF if l == 0 else 2 * H
        for d in range(2):
            p[f'gru_Wih_{l}_{d}'] = _rn(next(ks), (3 * H, D))
            p[f'gru_Whh_{l}_{d}'] = _rn(next(ks), (3 * H, H))
            p[f'gru_bih_{l}_{d}'] = _rn(next(ks), (3 * H,))
            p[f'gru_bhh_{l}_{d}'] = _rn(next(ks), (3 * H,))
    p['ggc_weight'] = _rn(next(ks), (GGC_LAYERS, H, H))
    p['ggc_Wih'] = _rn(next(ks), (3 * H, H))
    p['ggc_Whh'] = _rn(next(ks), (3 * H, H))
    p['ggc_bih'] = _rn(next(ks), (3 * H,))
    p['ggc_bhh'] = _rn(next(ks), (3 * H,))
    p['lin_w'] = _rn(next(ks), (2 * H, 3 * H))
    p['lin_b'] = _rn(next(ks), (2 * H,))
    return p

def setup_inputs(seed: int = 0):
    key = jax.random.key(seed)
    ks = jax.random.split(key, 8)
    return {
        'input': jax.random.randint(ks[0], (B, L), 0, REF_SIZE),
        'node': jax.random.randint(ks[1], (N,), 0, NODE_SIZE),
        'edge_index': jax.random.randint(ks[2], (2, E), 0, N),
        'map_idx': jax.random.randint(ks[3], (B, L), 0, N),
        'len_context': jax.random.randint(ks[4], (B,), 1, L + 1),
        'params': make_params(ks[5]),
    }

def forward(input, node, edge_index, map_idx, len_context, params):
    # self.embedding(input) + eval-mode dropout (identity)
    x = params['emb_ref'][input]  # [B, L, NF]

    # Bidirectional stacked GRU, batch_first, PyTorch semantics
    hiddens = []
    for l in range(NL):
        outs = []
        for d in range(2):
            W_ih = params[f'gru_Wih_{l}_{d}']
            W_hh = params[f'gru_Whh_{l}_{d}']
            b_ih = params[f'gru_bih_{l}_{d}']
            b_hh = params[f'gru_bhh_{l}_{d}']
            xs = jnp.swapaxes(x, 0, 1)  # [L, B, D]
            if d == 1:
                xs = xs[::-1]
            h0 = jnp.zeros((x.shape[0], H), jnp.float32)
            def step(h, xt, W_ih=W_ih, W_hh=W_hh, b_ih=b_ih, b_hh=b_hh):
                gi = xt @ W_ih.T + b_ih
                gh = h @ W_hh.T + b_hh
                hn = _gru_cell(gi, gh, h)
                return hn, hn
            hT, ys = jax.lax.scan(step, h0, xs)
            if d == 1:
                ys = ys[::-1]
            outs.append(jnp.swapaxes(ys, 0, 1))
            hiddens.append(hT)
        x = jnp.concatenate(outs, axis=-1)
    outputs = x  # [B, L, 2H]
    hidden = jnp.stack(hiddens, axis=0)  # [NL*2, B, H]

    # self.node_embedding(nodes) + eval-mode dropout, then GatedGraphConv(H, 4)
    xg = params['emb_node'][node]  # [N, NF]; NF == H so no zero padding needed
    src, dst = edge_index[0], edge_index[1]
    for i in range(GGC_LAYERS):
        m = xg @ params['ggc_weight'][i]
        agg = jnp.zeros_like(xg).at[dst].add(m[src])  # sum aggregation into target nodes
        gi = agg @ params['ggc_Wih'].T + params['ggc_bih']
        gh = xg @ params['ggc_Whh'].T + params['ggc_bhh']
        xg = _gru_cell(gi, gh, xg)

    # vectorized version of the per-batch index_select + zero-padding loop
    gathered = xg[map_idx]  # [B, L, H]
    mask = (jnp.arange(L)[None, :] < len_context[:, None])[..., None]
    selected = jnp.where(mask, gathered, 0.0)

    cat = jnp.concatenate([outputs, selected], axis=-1)  # [B, L, 3H]
    out = cat @ params['lin_w'].T + params['lin_b']  # [B, L, 2H]
    return out, hidden

def reference(input, node, edge_index, map_idx, len_context, params):
    return forward(input, node, edge_index, map_idx, len_context, params)

if __name__ == "__main__":
    import jax
    _d = setup_inputs()
    print(jax.jit(kernel)(*tuple(_d.values())))

</pallas_src>

<mosaic_0001>
#map = affine_map<(d0, d1) -> (0, 0)>
#map1 = affine_map<(d0, d1) -> (0, 0, 0)>
module attributes {stable_mosaic.version = 14 : i64} {
  func.func @k(%arg0: i32, %arg1: i32, %arg2: memref<100000x128xf32, #tpu.memory_space<hbm>>, %arg3: memref<32x5x64xi32, #tpu.memory_space<hbm>>, %arg4: memref<10240x128xf32, #tpu.memory_space<hbm>>, %arg5: memref<5x64xi32, #tpu.memory_space<vmem>>, %arg6: memref<64x128xf32, #tpu.memory_space<vmem>>, %arg7: memref<64x128xf32, #tpu.memory_space<vmem>>, %arg8: memref<!tpu.dma_semaphore, #tpu.memory_space<semaphore_mem>>, %arg9: memref<!tpu.dma_semaphore, #tpu.memory_space<semaphore_mem>>) attributes {dimension_semantics = [#tpu.dimension_semantics<core_parallel>, #tpu.dimension_semantics<subcore_parallel>], iteration_bounds = array<i64: 2, 16>, scalar_prefetch = 0 : i64, scratch_operands = 5 : i64, tpu.core_type = #tpu.core_type<sc_vector_subcore>, window_params = [{transform_indices = #map}, {transform_indices = #map1}, {transform_indices = #map}]} {
    %mul3A = arith.constant 2 : i32
    %mul3A_0 = arith.muli %arg1, %mul3A : i32
    %add3A = arith.addi %mul3A_0, %arg0 : i32
    "tpu.region"() ({
      %run_scoped3A = tpu.sem_alloc : memref<!tpu.dma_semaphore, #tpu.memory_space<semaphore_mem>>
      %dma_start3A_81 = arith.constant 0 : i32
      %dma_start3A_82 = arith.constant 0 : i32
      %dma_start3A_83 = tpu.memref_slice %arg3[%add3A, %dma_start3A_81, %dma_start3A_82] : memref<32x5x64xi32, #tpu.memory_space<hbm>> -> memref<1x5x64xi32, #tpu.memory_space<hbm>>
      %dma_start3A_84 = tpu.memref_squeeze %dma_start3A_83 : memref<1x5x64xi32, #tpu.memory_space<hbm>> -> memref<5x64xi32, #tpu.memory_space<hbm>>
      %dma_start3A_85 = arith.constant 0 : i32
      %dma_start3A_86 = arith.constant 0 : i32
      %dma_start3A_87 = tpu.memref_slice %arg3[%add3A, %dma_start3A_85, %dma_start3A_86] : memref<32x5x64xi32, #tpu.memory_space<hbm>> -> memref<1x5x64xi32, #tpu.memory_space<hbm>>
      %dma_start3A_88 = tpu.memref_squeeze %dma_start3A_87 : memref<1x5x64xi32, #tpu.memory_space<hbm>> -> memref<5x64xi32, #tpu.memory_space<hbm>>
      tpu.enqueue_dma source(%dma_start3A_88 : memref<5x64xi32, #tpu.memory_space<hbm>>) target(%arg5 : memref<5x64xi32, #tpu.memory_space<vmem>>) target_semaphore(%run_scoped3A : memref<!tpu.dma_semaphore, #tpu.memory_space<semaphore_mem>>)
      %dma_wait3A_89 = arith.constant 0 : i32
      %dma_wait3A_90 = arith.constant 0 : i32
      %dma_wait3A_91 = tpu.memref_slice %arg3[%add3A, %dma_wait3A_89, %dma_wait3A_90] : memref<32x5x64xi32, #tpu.memory_space<hbm>> -> memref<1x5x64xi32, #tpu.memory_space<hbm>>
      %dma_wait3A_92 = tpu.memref_squeeze %dma_wait3A_91 : memref<1x5x64xi32, #tpu.memory_space<hbm>> -> memref<5x64xi32, #tpu.memory_space<hbm>>
      %dma_wait3A_93 = arith.constant 0 : i32
      %dma_wait3A_94 = arith.constant 0 : i32
      %dma_wait3A_95 = tpu.memref_slice %arg3[%add3A, %dma_wait3A_93, %dma_wait3A_94] : memref<32x5x64xi32, #tpu.memory_space<hbm>> -> memref<1x5x64xi32, #tpu.memory_space<hbm>>
      %dma_wait3A_96 = tpu.memref_squeeze %dma_wait3A_95 : memref<1x5x64xi32, #tpu.memory_space<hbm>> -> memref<5x64xi32, #tpu.memory_space<hbm>>
      tpu.wait_dma2 semaphore(%run_scoped3A : memref<!tpu.dma_semaphore, #tpu.memory_space<semaphore_mem>>) src(%dma_wait3A_96 : memref<5x64xi32, #tpu.memory_space<hbm>>) dst(%arg5 : memref<5x64xi32, #tpu.memory_space<vmem>>)
      tpu.yield
    }) : () -> ()
    %mul3A_1 = arith.constant 320 : i32
    %mul3A_2 = arith.muli %add3A, %mul3A_1 : i32
    %dma_start3A = arith.constant 0 : i32
    %dma_start3A_3 = arith.constant 0 : i32
    %dma_start3A_4 = tpu.memref_slice %arg5[%dma_start3A, %dma_start3A_3] : memref<5x64xi32, #tpu.memory_space<vmem>> -> memref<1x64xi32, #tpu.memory_space<vmem>>
    %dma_start3A_5 = tpu.memref_squeeze %dma_start3A_4 : memref<1x64xi32, #tpu.memory_space<vmem>> -> memref<64xi32, #tpu.memory_space<vmem>>
    %dma_start3A_6 = arith.constant 0 : i32
    %dma_start3A_7 = arith.constant 0 : i32
    %dma_start3A_8 = tpu.memref_slice %arg2[%dma_start3A_6, %dma_start3A_7] : memref<100000x128xf32, #tpu.memory_space<hbm>> -> memref<100000x128xf32, #tpu.memory_space<hbm>>
    tpu.enqueue_indirect_dma source(%dma_start3A_8 : memref<100000x128xf32, #tpu.memory_space<hbm>>) target(%arg6 : memref<64x128xf32, #tpu.memory_space<vmem>>) offsets(%dma_start3A_5 : memref<64xi32, #tpu.memory_space<vmem>>) semaphore(%arg8 : memref<!tpu.dma_semaphore, #tpu.memory_space<semaphore_mem>>)
    %dma_start3A_9 = arith.constant 1 : i32
    %dma_start3A_10 = arith.constant 0 : i32
    %dma_start3A_11 = tpu.memref_slice %arg5[%dma_start3A_9, %dma_start3A_10] : memref<5x64xi32, #tpu.memory_space<vmem>> -> memref<1x64xi32, #tpu.memory_space<vmem>>
    %dma_start3A_12 = tpu.memref_squeeze %dma_start3A_11 : memref<1x64xi32, #tpu.memory_space<vmem>> -> memref<64xi32, #tpu.memory_space<vmem>>
    %dma_start3A_13 = arith.constant 0 : i32
    %dma_start3A_14 = arith.constant 0 : i32
    %dma_start3A_15 = tpu.memref_slice %arg2[%dma_start3A_13, %dma_start3A_14] : memref<100000x128xf32, #tpu.memory_space<hbm>> -> memref<100000x128xf32, #tpu.memory_space<hbm>>
    tpu.enqueue_indirect_dma source(%dma_start3A_15 : memref<100000x128xf32, #tpu.memory_space<hbm>>) target(%arg7 : memref<64x128xf32, #tpu.memory_space<vmem>>) offsets(%dma_start3A_12 : memref<64xi32, #tpu.memory_space<vmem>>) semaphore(%arg9 : memref<!tpu.dma_semaphore, #tpu.memory_space<semaphore_mem>>)
    %dma_wait3A = arith.constant 0 : i32
    %dma_wait3A_16 = arith.constant 0 : i32
    %dma_wait3A_17 = tpu.memref_slice %arg5[%dma_wait3A, %dma_wait3A_16] : memref<5x64xi32, #tpu.memory_space<vmem>> -> memref<1x64xi32, #tpu.memory_space<vmem>>
    %dma_wait3A_18 = tpu.memref_squeeze %dma_wait3A_17 : memref<1x64xi32, #tpu.memory_space<vmem>> -> memref<64xi32, #tpu.memory_space<vmem>>
    %dma_wait3A_19 = arith.constant 0 : i32
    %dma_wait3A_20 = arith.constant 0 : i32
    %dma_wait3A_21 = tpu.memref_slice %arg2[%dma_wait3A_19, %dma_wait3A_20] : memref<100000x128xf32, #tpu.memory_space<hbm>> -> memref<100000x128xf32, #tpu.memory_space<hbm>>
    tpu.wait_indirect_dma semaphore(%arg8 : memref<!tpu.dma_semaphore, #tpu.memory_space<semaphore_mem>>) src(%dma_wait3A_21 : memref<100000x128xf32, #tpu.memory_space<hbm>>) dst(%arg6 : memref<64x128xf32, #tpu.memory_space<vmem>>)
    %add3A_22 = arith.constant 0 : i32
    %add3A_23 = arith.addi %mul3A_2, %add3A_22 : i32
    "tpu.region"() ({
      %run_scoped3A = tpu.sem_alloc : memref<!tpu.dma_semaphore, #tpu.memory_space<semaphore_mem>>
      %dma_start3A_81 = arith.constant 0 : i32
      %dma_start3A_82 = tpu.memref_slice %arg4[%add3A_23, %dma_start3A_81] : memref<10240x128xf32, #tpu.memory_space<hbm>> -> memref<64x128xf32, #tpu.memory_space<hbm>>
      %dma_start3A_83 = arith.constant 0 : i32
      %dma_start3A_84 = tpu.memref_slice %arg4[%add3A_23, %dma_start3A_83] : memref<10240x128xf32, #tpu.memory_space<hbm>> -> memref<64x128xf32, #tpu.memory_space<hbm>>
      tpu.enqueue_dma source(%arg6 : memref<64x128xf32, #tpu.memory_space<vmem>>) target(%dma_start3A_84 : memref<64x128xf32, #tpu.memory_space<hbm>>) target_semaphore(%run_scoped3A : memref<!tpu.dma_semaphore, #tpu.memory_space<semaphore_mem>>)
      %dma_wait3A_85 = arith.constant 0 : i32
      %dma_wait3A_86 = tpu.memref_slice %arg4[%add3A_23, %dma_wait3A_85] : memref<10240x128xf32, #tpu.memory_space<hbm>> -> memref<64x128xf32, #tpu.memory_space<hbm>>
      %dma_wait3A_87 = arith.constant 0 : i32
      %dma_wait3A_88 = tpu.memref_slice %arg4[%add3A_23, %dma_wait3A_87] : memref<10240x128xf32, #tpu.memory_space<hbm>> -> memref<64x128xf32, #tpu.memory_space<hbm>>
      tpu.wait_dma2 semaphore(%run_scoped3A : memref<!tpu.dma_semaphore, #tpu.memory_space<semaphore_mem>>) src(%arg6 : memref<64x128xf32, #tpu.memory_space<vmem>>) dst(%dma_wait3A_88 : memref<64x128xf32, #tpu.memory_space<hbm>>)
      tpu.yield
    }) : () -> ()
    %dma_start3A_24 = arith.constant 2 : i32
    %dma_start3A_25 = arith.constant 0 : i32
    %dma_start3A_26 = tpu.memref_slice %arg5[%dma_start3A_24, %dma_start3A_25] : memref<5x64xi32, #tpu.memory_space<vmem>> -> memref<1x64xi32, #tpu.memory_space<vmem>>
    %dma_start3A_27 = tpu.memref_squeeze %dma_start3A_26 : memref<1x64xi32, #tpu.memory_space<vmem>> -> memref<64xi32, #tpu.memory_space<vmem>>
    %dma_start3A_28 = arith.constant 0 : i32
    %dma_start3A_29 = arith.constant 0 : i32
    %dma_start3A_30 = tpu.memref_slice %arg2[%dma_start3A_28, %dma_start3A_29] : memref<100000x128xf32, #tpu.memory_space<hbm>> -> memref<100000x128xf32, #tpu.memory_space<hbm>>
    tpu.enqueue_indirect_dma source(%dma_start3A_30 : memref<100000x128xf32, #tpu.memory_space<hbm>>) target(%arg6 : memref<64x128xf32, #tpu.memory_space<vmem>>) offsets(%dma_start3A_27 : memref<64xi32, #tpu.memory_space<vmem>>) semaphore(%arg8 : memref<!tpu.dma_semaphore, #tpu.memory_space<semaphore_mem>>)
    %dma_wait3A_31 = arith.constant 1 : i32
    %dma_wait3A_32 = arith.constant 0 : i32
    %dma_wait3A_33 = tpu.memref_slice %arg5[%dma_wait3A_31, %dma_wait3A_32] : memref<5x64xi32, #tpu.memory_space<vmem>> -> memref<1x64xi32, #tpu.memory_space<vmem>>
    %dma_wait3A_34 = tpu.memref_squeeze %dma_wait3A_33 : memref<1x64xi32, #tpu.memory_space<vmem>> -> memref<64xi32, #tpu.memory_space<vmem>>
    %dma_wait3A_35 = arith.constant 0 : i32
    %dma_wait3A_36 = arith.constant 0 : i32
    %dma_wait3A_37 = tpu.memref_slice %arg2[%dma_wait3A_35, %dma_wait3A_36] : memref<100000x128xf32, #tpu.memory_space<hbm>> -> memref<100000x128xf32, #tpu.memory_space<hbm>>
    tpu.wait_indirect_dma semaphore(%arg9 : memref<!tpu.dma_semaphore, #tpu.memory_space<semaphore_mem>>) src(%dma_wait3A_37 : memref<100000x128xf32, #tpu.memory_space<hbm>>) dst(%arg7 : memref<64x128xf32, #tpu.memory_space<vmem>>)
    %add3A_38 = arith.constant 64 : i32
    %add3A_39 = arith.addi %mul3A_2, %add3A_38 : i32
    "tpu.region"() ({
      %run_scoped3A = tpu.sem_alloc : memref<!tpu.dma_semaphore, #tpu.memory_space<semaphore_mem>>
      %dma_start3A_81 = arith.constant 0 : i32
      %dma_start3A_82 = tpu.memref_slice %arg4[%add3A_39, %dma_start3A_81] : memref<10240x128xf32, #tpu.memory_space<hbm>> -> memref<64x128xf32, #tpu.memory_space<hbm>>
      %dma_start3A_83 = arith.constant 0 : i32
      %dma_start3A_84 = tpu.memref_slice %arg4[%add3A_39, %dma_start3A_83] : memref<10240x128xf32, #tpu.memory_space<hbm>> -> memref<64x128xf32, #tpu.memory_space<hbm>>
      tpu.enqueue_dma source(%arg7 : memref<64x128xf32, #tpu.memory_space<vmem>>) target(%dma_start3A_84 : memref<64x128xf32, #tpu.memory_space<hbm>>) target_semaphore(%run_scoped3A : memref<!tpu.dma_semaphore, #tpu.memory_space<semaphore_mem>>)
      %dma_wait3A_85 = arith.constant 0 : i32
      %dma_wait3A_86 = tpu.memref_slice %arg4[%add3A_39, %dma_wait3A_85] : memref<10240x128xf32, #tpu.memory_space<hbm>> -> memref<64x128xf32, #tpu.memory_space<hbm>>
      %dma_wait3A_87 = arith.constant 0 : i32
      %dma_wait3A_88 = tpu.memref_slice %arg4[%add3A_39, %dma_wait3A_87] : memref<10240x128xf32, #tpu.memory_space<hbm>> -> memref<64x128xf32, #tpu.memory_space<hbm>>
      tpu.wait_dma2 semaphore(%run_scoped3A : memref<!tpu.dma_semaphore, #tpu.memory_space<semaphore_mem>>) src(%arg7 : memref<64x128xf32, #tpu.memory_space<vmem>>) dst(%dma_wait3A_88 : memref<64x128xf32, #tpu.memory_space<hbm>>)
      tpu.yield
    }) : () -> ()
    %dma_start3A_40 = arith.constant 3 : i32
    %dma_start3A_41 = arith.constant 0 : i32
    %dma_start3A_42 = tpu.memref_slice %arg5[%dma_start3A_40, %dma_start3A_41] : memref<5x64xi32, #tpu.memory_space<vmem>> -> memref<1x64xi32, #tpu.memory_space<vmem>>
    %dma_start3A_43 = tpu.memref_squeeze %dma_start3A_42 : memref<1x64xi32, #tpu.memory_space<vmem>> -> memref<64xi32, #tpu.memory_space<vmem>>
    %dma_start3A_44 = arith.constant 0 : i32
    %dma_start3A_45 = arith.constant 0 : i32
    %dma_start3A_46 = tpu.memref_slice %arg2[%dma_start3A_44, %dma_start3A_45] : memref<100000x128xf32, #tpu.memory_space<hbm>> -> memref<100000x128xf32, #tpu.memory_space<hbm>>
    tpu.enqueue_indirect_dma source(%dma_start3A_46 : memref<100000x128xf32, #tpu.memory_space<hbm>>) target(%arg7 : memref<64x128xf32, #tpu.memory_space<vmem>>) offsets(%dma_start3A_43 : memref<64xi32, #tpu.memory_space<vmem>>) semaphore(%arg9 : memref<!tpu.dma_semaphore, #tpu.memory_space<semaphore_mem>>)
    %dma_wait3A_47 = arith.constant 2 : i32
    %dma_wait3A_48 = arith.constant 0 : i32
    %dma_wait3A_49 = tpu.memref_slice %arg5[%dma_wait3A_47, %dma_wait3A_48] : memref<5x64xi32, #tpu.memory_space<vmem>> -> memref<1x64xi32, #tpu.memory_space<vmem>>
    %dma_wait3A_50 = tpu.memref_squeeze %dma_wait3A_49 : memref<1x64xi32, #tpu.memory_space<vmem>> -> memref<64xi32, #tpu.memory_space<vmem>>
    %dma_wait3A_51 = arith.constant 0 : i32
    %dma_wait3A_52 = arith.constant 0 : i32
    %dma_wait3A_53 = tpu.memref_slice %arg2[%dma_wait3A_51, %dma_wait3A_52] : memref<100000x128xf32, #tpu.memory_space<hbm>> -> memref<100000x128xf32, #tpu.memory_space<hbm>>
    tpu.wait_indirect_dma semaphore(%arg8 : memref<!tpu.dma_semaphore, #tpu.memory_space<semaphore_mem>>) src(%dma_wait3A_53 : memref<100000x128xf32, #tpu.memory_space<hbm>>) dst(%arg6 : memref<64x128xf32, #tpu.memory_space<vmem>>)
    %add3A_54 = arith.constant 128 : i32
    %add3A_55 = arith.addi %mul3A_2, %add3A_54 : i32
    "tpu.region"() ({
      %run_scoped3A = tpu.sem_alloc : memref<!tpu.dma_semaphore, #tpu.memory_space<semaphore_mem>>
      %dma_start3A_81 = arith.constant 0 : i32
      %dma_start3A_82 = tpu.memref_slice %arg4[%add3A_55, %dma_start3A_81] : memref<10240x128xf32, #tpu.memory_space<hbm>> -> memref<64x128xf32, #tpu.memory_space<hbm>>
      %dma_start3A_83 = arith.constant 0 : i32
      %dma_start3A_84 = tpu.memref_slice %arg4[%add3A_55, %dma_start3A_83] : memref<10240x128xf32, #tpu.memory_space<hbm>> -> memref<64x128xf32, #tpu.memory_space<hbm>>
      tpu.enqueue_dma source(%arg6 : memref<64x128xf32, #tpu.memory_space<vmem>>) target(%dma_start3A_84 : memref<64x128xf32, #tpu.memory_space<hbm>>) target_semaphore(%run_scoped3A : memref<!tpu.dma_semaphore, #tpu.memory_space<semaphore_mem>>)
      %dma_wait3A_85 = arith.constant 0 : i32
      %dma_wait3A_86 = tpu.memref_slice %arg4[%add3A_55, %dma_wait3A_85] : memref<10240x128xf32, #tpu.memory_space<hbm>> -> memref<64x128xf32, #tpu.memory_space<hbm>>
      %dma_wait3A_87 = arith.constant 0 : i32
      %dma_wait3A_88 = tpu.memref_slice %arg4[%add3A_55, %dma_wait3A_87] : memref<10240x128xf32, #tpu.memory_space<hbm>> -> memref<64x128xf32, #tpu.memory_space<hbm>>
      tpu.wait_dma2 semaphore(%run_scoped3A : memref<!tpu.dma_semaphore, #tpu.memory_space<semaphore_mem>>) src(%arg6 : memref<64x128xf32, #tpu.memory_space<vmem>>) dst(%dma_wait3A_88 : memref<64x128xf32, #tpu.memory_space<hbm>>)
      tpu.yield
    }) : () -> ()
    %dma_start3A_56 = arith.constant 4 : i32
    %dma_start3A_57 = arith.constant 0 : i32
    %dma_start3A_58 = tpu.memref_slice %arg5[%dma_start3A_56, %dma_start3A_57] : memref<5x64xi32, #tpu.memory_space<vmem>> -> memref<1x64xi32, #tpu.memory_space<vmem>>
    %dma_start3A_59 = tpu.memref_squeeze %dma_start3A_58 : memref<1x64xi32, #tpu.memory_space<vmem>> -> memref<64xi32, #tpu.memory_space<vmem>>
    %dma_start3A_60 = arith.constant 0 : i32
    %dma_start3A_61 = arith.constant 0 : i32
    %dma_start3A_62 = tpu.memref_slice %arg2[%dma_start3A_60, %dma_start3A_61] : memref<100000x128xf32, #tpu.memory_space<hbm>> -> memref<100000x128xf32, #tpu.memory_space<hbm>>
    tpu.enqueue_indirect_dma source(%dma_start3A_62 : memref<100000x128xf32, #tpu.memory_space<hbm>>) target(%arg6 : memref<64x128xf32, #tpu.memory_space<vmem>>) offsets(%dma_start3A_59 : memref<64xi32, #tpu.memory_space<vmem>>) semaphore(%arg8 : memref<!tpu.dma_semaphore, #tpu.memory_space<semaphore_mem>>)
    %dma_wait3A_63 = arith.constant 3 : i32
    %dma_wait3A_64 = arith.constant 0 : i32
    %dma_wait3A_65 = tpu.memref_slice %arg5[%dma_wait3A_63, %dma_wait3A_64] : memref<5x64xi32, #tpu.memory_space<vmem>> -> memref<1x64xi32, #tpu.memory_space<vmem>>
    %dma_wait3A_66 = tpu.memref_squeeze %dma_wait3A_65 : memref<1x64xi32, #tpu.memory_space<vmem>> -> memref<64xi32, #tpu.memory_space<vmem>>
    %dma_wait3A_67 = arith.constant 0 : i32
    %dma_wait3A_68 = arith.constant 0 : i32
    %dma_wait3A_69 = tpu.memref_slice %arg2[%dma_wait3A_67, %dma_wait3A_68] : memref<100000x128xf32, #tpu.memory_space<hbm>> -> memref<100000x128xf32, #tpu.memory_space<hbm>>
    tpu.wait_indirect_dma semaphore(%arg9 : memref<!tpu.dma_semaphore, #tpu.memory_space<semaphore_mem>>) src(%dma_wait3A_69 : memref<100000x128xf32, #tpu.memory_space<hbm>>) dst(%arg7 : memref<64x128xf32, #tpu.memory_space<vmem>>)
    %add3A_70 = arith.constant 192 : i32
    %add3A_71 = arith.addi %mul3A_2, %add3A_70 : i32
    "tpu.region"() ({
      %run_scoped3A = tpu.sem_alloc : memref<!tpu.dma_semaphore, #tpu.memory_space<semaphore_mem>>
      %dma_start3A_81 = arith.constant 0 : i32
      %dma_start3A_82 = tpu.memref_slice %arg4[%add3A_71, %dma_start3A_81] : memref<10240x128xf32, #tpu.memory_space<hbm>> -> memref<64x128xf32, #tpu.memory_space<hbm>>
      %dma_start3A_83 = arith.constant 0 : i32
      %dma_start3A_84 = tpu.memref_slice %arg4[%add3A_71, %dma_start3A_83] : memref<10240x128xf32, #tpu.memory_space<hbm>> -> memref<64x128xf32, #tpu.memory_space<hbm>>
      tpu.enqueue_dma source(%arg7 : memref<64x128xf32, #tpu.memory_space<vmem>>) target(%dma_start3A_84 : memref<64x128xf32, #tpu.memory_space<hbm>>) target_semaphore(%run_scoped3A : memref<!tpu.dma_semaphore, #tpu.memory_space<semaphore_mem>>)
      %dma_wait3A_85 = arith.constant 0 : i32
      %dma_wait3A_86 = tpu.memref_slice %arg4[%add3A_71, %dma_wait3A_85] : memref<10240x128xf32, #tpu.memory_space<hbm>> -> memref<64x128xf32, #tpu.memory_space<hbm>>
      %dma_wait3A_87 = arith.constant 0 : i32
      %dma_wait3A_88 = tpu.memref_slice %arg4[%add3A_71, %dma_wait3A_87] : memref<10240x128xf32, #tpu.memory_space<hbm>> -> memref<64x128xf32, #tpu.memory_space<hbm>>
      tpu.wait_dma2 semaphore(%run_scoped3A : memref<!tpu.dma_semaphore, #tpu.memory_space<semaphore_mem>>) src(%arg7 : memref<64x128xf32, #tpu.memory_space<vmem>>) dst(%dma_wait3A_88 : memref<64x128xf32, #tpu.memory_space<hbm>>)
      tpu.yield
    }) : () -> ()
    %dma_wait3A_72 = arith.constant 4 : i32
    %dma_wait3A_73 = arith.constant 0 : i32
    %dma_wait3A_74 = tpu.memref_slice %arg5[%dma_wait3A_72, %dma_wait3A_73] : memref<5x64xi32, #tpu.memory_space<vmem>> -> memref<1x64xi32, #tpu.memory_space<vmem>>
    %dma_wait3A_75 = tpu.memref_squeeze %dma_wait3A_74 : memref<1x64xi32, #tpu.memory_space<vmem>> -> memref<64xi32, #tpu.memory_space<vmem>>
    %dma_wait3A_76 = arith.constant 0 : i32
    %dma_wait3A_77 = arith.constant 0 : i32
    %dma_wait3A_78 = tpu.memref_slice %arg2[%dma_wait3A_76, %dma_wait3A_77] : memref<100000x128xf32, #tpu.memory_space<hbm>> -> memref<100000x128xf32, #tpu.memory_space<hbm>>
    tpu.wait_indirect_dma semaphore(%arg8 : memref<!tpu.dma_semaphore, #tpu.memory_space<semaphore_mem>>) src(%dma_wait3A_78 : memref<100000x128xf32, #tpu.memory_space<hbm>>) dst(%arg6 : memref<64x128xf32, #tpu.memory_space<vmem>>)
    %add3A_79 = arith.constant 256 : i32
    %add3A_80 = arith.addi %mul3A_2, %add3A_79 : i32
    "tpu.region"() ({
      %run_scoped3A = tpu.sem_alloc : memref<!tpu.dma_semaphore, #tpu.memory_space<semaphore_mem>>
      %dma_start3A_81 = arith.constant 0 : i32
      %dma_start3A_82 = tpu.memref_slice %arg4[%add3A_80, %dma_start3A_81] : memref<10240x128xf32, #tpu.memory_space<hbm>> -> memref<64x128xf32, #tpu.memory_space<hbm>>
      %dma_start3A_83 = arith.constant 0 : i32
      %dma_start3A_84 = tpu.memref_slice %arg4[%add3A_80, %dma_start3A_83] : memref<10240x128xf32, #tpu.memory_space<hbm>> -> memref<64x128xf32, #tpu.memory_space<hbm>>
      tpu.enqueue_dma source(%arg6 : memref<64x128xf32, #tpu.memory_space<vmem>>) target(%dma_start3A_84 : memref<64x128xf32, #tpu.memory_space<hbm>>) target_semaphore(%run_scoped3A : memref<!tpu.dma_semaphore, #tpu.memory_space<semaphore_mem>>)
      %dma_wait3A_85 = arith.constant 0 : i32
      %dma_wait3A_86 = tpu.memref_slice %arg4[%add3A_80, %dma_wait3A_85] : memref<10240x128xf32, #tpu.memory_space<hbm>> -> memref<64x128xf32, #tpu.memory_space<hbm>>
      %dma_wait3A_87 = arith.constant 0 : i32
      %dma_wait3A_88 = tpu.memref_slice %arg4[%add3A_80, %dma_wait3A_87] : memref<10240x128xf32, #tpu.memory_space<hbm>> -> memref<64x128xf32, #tpu.memory_space<hbm>>
      tpu.wait_dma2 semaphore(%run_scoped3A : memref<!tpu.dma_semaphore, #tpu.memory_space<semaphore_mem>>) src(%arg6 : memref<64x128xf32, #tpu.memory_space<vmem>>) dst(%dma_wait3A_88 : memref<64x128xf32, #tpu.memory_space<hbm>>)
      tpu.yield
    }) : () -> ()
    return
  }
}

#map = affine_map<(d0, d1) -> (0, 0)>
#map1 = affine_map<(d0, d1) -> (0, 0, 0)>
module attributes {stable_mosaic.version = 14 : i64} {
  func.func @k(%arg0: i32, %arg1: i32, %arg2: memref<10240x128xf32, #tpu.memory_space<hbm>>, %arg3: memref<32x79x128xi32, #tpu.memory_space<hbm>>, %arg4: memref<32x79x128xi32, #tpu.memory_space<hbm>>, %arg5: memref<640x128xf32, #tpu.memory_space<hbm>>, %arg6: memref<20480x128xf32, #tpu.memory_space<hbm>>, %arg7: memref<79x128xi32, #tpu.memory_space<vmem>>, %arg8: memref<79x128xi32, #tpu.memory_space<vmem>>, %arg9: memref<128x128xf32, #tpu.memory_space<vmem>>, %arg10: memref<10240x128xf32, #tpu.memory_space<vmem_shared>>, %arg11: memref<!tpu.dma_semaphore, #tpu.memory_space<semaphore_mem>>) attributes {dimension_semantics = [#tpu.dimension_semantics<core_parallel>, #tpu.dimension_semantics<subcore_parallel>], iteration_bounds = array<i64: 2, 16>, scalar_prefetch = 0 : i64, scratch_operands = 5 : i64, tpu.core_type = #tpu.core_type<sc_vector_subcore>, window_params = [{transform_indices = #map}, {transform_indices = #map1}, {transform_indices = #map1}, {transform_indices = #map}, {transform_indices = #map}]} {
    %mul3A = arith.constant 2 : i32
    %mul3A_0 = arith.muli %arg1, %mul3A : i32
    %add3A = arith.addi %mul3A_0, %arg0 : i32
    %mul3A_1 = arith.constant 640 : i32
    %mul3A_2 = arith.muli %arg1, %mul3A_1 : i32
    "tpu.region"() ({
      %run_scoped3A = tpu.sem_alloc : memref<!tpu.dma_semaphore, #tpu.memory_space<semaphore_mem>>
      %dma_start3A = arith.constant 0 : i32
      %dma_start3A_16 = tpu.memref_slice %arg10[%mul3A_2, %dma_start3A] : memref<10240x128xf32, #tpu.memory_space<vmem_shared>> -> memref<640x128xf32, #tpu.memory_space<vmem_shared>>
      tpu.enqueue_dma source(%arg5 : memref<640x128xf32, #tpu.memory_space<hbm>>) target(%dma_start3A_16 : memref<640x128xf32, #tpu.memory_space<vmem_shared>>) target_semaphore(%run_scoped3A : memref<!tpu.dma_semaphore, #tpu.memory_space<semaphore_mem>>)
      %dma_wait3A = arith.constant 0 : i32
      %dma_wait3A_17 = tpu.memref_slice %arg10[%mul3A_2, %dma_wait3A] : memref<10240x128xf32, #tpu.memory_space<vmem_shared>> -> memref<640x128xf32, #tpu.memory_space<vmem_shared>>
      tpu.wait_dma2 semaphore(%run_scoped3A : memref<!tpu.dma_semaphore, #tpu.memory_space<semaphore_mem>>) src(%arg5 : memref<640x128xf32, #tpu.memory_space<hbm>>) dst(%dma_wait3A_17 : memref<640x128xf32, #tpu.memory_space<vmem_shared>>)
      tpu.yield
    }) : () -> ()
    "tpu.region"() ({
      %run_scoped3A = tpu.sem_alloc : memref<!tpu.dma_semaphore, #tpu.memory_space<semaphore_mem>>
      %dma_start3A = arith.constant 0 : i32
      %dma_start3A_16 = arith.constant 0 : i32
      %dma_start3A_17 = tpu.memref_slice %arg3[%add3A, %dma_start3A, %dma_start3A_16] : memref<32x79x128xi32, #tpu.memory_space<hbm>> -> memref<1x79x128xi32, #tpu.memory_space<hbm>>
      %dma_start3A_18 = tpu.memref_squeeze %dma_start3A_17 : memref<1x79x128xi32, #tpu.memory_space<hbm>> -> memref<79x128xi32, #tpu.memory_space<hbm>>
      %dma_start3A_19 = arith.constant 0 : i32
      %dma_start3A_20 = arith.constant 0 : i32
      %dma_start3A_21 = tpu.memref_slice %arg3[%add3A, %dma_start3A_19, %dma_start3A_20] : memref<32x79x128xi32, #tpu.memory_space<hbm>> -> memref<1x79x128xi32, #tpu.memory_space<hbm>>
      %dma_start3A_22 = tpu.memref_squeeze %dma_start3A_21 : memref<1x79x128xi32, #tpu.memory_space<hbm>> -> memref<79x128xi32, #tpu.memory_space<hbm>>
      tpu.enqueue_dma source(%dma_start3A_22 : memref<79x128xi32, #tpu.memory_space<hbm>>) target(%arg7 : memref<79x128xi32, #tpu.memory_space<vmem>>) target_semaphore(%run_scoped3A : memref<!tpu.dma_semaphore, #tpu.memory_space<semaphore_mem>>)
      %dma_wait3A = arith.constant 0 : i32
      %dma_wait3A_23 = arith.constant 0 : i32
      %dma_wait3A_24 = tpu.memref_slice %arg3[%add3A, %dma_wait3A, %dma_wait3A_23] : memref<32x79x128xi32, #tpu.memory_space<hbm>> -> memref<1x79x128xi32, #tpu.memory_space<hbm>>
      %dma_wait3A_25 = tpu.memref_squeeze %dma_wait3A_24 : memref<1x79x128xi32, #tpu.memory_space<hbm>> -> memref<79x128xi32, #tpu.memory_space<hbm>>
      %dma_wait3A_26 = arith.constant 0 : i32
      %dma_wait3A_27 = arith.constant 0 : i32
      %dma_wait3A_28 = tpu.memref_slice %arg3[%add3A, %dma_wait3A_26, %dma_wait3A_27] : memref<32x79x128xi32, #tpu.memory_space<hbm>> -> memref<1x79x128xi32, #tpu.memory_space<hbm>>
      %dma_wait3A_29 = tpu.memref_squeeze %dma_wait3A_28 : memref<1x79x128xi32, #tpu.memory_space<hbm>> -> memref<79x128xi32, #tpu.memory_space<hbm>>
      tpu.wait_dma2 semaphore(%run_scoped3A : memref<!tpu.dma_semaphore, #tpu.memory_space<semaphore_mem>>) src(%dma_wait3A_29 : memref<79x128xi32, #tpu.memory_space<hbm>>) dst(%arg7 : memref<79x128xi32, #tpu.memory_space<vmem>>)
      tpu.yield
    }) : () -> ()
    "tpu.region"() ({
      %run_scoped3A = tpu.sem_alloc : memref<!tpu.dma_semaphore, #tpu.memory_space<semaphore_mem>>
      %dma_start3A = arith.constant 0 : i32
      %dma_start3A_16 = arith.constant 0 : i32
      %dma_start3A_17 = tpu.memref_slice %arg4[%add3A, %dma_start3A, %dma_start3A_16] : memref<32x79x128xi32, #tpu.memory_space<hbm>> -> memref<1x79x128xi32, #tpu.memory_space<hbm>>
      %dma_start3A_18 = tpu.memref_squeeze %dma_start3A_17 : memref<1x79x128xi32, #tpu.memory_space<hbm>> -> memref<79x128xi32, #tpu.memory_space<hbm>>
      %dma_start3A_19 = arith.constant 0 : i32
      %dma_start3A_20 = arith.constant 0 : i32
      %dma_start3A_21 = tpu.memref_slice %arg4[%add3A, %dma_start3A_19, %dma_start3A_20] : memref<32x79x128xi32, #tpu.memory_space<hbm>> -> memref<1x79x128xi32, #tpu.memory_space<hbm>>
      %dma_start3A_22 = tpu.memref_squeeze %dma_start3A_21 : memref<1x79x128xi32, #tpu.memory_space<hbm>> -> memref<79x128xi32, #tpu.memory_space<hbm>>
      tpu.enqueue_dma source(%dma_start3A_22 : memref<79x128xi32, #tpu.memory_space<hbm>>) target(%arg8 : memref<79x128xi32, #tpu.memory_space<vmem>>) target_semaphore(%run_scoped3A : memref<!tpu.dma_semaphore, #tpu.memory_space<semaphore_mem>>)
      %dma_wait3A = arith.constant 0 : i32
      %dma_wait3A_23 = arith.constant 0 : i32
      %dma_wait3A_24 = tpu.memref_slice %arg4[%add3A, %dma_wait3A, %dma_wait3A_23] : memref<32x79x128xi32, #tpu.memory_space<hbm>> -> memref<1x79x128xi32, #tpu.memory_space<hbm>>
      %dma_wait3A_25 = tpu.memref_squeeze %dma_wait3A_24 : memref<1x79x128xi32, #tpu.memory_space<hbm>> -> memref<79x128xi32, #tpu.memory_space<hbm>>
      %dma_wait3A_26 = arith.constant 0 : i32
      %dma_wait3A_27 = arith.constant 0 : i32
      %dma_wait3A_28 = tpu.memref_slice %arg4[%add3A, %dma_wait3A_26, %dma_wait3A_27] : memref<32x79x128xi32, #tpu.memory_space<hbm>> -> memref<1x79x128xi32, #tpu.memory_space<hbm>>
      %dma_wait3A_29 = tpu.memref_squeeze %dma_wait3A_28 : memref<1x79x128xi32, #tpu.memory_space<hbm>> -> memref<79x128xi32, #tpu.memory_space<hbm>>
      tpu.wait_dma2 semaphore(%run_scoped3A : memref<!tpu.dma_semaphore, #tpu.memory_space<semaphore_mem>>) src(%dma_wait3A_29 : memref<79x128xi32, #tpu.memory_space<hbm>>) dst(%arg8 : memref<79x128xi32, #tpu.memory_space<vmem>>)
      tpu.yield
    }) : () -> ()
    %barrier3A = arith.constant 0 : index
    tpu.barrier barrier_id(%barrier3A)
    %scan3A = arith.constant 0 : i32
    %scan3A_3 = arith.constant 0 : i32
    %scan3A_4 = arith.constant 79 : i32
    %scan3A_5 = arith.addi %scan3A_3, %scan3A_4 : i32
    %scan3A_6 = arith.constant 1 : i32
    scf.for %scan3A_16 = %scan3A_3 to %scan3A_5 step %scan3A_6  : i32 {
      %dma_start3A = arith.constant 0 : i32
      %dma_start3A_17 = tpu.memref_slice %arg7[%scan3A_16, %dma_start3A] : memref<79x128xi32, #tpu.memory_space<vmem>> -> memref<1x128xi32, #tpu.memory_space<vmem>>
      %dma_start3A_18 = tpu.memref_squeeze %dma_start3A_17 : memref<1x128xi32, #tpu.memory_space<vmem>> -> memref<128xi32, #tpu.memory_space<vmem>>
      %dma_start3A_19 = arith.constant 0 : i32
      %dma_start3A_20 = arith.constant 0 : i32
      %dma_start3A_21 = tpu.memref_slice %arg2[%dma_start3A_19, %dma_start3A_20] : memref<10240x128xf32, #tpu.memory_space<hbm>> -> memref<10240x128xf32, #tpu.memory_space<hbm>>
      tpu.enqueue_indirect_dma source(%dma_start3A_21 : memref<10240x128xf32, #tpu.memory_space<hbm>>) target(%arg9 : memref<128x128xf32, #tpu.memory_space<vmem>>) offsets(%dma_start3A_18 : memref<128xi32, #tpu.memory_space<vmem>>) semaphore(%arg11 : memref<!tpu.dma_semaphore, #tpu.memory_space<semaphore_mem>>)
      %dma_wait3A = arith.constant 0 : i32
      %dma_wait3A_22 = tpu.memref_slice %arg7[%scan3A_16, %dma_wait3A] : memref<79x128xi32, #tpu.memory_space<vmem>> -> memref<1x128xi32, #tpu.memory_space<vmem>>
      %dma_wait3A_23 = tpu.memref_squeeze %dma_wait3A_22 : memref<1x128xi32, #tpu.memory_space<vmem>> -> memref<128xi32, #tpu.memory_space<vmem>>
      %dma_wait3A_24 = arith.constant 0 : i32
      %dma_wait3A_25 = arith.constant 0 : i32
      %dma_wait3A_26 = tpu.memref_slice %arg2[%dma_wait3A_24, %dma_wait3A_25] : memref<10240x128xf32, #tpu.memory_space<hbm>> -> memref<10240x128xf32, #tpu.memory_space<hbm>>
      tpu.wait_indirect_dma semaphore(%arg11 : memref<!tpu.dma_semaphore, #tpu.memory_space<semaphore_mem>>) src(%dma_wait3A_26 : memref<10240x128xf32, #tpu.memory_space<hbm>>) dst(%arg9 : memref<128x128xf32, #tpu.memory_space<vmem>>)
      "tpu.region"() ({
        %run_scoped3A = tpu.sem_alloc : memref<!tpu.dma_semaphore, #tpu.memory_space<semaphore_mem>>
        %dma_start3A_27 = arith.constant 0 : i32
        %dma_start3A_28 = tpu.memref_slice %arg8[%scan3A_16, %dma_start3A_27] : memref<79x128xi32, #tpu.memory_space<vmem>> -> memref<1x128xi32, #tpu.memory_space<vmem>>
        %dma_start3A_29 = tpu.memref_squeeze %dma_start3A_28 : memref<1x128xi32, #tpu.memory_space<vmem>> -> memref<128xi32, #tpu.memory_space<vmem>>
        %dma_start3A_30 = arith.constant 0 : i32
        %dma_start3A_31 = arith.constant 0 : i32
        %dma_start3A_32 = tpu.memref_slice %arg10[%dma_start3A_30, %dma_start3A_31] : memref<10240x128xf32, #tpu.memory_space<vmem_shared>> -> memref<10240x128xf32, #tpu.memory_space<vmem_shared>>
        tpu.enqueue_indirect_dma source(%arg9 : memref<128x128xf32, #tpu.memory_space<vmem>>) target(%dma_start3A_32 : memref<10240x128xf32, #tpu.memory_space<vmem_shared>>) offsets(%dma_start3A_29 : memref<128xi32, #tpu.memory_space<vmem>>) semaphore(%run_scoped3A : memref<!tpu.dma_semaphore, #tpu.memory_space<semaphore_mem>>) {add = true}
        %dma_wait3A_33 = arith.constant 0 : i32
        %dma_wait3A_34 = tpu.memref_slice %arg8[%scan3A_16, %dma_wait3A_33] : memref<79x128xi32, #tpu.memory_space<vmem>> -> memref<1x128xi32, #tpu.memory_space<vmem>>
        %dma_wait3A_35 = tpu.memref_squeeze %dma_wait3A_34 : memref<1x128xi32, #tpu.memory_space<vmem>> -> memref<128xi32, #tpu.memory_space<vmem>>
        %dma_wait3A_36 = arith.constant 0 : i32
        %dma_wait3A_37 = arith.constant 0 : i32
        %dma_wait3A_38 = tpu.memref_slice %arg10[%dma_wait3A_36, %dma_wait3A_37] : memref<10240x128xf32, #tpu.memory_space<vmem_shared>> -> memref<10240x128xf32, #tpu.memory_space<vmem_shared>>
        tpu.wait_indirect_dma semaphore(%run_scoped3A : memref<!tpu.dma_semaphore, #tpu.memory_space<semaphore_mem>>) src(%arg9 : memref<128x128xf32, #tpu.memory_space<vmem>>) dst(%dma_wait3A_38 : memref<10240x128xf32, #tpu.memory_space<vmem_shared>>)
        tpu.yield
      }) : () -> ()
    }
    %scan3A_7 = arith.constant 79 : i32
    %barrier3A_8 = arith.constant 0 : index
    tpu.barrier barrier_id(%barrier3A_8)
    %mul3A_9 = arith.constant 640 : i32
    %mul3A_10 = arith.muli %arg1, %mul3A_9 : i32
    %mul3A_11 = arith.constant 10240 : i32
    %mul3A_12 = arith.muli %arg0, %mul3A_11 : i32
    %mul3A_13 = arith.constant 640 : i32
    %mul3A_14 = arith.muli %arg1, %mul3A_13 : i32
    %add3A_15 = arith.addi %mul3A_12, %mul3A_14 : i32
    "tpu.region"() ({
      %run_scoped3A = tpu.sem_alloc : memref<!tpu.dma_semaphore, #tpu.memory_space<semaphore_mem>>
      %dma_start3A = arith.constant 0 : i32
      %dma_start3A_16 = tpu.memref_slice %arg6[%add3A_15, %dma_start3A] : memref<20480x128xf32, #tpu.memory_space<hbm>> -> memref<640x128xf32, #tpu.memory_space<hbm>>
      %dma_start3A_17 = arith.constant 0 : i32
      %dma_start3A_18 = tpu.memref_slice %arg10[%mul3A_10, %dma_start3A_17] : memref<10240x128xf32, #tpu.memory_space<vmem_shared>> -> memref<640x128xf32, #tpu.memory_space<vmem_shared>>
      tpu.enqueue_dma source(%dma_start3A_18 : memref<640x128xf32, #tpu.memory_space<vmem_shared>>) target(%dma_start3A_16 : memref<640x128xf32, #tpu.memory_space<hbm>>) target_semaphore(%run_scoped3A : memref<!tpu.dma_semaphore, #tpu.memory_space<semaphore_mem>>)
      %dma_wait3A = arith.constant 0 : i32
      %dma_wait3A_19 = tpu.memref_slice %arg6[%add3A_15, %dma_wait3A] : memref<20480x128xf32, #tpu.memory_space<hbm>> -> memref<640x128xf32, #tpu.memory_space<hbm>>
      %dma_wait3A_20 = arith.constant 0 : i32
      %dma_wait3A_21 = tpu.memref_slice %arg10[%mul3A_10, %dma_wait3A_20] : memref<10240x128xf32, #tpu.memory_space<vmem_shared>> -> memref<640x128xf32, #tpu.memory_space<vmem_shared>>
      tpu.wait_dma2 semaphore(%run_scoped3A : memref<!tpu.dma_semaphore, #tpu.memory_space<semaphore_mem>>) src(%dma_wait3A_21 : memref<640x128xf32, #tpu.memory_space<vmem_shared>>) dst(%dma_wait3A_19 : memref<640x128xf32, #tpu.memory_space<hbm>>)
      tpu.yield
    }) : () -> ()
    return
  }
}

#map = affine_map<(d0, d1) -> (0, 0)>
#map1 = affine_map<(d0, d1) -> (0, 0, 0)>
module attributes {stable_mosaic.version = 14 : i64} {
  func.func @k(%arg0: i32, %arg1: i32, %arg2: memref<10240x128xf32, #tpu.memory_space<hbm>>, %arg3: memref<32x79x128xi32, #tpu.memory_space<hbm>>, %arg4: memref<32x79x128xi32, #tpu.memory_space<hbm>>, %arg5: memref<640x128xf32, #tpu.memory_space<hbm>>, %arg6: memref<20480x128xf32, #tpu.memory_space<hbm>>, %arg7: memref<79x128xi32, #tpu.memory_space<vmem>>, %arg8: memref<79x128xi32, #tpu.memory_space<vmem>>, %arg9: memref<128x128xf32, #tpu.memory_space<vmem>>, %arg10: memref<10240x128xf32, #tpu.memory_space<vmem_shared>>, %arg11: memref<!tpu.dma_semaphore, #tpu.memory_space<semaphore_mem>>) attributes {dimension_semantics = [#tpu.dimension_semantics<core_parallel>, #tpu.dimension_semantics<subcore_parallel>], iteration_bounds = array<i64: 2, 16>, scalar_prefetch = 0 : i64, scratch_operands = 5 : i64, tpu.core_type = #tpu.core_type<sc_vector_subcore>, window_params = [{transform_indices = #map}, {transform_indices = #map1}, {transform_indices = #map1}, {transform_indices = #map}, {transform_indices = #map}]} {
    %mul3A = arith.constant 2 : i32
    %mul3A_0 = arith.muli %arg1, %mul3A : i32
    %add3A = arith.addi %mul3A_0, %arg0 : i32
    %mul3A_1 = arith.constant 640 : i32
    %mul3A_2 = arith.muli %arg1, %mul3A_1 : i32
    "tpu.region"() ({
      %run_scoped3A = tpu.sem_alloc : memref<!tpu.dma_semaphore, #tpu.memory_space<semaphore_mem>>
      %dma_start3A = arith.constant 0 : i32
      %dma_start3A_16 = tpu.memref_slice %arg10[%mul3A_2, %dma_start3A] : memref<10240x128xf32, #tpu.memory_space<vmem_shared>> -> memref<640x128xf32, #tpu.memory_space<vmem_shared>>
      tpu.enqueue_dma source(%arg5 : memref<640x128xf32, #tpu.memory_space<hbm>>) target(%dma_start3A_16 : memref<640x128xf32, #tpu.memory_space<vmem_shared>>) target_semaphore(%run_scoped3A : memref<!tpu.dma_semaphore, #tpu.memory_space<semaphore_mem>>)
      %dma_wait3A = arith.constant 0 : i32
      %dma_wait3A_17 = tpu.memref_slice %arg10[%mul3A_2, %dma_wait3A] : memref<10240x128xf32, #tpu.memory_space<vmem_shared>> -> memref<640x128xf32, #tpu.memory_space<vmem_shared>>
      tpu.wait_dma2 semaphore(%run_scoped3A : memref<!tpu.dma_semaphore, #tpu.memory_space<semaphore_mem>>) src(%arg5 : memref<640x128xf32, #tpu.memory_space<hbm>>) dst(%dma_wait3A_17 : memref<640x128xf32, #tpu.memory_space<vmem_shared>>)
      tpu.yield
    }) : () -> ()
    "tpu.region"() ({
      %run_scoped3A = tpu.sem_alloc : memref<!tpu.dma_semaphore, #tpu.memory_space<semaphore_mem>>
      %dma_start3A = arith.constant 0 : i32
      %dma_start3A_16 = arith.constant 0 : i32
      %dma_start3A_17 = tpu.memref_slice %arg3[%add3A, %dma_start3A, %dma_start3A_16] : memref<32x79x128xi32, #tpu.memory_space<hbm>> -> memref<1x79x128xi32, #tpu.memory_space<hbm>>
      %dma_start3A_18 = tpu.memref_squeeze %dma_start3A_17 : memref<1x79x128xi32, #tpu.memory_space<hbm>> -> memref<79x128xi32, #tpu.memory_space<hbm>>
      %dma_start3A_19 = arith.constant 0 : i32
      %dma_start3A_20 = arith.constant 0 : i32
      %dma_start3A_21 = tpu.memref_slice %arg3[%add3A, %dma_start3A_19, %dma_start3A_20] : memref<32x79x128xi32, #tpu.memory_space<hbm>> -> memref<1x79x128xi32, #tpu.memory_space<hbm>>
      %dma_start3A_22 = tpu.memref_squeeze %dma_start3A_21 : memref<1x79x128xi32, #tpu.memory_space<hbm>> -> memref<79x128xi32, #tpu.memory_space<hbm>>
      tpu.enqueue_dma source(%dma_start3A_22 : memref<79x128xi32, #tpu.memory_space<hbm>>) target(%arg7 : memref<79x128xi32, #tpu.memory_space<vmem>>) target_semaphore(%run_scoped3A : memref<!tpu.dma_semaphore, #tpu.memory_space<semaphore_mem>>)
      %dma_wait3A = arith.constant 0 : i32
      %dma_wait3A_23 = arith.constant 0 : i32
      %dma_wait3A_24 = tpu.memref_slice %arg3[%add3A, %dma_wait3A, %dma_wait3A_23] : memref<32x79x128xi32, #tpu.memory_space<hbm>> -> memref<1x79x128xi32, #tpu.memory_space<hbm>>
      %dma_wait3A_25 = tpu.memref_squeeze %dma_wait3A_24 : memref<1x79x128xi32, #tpu.memory_space<hbm>> -> memref<79x128xi32, #tpu.memory_space<hbm>>
      %dma_wait3A_26 = arith.constant 0 : i32
      %dma_wait3A_27 = arith.constant 0 : i32
      %dma_wait3A_28 = tpu.memref_slice %arg3[%add3A, %dma_wait3A_26, %dma_wait3A_27] : memref<32x79x128xi32, #tpu.memory_space<hbm>> -> memref<1x79x128xi32, #tpu.memory_space<hbm>>
      %dma_wait3A_29 = tpu.memref_squeeze %dma_wait3A_28 : memref<1x79x128xi32, #tpu.memory_space<hbm>> -> memref<79x128xi32, #tpu.memory_space<hbm>>
      tpu.wait_dma2 semaphore(%run_scoped3A : memref<!tpu.dma_semaphore, #tpu.memory_space<semaphore_mem>>) src(%dma_wait3A_29 : memref<79x128xi32, #tpu.memory_space<hbm>>) dst(%arg7 : memref<79x128xi32, #tpu.memory_space<vmem>>)
      tpu.yield
    }) : () -> ()
    "tpu.region"() ({
      %run_scoped3A = tpu.sem_alloc : memref<!tpu.dma_semaphore, #tpu.memory_space<semaphore_mem>>
      %dma_start3A = arith.constant 0 : i32
      %dma_start3A_16 = arith.constant 0 : i32
      %dma_start3A_17 = tpu.memref_slice %arg4[%add3A, %dma_start3A, %dma_start3A_16] : memref<32x79x128xi32, #tpu.memory_space<hbm>> -> memref<1x79x128xi32, #tpu.memory_space<hbm>>
      %dma_start3A_18 = tpu.memref_squeeze %dma_start3A_17 : memref<1x79x128xi32, #tpu.memory_space<hbm>> -> memref<79x128xi32, #tpu.memory_space<hbm>>
      %dma_start3A_19 = arith.constant 0 : i32
      %dma_start3A_20 = arith.constant 0 : i32
      %dma_start3A_21 = tpu.memref_slice %arg4[%add3A, %dma_start3A_19, %dma_start3A_20] : memref<32x79x128xi32, #tpu.memory_space<hbm>> -> memref<1x79x128xi32, #tpu.memory_space<hbm>>
      %dma_start3A_22 = tpu.memref_squeeze %dma_start3A_21 : memref<1x79x128xi32, #tpu.memory_space<hbm>> -> memref<79x128xi32, #tpu.memory_space<hbm>>
      tpu.enqueue_dma source(%dma_start3A_22 : memref<79x128xi32, #tpu.memory_space<hbm>>) target(%arg8 : memref<79x128xi32, #tpu.memory_space<vmem>>) target_semaphore(%run_scoped3A : memref<!tpu.dma_semaphore, #tpu.memory_space<semaphore_mem>>)
      %dma_wait3A = arith.constant 0 : i32
      %dma_wait3A_23 = arith.constant 0 : i32
      %dma_wait3A_24 = tpu.memref_slice %arg4[%add3A, %dma_wait3A, %dma_wait3A_23] : memref<32x79x128xi32, #tpu.memory_space<hbm>> -> memref<1x79x128xi32, #tpu.memory_space<hbm>>
      %dma_wait3A_25 = tpu.memref_squeeze %dma_wait3A_24 : memref<1x79x128xi32, #tpu.memory_space<hbm>> -> memref<79x128xi32, #tpu.memory_space<hbm>>
      %dma_wait3A_26 = arith.constant 0 : i32
      %dma_wait3A_27 = arith.constant 0 : i32
      %dma_wait3A_28 = tpu.memref_slice %arg4[%add3A, %dma_wait3A_26, %dma_wait3A_27] : memref<32x79x128xi32, #tpu.memory_space<hbm>> -> memref<1x79x128xi32, #tpu.memory_space<hbm>>
      %dma_wait3A_29 = tpu.memref_squeeze %dma_wait3A_28 : memref<1x79x128xi32, #tpu.memory_space<hbm>> -> memref<79x128xi32, #tpu.memory_space<hbm>>
      tpu.wait_dma2 semaphore(%run_scoped3A : memref<!tpu.dma_semaphore, #tpu.memory_space<semaphore_mem>>) src(%dma_wait3A_29 : memref<79x128xi32, #tpu.memory_space<hbm>>) dst(%arg8 : memref<79x128xi32, #tpu.memory_space<vmem>>)
      tpu.yield
    }) : () -> ()
    %barrier3A = arith.constant 0 : index
    tpu.barrier barrier_id(%barrier3A)
    %scan3A = arith.constant 0 : i32
    %scan3A_3 = arith.constant 0 : i32
    %scan3A_4 = arith.constant 79 : i32
    %scan3A_5 = arith.addi %scan3A_3, %scan3A_4 : i32
    %scan3A_6 = arith.constant 1 : i32
    scf.for %scan3A_16 = %scan3A_3 to %scan3A_5 step %scan3A_6  : i32 {
      %dma_start3A = arith.constant 0 : i32
      %dma_start3A_17 = tpu.memref_slice %arg7[%scan3A_16, %dma_start3A] : memref<79x128xi32, #tpu.memory_space<vmem>> -> memref<1x128xi32, #tpu.memory_space<vmem>>
      %dma_start3A_18 = tpu.memref_squeeze %dma_start3A_17 : memref<1x128xi32, #tpu.memory_space<vmem>> -> memref<128xi32, #tpu.memory_space<vmem>>
      %dma_start3A_19 = arith.constant 0 : i32
      %dma_start3A_20 = arith.constant 0 : i32
      %dma_start3A_21 = tpu.memref_slice %arg2[%dma_start3A_19, %dma_start3A_20] : memref<10240x128xf32, #tpu.memory_space<hbm>> -> memref<10240x128xf32, #tpu.memory_space<hbm>>
      tpu.enqueue_indirect_dma source(%dma_start3A_21 : memref<10240x128xf32, #tpu.memory_space<hbm>>) target(%arg9 : memref<128x128xf32, #tpu.memory_space<vmem>>) offsets(%dma_start3A_18 : memref<128xi32, #tpu.memory_space<vmem>>) semaphore(%arg11 : memref<!tpu.dma_semaphore, #tpu.memory_space<semaphore_mem>>)
      %dma_wait3A = arith.constant 0 : i32
      %dma_wait3A_22 = tpu.memref_slice %arg7[%scan3A_16, %dma_wait3A] : memref<79x128xi32, #tpu.memory_space<vmem>> -> memref<1x128xi32, #tpu.memory_space<vmem>>
      %dma_wait3A_23 = tpu.memref_squeeze %dma_wait3A_22 : memref<1x128xi32, #tpu.memory_space<vmem>> -> memref<128xi32, #tpu.memory_space<vmem>>
      %dma_wait3A_24 = arith.constant 0 : i32
      %dma_wait3A_25 = arith.constant 0 : i32
      %dma_wait3A_26 = tpu.memref_slice %arg2[%dma_wait3A_24, %dma_wait3A_25] : memref<10240x128xf32, #tpu.memory_space<hbm>> -> memref<10240x128xf32, #tpu.memory_space<hbm>>
      tpu.wait_indirect_dma semaphore(%arg11 : memref<!tpu.dma_semaphore, #tpu.memory_space<semaphore_mem>>) src(%dma_wait3A_26 : memref<10240x128xf32, #tpu.memory_space<hbm>>) dst(%arg9 : memref<128x128xf32, #tpu.memory_space<vmem>>)
      "tpu.region"() ({
        %run_scoped3A = tpu.sem_alloc : memref<!tpu.dma_semaphore, #tpu.memory_space<semaphore_mem>>
        %dma_start3A_27 = arith.constant 0 : i32
        %dma_start3A_28 = tpu.memref_slice %arg8[%scan3A_16, %dma_start3A_27] : memref<79x128xi32, #tpu.memory_space<vmem>> -> memref<1x128xi32, #tpu.memory_space<vmem>>
        %dma_start3A_29 = tpu.memref_squeeze %dma_start3A_28 : memref<1x128xi32, #tpu.memory_space<vmem>> -> memref<128xi32, #tpu.memory_space<vmem>>
        %dma_start3A_30 = arith.constant 0 : i32
        %dma_start3A_31 = arith.constant 0 : i32
        %dma_start3A_32 = tpu.memref_slice %arg10[%dma_start3A_30, %dma_start3A_31] : memref<10240x128xf32, #tpu.memory_space<vmem_shared>> -> memref<10240x128xf32, #tpu.memory_space<vmem_shared>>
        tpu.enqueue_indirect_dma source(%arg9 : memref<128x128xf32, #tpu.memory_space<vmem>>) target(%dma_start3A_32 : memref<10240x128xf32, #tpu.memory_space<vmem_shared>>) offsets(%dma_start3A_29 : memref<128xi32, #tpu.memory_space<vmem>>) semaphore(%run_scoped3A : memref<!tpu.dma_semaphore, #tpu.memory_space<semaphore_mem>>) {add = true}
        %dma_wait3A_33 = arith.constant 0 : i32
        %dma_wait3A_34 = tpu.memref_slice %arg8[%scan3A_16, %dma_wait3A_33] : memref<79x128xi32, #tpu.memory_space<vmem>> -> memref<1x128xi32, #tpu.memory_space<vmem>>
        %dma_wait3A_35 = tpu.memref_squeeze %dma_wait3A_34 : memref<1x128xi32, #tpu.memory_space<vmem>> -> memref<128xi32, #tpu.memory_space<vmem>>
        %dma_wait3A_36 = arith.constant 0 : i32
        %dma_wait3A_37 = arith.constant 0 : i32
        %dma_wait3A_38 = tpu.memref_slice %arg10[%dma_wait3A_36, %dma_wait3A_37] : memref<10240x128xf32, #tpu.memory_space<vmem_shared>> -> memref<10240x128xf32, #tpu.memory_space<vmem_shared>>
        tpu.wait_indirect_dma semaphore(%run_scoped3A : memref<!tpu.dma_semaphore, #tpu.memory_space<semaphore_mem>>) src(%arg9 : memref<128x128xf32, #tpu.memory_space<vmem>>) dst(%dma_wait3A_38 : memref<10240x128xf32, #tpu.memory_space<vmem_shared>>)
        tpu.yield
      }) : () -> ()
    }
    %scan3A_7 = arith.constant 79 : i32
    %barrier3A_8 = arith.constant 0 : index
    tpu.barrier barrier_id(%barrier3A_8)
    %mul3A_9 = arith.constant 640 : i32
    %mul3A_10 = arith.muli %arg1, %mul3A_9 : i32
    %mul3A_11 = arith.constant 10240 : i32
    %mul3A_12 = arith.muli %arg0, %mul3A_11 : i32
    %mul3A_13 = arith.constant 640 : i32
    %mul3A_14 = arith.muli %arg1, %mul3A_13 : i32
    %add3A_15 = arith.addi %mul3A_12, %mul3A_14 : i32
    "tpu.region"() ({
      %run_scoped3A = tpu.sem_alloc : memref<!tpu.dma_semaphore, #tpu.memory_space<semaphore_mem>>
      %dma_start3A = arith.constant 0 : i32
      %dma_start3A_16 = tpu.memref_slice %arg6[%add3A_15, %dma_start3A] : memref<20480x128xf32, #tpu.memory_space<hbm>> -> memref<640x128xf32, #tpu.memory_space<hbm>>
      %dma_start3A_17 = arith.constant 0 : i32
      %dma_start3A_18 = tpu.memref_slice %arg10[%mul3A_10, %dma_start3A_17] : memref<10240x128xf32, #tpu.memory_space<vmem_shared>> -> memref<640x128xf32, #tpu.memory_space<vmem_shared>>
      tpu.enqueue_dma source(%dma_start3A_18 : memref<640x128xf32, #tpu.memory_space<vmem_shared>>) target(%dma_start3A_16 : memref<640x128xf32, #tpu.memory_space<hbm>>) target_semaphore(%run_scoped3A : memref<!tpu.dma_semaphore, #tpu.memory_space<semaphore_mem>>)
      %dma_wait3A = arith.constant 0 : i32
      %dma_wait3A_19 = tpu.memref_slice %arg6[%add3A_15, %dma_wait3A] : memref<20480x128xf32, #tpu.memory_space<hbm>> -> memref<640x128xf32, #tpu.memory_space<hbm>>
      %dma_wait3A_20 = arith.constant 0 : i32
      %dma_wait3A_21 = tpu.memref_slice %arg10[%mul3A_10, %dma_wait3A_20] : memref<10240x128xf32, #tpu.memory_space<vmem_shared>> -> memref<640x128xf32, #tpu.memory_space<vmem_shared>>
      tpu.wait_dma2 semaphore(%run_scoped3A : memref<!tpu.dma_semaphore, #tpu.memory_space<semaphore_mem>>) src(%dma_wait3A_21 : memref<640x128xf32, #tpu.memory_space<vmem_shared>>) dst(%dma_wait3A_19 : memref<640x128xf32, #tpu.memory_space<hbm>>)
      tpu.yield
    }) : () -> ()
    return
  }
}

#map = affine_map<(d0, d1) -> (0, 0)>
#map1 = affine_map<(d0, d1) -> (0, 0, 0)>
module attributes {stable_mosaic.version = 14 : i64} {
  func.func @k(%arg0: i32, %arg1: i32, %arg2: memref<10240x128xf32, #tpu.memory_space<hbm>>, %arg3: memref<32x79x128xi32, #tpu.memory_space<hbm>>, %arg4: memref<32x79x128xi32, #tpu.memory_space<hbm>>, %arg5: memref<640x128xf32, #tpu.memory_space<hbm>>, %arg6: memref<20480x128xf32, #tpu.memory_space<hbm>>, %arg7: memref<79x128xi32, #tpu.memory_space<vmem>>, %arg8: memref<79x128xi32, #tpu.memory_space<vmem>>, %arg9: memref<128x128xf32, #tpu.memory_space<vmem>>, %arg10: memref<10240x128xf32, #tpu.memory_space<vmem_shared>>, %arg11: memref<!tpu.dma_semaphore, #tpu.memory_space<semaphore_mem>>) attributes {dimension_semantics = [#tpu.dimension_semantics<core_parallel>, #tpu.dimension_semantics<subcore_parallel>], iteration_bounds = array<i64: 2, 16>, scalar_prefetch = 0 : i64, scratch_operands = 5 : i64, tpu.core_type = #tpu.core_type<sc_vector_subcore>, window_params = [{transform_indices = #map}, {transform_indices = #map1}, {transform_indices = #map1}, {transform_indices = #map}, {transform_indices = #map}]} {
    %mul3A = arith.constant 2 : i32
    %mul3A_0 = arith.muli %arg1, %mul3A : i32
    %add3A = arith.addi %mul3A_0, %arg0 : i32
    %mul3A_1 = arith.constant 640 : i32
    %mul3A_2 = arith.muli %arg1, %mul3A_1 : i32
    "tpu.region"() ({
      %run_scoped3A = tpu.sem_alloc : memref<!tpu.dma_semaphore, #tpu.memory_space<semaphore_mem>>
      %dma_start3A = arith.constant 0 : i32
      %dma_start3A_16 = tpu.memref_slice %arg10[%mul3A_2, %dma_start3A] : memref<10240x128xf32, #tpu.memory_space<vmem_shared>> -> memref<640x128xf32, #tpu.memory_space<vmem_shared>>
      tpu.enqueue_dma source(%arg5 : memref<640x128xf32, #tpu.memory_space<hbm>>) target(%dma_start3A_16 : memref<640x128xf32, #tpu.memory_space<vmem_shared>>) target_semaphore(%run_scoped3A : memref<!tpu.dma_semaphore, #tpu.memory_space<semaphore_mem>>)
      %dma_wait3A = arith.constant 0 : i32
      %dma_wait3A_17 = tpu.memref_slice %arg10[%mul3A_2, %dma_wait3A] : memref<10240x128xf32, #tpu.memory_space<vmem_shared>> -> memref<640x128xf32, #tpu.memory_space<vmem_shared>>
      tpu.wait_dma2 semaphore(%run_scoped3A : memref<!tpu.dma_semaphore, #tpu.memory_space<semaphore_mem>>) src(%arg5 : memref<640x128xf32, #tpu.memory_space<hbm>>) dst(%dma_wait3A_17 : memref<640x128xf32, #tpu.memory_space<vmem_shared>>)
      tpu.yield
    }) : () -> ()
    "tpu.region"() ({
      %run_scoped3A = tpu.sem_alloc : memref<!tpu.dma_semaphore, #tpu.memory_space<semaphore_mem>>
      %dma_start3A = arith.constant 0 : i32
      %dma_start3A_16 = arith.constant 0 : i32
      %dma_start3A_17 = tpu.memref_slice %arg3[%add3A, %dma_start3A, %dma_start3A_16] : memref<32x79x128xi32, #tpu.memory_space<hbm>> -> memref<1x79x128xi32, #tpu.memory_space<hbm>>
      %dma_start3A_18 = tpu.memref_squeeze %dma_start3A_17 : memref<1x79x128xi32, #tpu.memory_space<hbm>> -> memref<79x128xi32, #tpu.memory_space<hbm>>
      %dma_start3A_19 = arith.constant 0 : i32
      %dma_start3A_20 = arith.constant 0 : i32
      %dma_start3A_21 = tpu.memref_slice %arg3[%add3A, %dma_start3A_19, %dma_start3A_20] : memref<32x79x128xi32, #tpu.memory_space<hbm>> -> memref<1x79x128xi32, #tpu.memory_space<hbm>>
      %dma_start3A_22 = tpu.memref_squeeze %dma_start3A_21 : memref<1x79x128xi32, #tpu.memory_space<hbm>> -> memref<79x128xi32, #tpu.memory_space<hbm>>
      tpu.enqueue_dma source(%dma_start3A_22 : memref<79x128xi32, #tpu.memory_space<hbm>>) target(%arg7 : memref<79x128xi32, #tpu.memory_space<vmem>>) target_semaphore(%run_scoped3A : memref<!tpu.dma_semaphore, #tpu.memory_space<semaphore_mem>>)
      %dma_wait3A = arith.constant 0 : i32
      %dma_wait3A_23 = arith.constant 0 : i32
      %dma_wait3A_24 = tpu.memref_slice %arg3[%add3A, %dma_wait3A, %dma_wait3A_23] : memref<32x79x128xi32, #tpu.memory_space<hbm>> -> memref<1x79x128xi32, #tpu.memory_space<hbm>>
      %dma_wait3A_25 = tpu.memref_squeeze %dma_wait3A_24 : memref<1x79x128xi32, #tpu.memory_space<hbm>> -> memref<79x128xi32, #tpu.memory_space<hbm>>
      %dma_wait3A_26 = arith.constant 0 : i32
      %dma_wait3A_27 = arith.constant 0 : i32
      %dma_wait3A_28 = tpu.memref_slice %arg3[%add3A, %dma_wait3A_26, %dma_wait3A_27] : memref<32x79x128xi32, #tpu.memory_space<hbm>> -> memref<1x79x128xi32, #tpu.memory_space<hbm>>
      %dma_wait3A_29 = tpu.memref_squeeze %dma_wait3A_28 : memref<1x79x128xi32, #tpu.memory_space<hbm>> -> memref<79x128xi32, #tpu.memory_space<hbm>>
      tpu.wait_dma2 semaphore(%run_scoped3A : memref<!tpu.dma_semaphore, #tpu.memory_space<semaphore_mem>>) src(%dma_wait3A_29 : memref<79x128xi32, #tpu.memory_space<hbm>>) dst(%arg7 : memref<79x128xi32, #tpu.memory_space<vmem>>)
      tpu.yield
    }) : () -> ()
    "tpu.region"() ({
      %run_scoped3A = tpu.sem_alloc : memref<!tpu.dma_semaphore, #tpu.memory_space<semaphore_mem>>
      %dma_start3A = arith.constant 0 : i32
      %dma_start3A_16 = arith.constant 0 : i32
      %dma_start3A_17 = tpu.memref_slice %arg4[%add3A, %dma_start3A, %dma_start3A_16] : memref<32x79x128xi32, #tpu.memory_space<hbm>> -> memref<1x79x128xi32, #tpu.memory_space<hbm>>
      %dma_start3A_18 = tpu.memref_squeeze %dma_start3A_17 : memref<1x79x128xi32, #tpu.memory_space<hbm>> -> memref<79x128xi32, #tpu.memory_space<hbm>>
      %dma_start3A_19 = arith.constant 0 : i32
      %dma_start3A_20 = arith.constant 0 : i32
      %dma_start3A_21 = tpu.memref_slice %arg4[%add3A, %dma_start3A_19, %dma_start3A_20] : memref<32x79x128xi32, #tpu.memory_space<hbm>> -> memref<1x79x128xi32, #tpu.memory_space<hbm>>
      %dma_start3A_22 = tpu.memref_squeeze %dma_start3A_21 : memref<1x79x128xi32, #tpu.memory_space<hbm>> -> memref<79x128xi32, #tpu.memory_space<hbm>>
      tpu.enqueue_dma source(%dma_start3A_22 : memref<79x128xi32, #tpu.memory_space<hbm>>) target(%arg8 : memref<79x128xi32, #tpu.memory_space<vmem>>) target_semaphore(%run_scoped3A : memref<!tpu.dma_semaphore, #tpu.memory_space<semaphore_mem>>)
      %dma_wait3A = arith.constant 0 : i32
      %dma_wait3A_23 = arith.constant 0 : i32
      %dma_wait3A_24 = tpu.memref_slice %arg4[%add3A, %dma_wait3A, %dma_wait3A_23] : memref<32x79x128xi32, #tpu.memory_space<hbm>> -> memref<1x79x128xi32, #tpu.memory_space<hbm>>
      %dma_wait3A_25 = tpu.memref_squeeze %dma_wait3A_24 : memref<1x79x128xi32, #tpu.memory_space<hbm>> -> memref<79x128xi32, #tpu.memory_space<hbm>>
      %dma_wait3A_26 = arith.constant 0 : i32
      %dma_wait3A_27 = arith.constant 0 : i32
      %dma_wait3A_28 = tpu.memref_slice %arg4[%add3A, %dma_wait3A_26, %dma_wait3A_27] : memref<32x79x128xi32, #tpu.memory_space<hbm>> -> memref<1x79x128xi32, #tpu.memory_space<hbm>>
      %dma_wait3A_29 = tpu.memref_squeeze %dma_wait3A_28 : memref<1x79x128xi32, #tpu.memory_space<hbm>> -> memref<79x128xi32, #tpu.memory_space<hbm>>
      tpu.wait_dma2 semaphore(%run_scoped3A : memref<!tpu.dma_semaphore, #tpu.memory_space<semaphore_mem>>) src(%dma_wait3A_29 : memref<79x128xi32, #tpu.memory_space<hbm>>) dst(%arg8 : memref<79x128xi32, #tpu.memory_space<vmem>>)
      tpu.yield
    }) : () -> ()
    %barrier3A = arith.constant 0 : index
    tpu.barrier barrier_id(%barrier3A)
    %scan3A = arith.constant 0 : i32
    %scan3A_3 = arith.constant 0 : i32
    %scan3A_4 = arith.constant 79 : i32
    %scan3A_5 = arith.addi %scan3A_3, %scan3A_4 : i32
    %scan3A_6 = arith.constant 1 : i32
    scf.for %scan3A_16 = %scan3A_3 to %scan3A_5 step %scan3A_6  : i32 {
      %dma_start3A = arith.constant 0 : i32
      %dma_start3A_17 = tpu.memref_slice %arg7[%scan3A_16, %dma_start3A] : memref<79x128xi32, #tpu.memory_space<vmem>> -> memref<1x128xi32, #tpu.memory_space<vmem>>
      %dma_start3A_18 = tpu.memref_squeeze %dma_start3A_17 : memref<1x128xi32, #tpu.memory_space<vmem>> -> memref<128xi32, #tpu.memory_space<vmem>>
      %dma_start3A_19 = arith.constant 0 : i32
      %dma_start3A_20 = arith.constant 0 : i32
      %dma_start3A_21 = tpu.memref_slice %arg2[%dma_start3A_19, %dma_start3A_20] : memref<10240x128xf32, #tpu.memory_space<hbm>> -> memref<10240x128xf32, #tpu.memory_space<hbm>>
      tpu.enqueue_indirect_dma source(%dma_start3A_21 : memref<10240x128xf32, #tpu.memory_space<hbm>>) target(%arg9 : memref<128x128xf32, #tpu.memory_space<vmem>>) offsets(%dma_start3A_18 : memref<128xi32, #tpu.memory_space<vmem>>) semaphore(%arg11 : memref<!tpu.dma_semaphore, #tpu.memory_space<semaphore_mem>>)
      %dma_wait3A = arith.constant 0 : i32
      %dma_wait3A_22 = tpu.memref_slice %arg7[%scan3A_16, %dma_wait3A] : memref<79x128xi32, #tpu.memory_space<vmem>> -> memref<1x128xi32, #tpu.memory_space<vmem>>
      %dma_wait3A_23 = tpu.memref_squeeze %dma_wait3A_22 : memref<1x128xi32, #tpu.memory_space<vmem>> -> memref<128xi32, #tpu.memory_space<vmem>>
      %dma_wait3A_24 = arith.constant 0 : i32
      %dma_wait3A_25 = arith.constant 0 : i32
      %dma_wait3A_26 = tpu.memref_slice %arg2[%dma_wait3A_24, %dma_wait3A_25] : memref<10240x128xf32, #tpu.memory_space<hbm>> -> memref<10240x128xf32, #tpu.memory_space<hbm>>
      tpu.wait_indirect_dma semaphore(%arg11 : memref<!tpu.dma_semaphore, #tpu.memory_space<semaphore_mem>>) src(%dma_wait3A_26 : memref<10240x128xf32, #tpu.memory_space<hbm>>) dst(%arg9 : memref<128x128xf32, #tpu.memory_space<vmem>>)
      "tpu.region"() ({
        %run_scoped3A = tpu.sem_alloc : memref<!tpu.dma_semaphore, #tpu.memory_space<semaphore_mem>>
        %dma_start3A_27 = arith.constant 0 : i32
        %dma_start3A_28 = tpu.memref_slice %arg8[%scan3A_16, %dma_start3A_27] : memref<79x128xi32, #tpu.memory_space<vmem>> -> memref<1x128xi32, #tpu.memory_space<vmem>>
        %dma_start3A_29 = tpu.memref_squeeze %dma_start3A_28 : memref<1x128xi32, #tpu.memory_space<vmem>> -> memref<128xi32, #tpu.memory_space<vmem>>
        %dma_start3A_30 = arith.constant 0 : i32
        %dma_start3A_31 = arith.constant 0 : i32
        %dma_start3A_32 = tpu.memref_slice %arg10[%dma_start3A_30, %dma_start3A_31] : memref<10240x128xf32, #tpu.memory_space<vmem_shared>> -> memref<10240x128xf32, #tpu.memory_space<vmem_shared>>
        tpu.enqueue_indirect_dma source(%arg9 : memref<128x128xf32, #tpu.memory_space<vmem>>) target(%dma_start3A_32 : memref<10240x128xf32, #tpu.memory_space<vmem_shared>>) offsets(%dma_start3A_29 : memref<128xi32, #tpu.memory_space<vmem>>) semaphore(%run_scoped3A : memref<!tpu.dma_semaphore, #tpu.memory_space<semaphore_mem>>) {add = true}
        %dma_wait3A_33 = arith.constant 0 : i32
        %dma_wait3A_34 = tpu.memref_slice %arg8[%scan3A_16, %dma_wait3A_33] : memref<79x128xi32, #tpu.memory_space<vmem>> -> memref<1x128xi32, #tpu.memory_space<vmem>>
        %dma_wait3A_35 = tpu.memref_squeeze %dma_wait3A_34 : memref<1x128xi32, #tpu.memory_space<vmem>> -> memref<128xi32, #tpu.memory_space<vmem>>
        %dma_wait3A_36 = arith.constant 0 : i32
        %dma_wait3A_37 = arith.constant 0 : i32
        %dma_wait3A_38 = tpu.memref_slice %arg10[%dma_wait3A_36, %dma_wait3A_37] : memref<10240x128xf32, #tpu.memory_space<vmem_shared>> -> memref<10240x128xf32, #tpu.memory_space<vmem_shared>>
        tpu.wait_indirect_dma semaphore(%run_scoped3A : memref<!tpu.dma_semaphore, #tpu.memory_space<semaphore_mem>>) src(%arg9 : memref<128x128xf32, #tpu.memory_space<vmem>>) dst(%dma_wait3A_38 : memref<10240x128xf32, #tpu.memory_space<vmem_shared>>)
        tpu.yield
      }) : () -> ()
    }
    %scan3A_7 = arith.constant 79 : i32
    %barrier3A_8 = arith.constant 0 : index
    tpu.barrier barrier_id(%barrier3A_8)
    %mul3A_9 = arith.constant 640 : i32
    %mul3A_10 = arith.muli %arg1, %mul3A_9 : i32
    %mul3A_11 = arith.constant 10240 : i32
    %mul3A_12 = arith.muli %arg0, %mul3A_11 : i32
    %mul3A_13 = arith.constant 640 : i32
    %mul3A_14 = arith.muli %arg1, %mul3A_13 : i32
    %add3A_15 = arith.addi %mul3A_12, %mul3A_14 : i32
    "tpu.region"() ({
      %run_scoped3A = tpu.sem_alloc : memref<!tpu.dma_semaphore, #tpu.memory_space<semaphore_mem>>
      %dma_start3A = arith.constant 0 : i32
      %dma_start3A_16 = tpu.memref_slice %arg6[%add3A_15, %dma_start3A] : memref<20480x128xf32, #tpu.memory_space<hbm>> -> memref<640x128xf32, #tpu.memory_space<hbm>>
      %dma_start3A_17 = arith.constant 0 : i32
      %dma_start3A_18 = tpu.memref_slice %arg10[%mul3A_10, %dma_start3A_17] : memref<10240x128xf32, #tpu.memory_space<vmem_shared>> -> memref<640x128xf32, #tpu.memory_space<vmem_shared>>
      tpu.enqueue_dma source(%dma_start3A_18 : memref<640x128xf32, #tpu.memory_space<vmem_shared>>) target(%dma_start3A_16 : memref<640x128xf32, #tpu.memory_space<hbm>>) target_semaphore(%run_scoped3A : memref<!tpu.dma_semaphore, #tpu.memory_space<semaphore_mem>>)
      %dma_wait3A = arith.constant 0 : i32
      %dma_wait3A_19 = tpu.memref_slice %arg6[%add3A_15, %dma_wait3A] : memref<20480x128xf32, #tpu.memory_space<hbm>> -> memref<640x128xf32, #tpu.memory_space<hbm>>
      %dma_wait3A_20 = arith.constant 0 : i32
      %dma_wait3A_21 = tpu.memref_slice %arg10[%mul3A_10, %dma_wait3A_20] : memref<10240x128xf32, #tpu.memory_space<vmem_shared>> -> memref<640x128xf32, #tpu.memory_space<vmem_shared>>
      tpu.wait_dma2 semaphore(%run_scoped3A : memref<!tpu.dma_semaphore, #tpu.memory_space<semaphore_mem>>) src(%dma_wait3A_21 : memref<640x128xf32, #tpu.memory_space<vmem_shared>>) dst(%dma_wait3A_19 : memref<640x128xf32, #tpu.memory_space<hbm>>)
      tpu.yield
    }) : () -> ()
    return
  }
}

#map = affine_map<(d0, d1) -> (0, 0)>
#map1 = affine_map<(d0, d1) -> (0, 0, 0)>
module attributes {stable_mosaic.version = 14 : i64} {
  func.func @k(%arg0: i32, %arg1: i32, %arg2: memref<100000x128xf32, #tpu.memory_space<hbm>>, %arg3: memref<32x2x128xi32, #tpu.memory_space<hbm>>, %arg4: memref<8192x128xf32, #tpu.memory_space<hbm>>, %arg5: memref<2x128xi32, #tpu.memory_space<vmem>>, %arg6: memref<128x128xf32, #tpu.memory_space<vmem>>, %arg7: memref<128x128xf32, #tpu.memory_space<vmem>>, %arg8: memref<!tpu.dma_semaphore, #tpu.memory_space<semaphore_mem>>, %arg9: memref<!tpu.dma_semaphore, #tpu.memory_space<semaphore_mem>>) attributes {dimension_semantics = [#tpu.dimension_semantics<core_parallel>, #tpu.dimension_semantics<subcore_parallel>], iteration_bounds = array<i64: 2, 16>, scalar_prefetch = 0 : i64, scratch_operands = 5 : i64, tpu.core_type = #tpu.core_type<sc_vector_subcore>, window_params = [{transform_indices = #map}, {transform_indices = #map1}, {transform_indices = #map}]} {
    %mul3A = arith.constant 2 : i32
    %mul3A_0 = arith.muli %arg1, %mul3A : i32
    %add3A = arith.addi %mul3A_0, %arg0 : i32
    "tpu.region"() ({
      %run_scoped3A = tpu.sem_alloc : memref<!tpu.dma_semaphore, #tpu.memory_space<semaphore_mem>>
      %dma_start3A_33 = arith.constant 0 : i32
      %dma_start3A_34 = arith.constant 0 : i32
      %dma_start3A_35 = tpu.memref_slice %arg3[%add3A, %dma_start3A_33, %dma_start3A_34] : memref<32x2x128xi32, #tpu.memory_space<hbm>> -> memref<1x2x128xi32, #tpu.memory_space<hbm>>
      %dma_start3A_36 = tpu.memref_squeeze %dma_start3A_35 : memref<1x2x128xi32, #tpu.memory_space<hbm>> -> memref<2x128xi32, #tpu.memory_space<hbm>>
      %dma_start3A_37 = arith.constant 0 : i32
      %dma_start3A_38 = arith.constant 0 : i32
      %dma_start3A_39 = tpu.memref_slice %arg3[%add3A, %dma_start3A_37, %dma_start3A_38] : memref<32x2x128xi32, #tpu.memory_space<hbm>> -> memref<1x2x128xi32, #tpu.memory_space<hbm>>
      %dma_start3A_40 = tpu.memref_squeeze %dma_start3A_39 : memref<1x2x128xi32, #tpu.memory_space<hbm>> -> memref<2x128xi32, #tpu.memory_space<hbm>>
      tpu.enqueue_dma source(%dma_start3A_40 : memref<2x128xi32, #tpu.memory_space<hbm>>) target(%arg5 : memref<2x128xi32, #tpu.memory_space<vmem>>) target_semaphore(%run_scoped3A : memref<!tpu.dma_semaphore, #tpu.memory_space<semaphore_mem>>)
      %dma_wait3A_41 = arith.constant 0 : i32
      %dma_wait3A_42 = arith.constant 0 : i32
      %dma_wait3A_43 = tpu.memref_slice %arg3[%add3A, %dma_wait3A_41, %dma_wait3A_42] : memref<32x2x128xi32, #tpu.memory_space<hbm>> -> memref<1x2x128xi32, #tpu.memory_space<hbm>>
      %dma_wait3A_44 = tpu.memref_squeeze %dma_wait3A_43 : memref<1x2x128xi32, #tpu.memory_space<hbm>> -> memref<2x128xi32, #tpu.memory_space<hbm>>
      %dma_wait3A_45 = arith.constant 0 : i32
      %dma_wait3A_46 = arith.constant 0 : i32
      %dma_wait3A_47 = tpu.memref_slice %arg3[%add3A, %dma_wait3A_45, %dma_wait3A_46] : memref<32x2x128xi32, #tpu.memory_space<hbm>> -> memref<1x2x128xi32, #tpu.memory_space<hbm>>
      %dma_wait3A_48 = tpu.memref_squeeze %dma_wait3A_47 : memref<1x2x128xi32, #tpu.memory_space<hbm>> -> memref<2x128xi32, #tpu.memory_space<hbm>>
      tpu.wait_dma2 semaphore(%run_scoped3A : memref<!tpu.dma_semaphore, #tpu.memory_space<semaphore_mem>>) src(%dma_wait3A_48 : memref<2x128xi32, #tpu.memory_space<hbm>>) dst(%arg5 : memref<2x128xi32, #tpu.memory_space<vmem>>)
      tpu.yield
    }) : () -> ()
    %mul3A_1 = arith.constant 256 : i32
    %mul3A_2 = arith.muli %add3A, %mul3A_1 : i32
    %dma_start3A = arith.constant 0 : i32
    %dma_start3A_3 = arith.constant 0 : i32
    %dma_start3A_4 = tpu.memref_slice %arg5[%dma_start3A, %dma_start3A_3] : memref<2x128xi32, #tpu.memory_space<vmem>> -> memref<1x128xi32, #tpu.memory_space<vmem>>
    %dma_start3A_5 = tpu.memref_squeeze %dma_start3A_4 : memref<1x128xi32, #tpu.memory_space<vmem>> -> memref<128xi32, #tpu.memory_space<vmem>>
    %dma_start3A_6 = arith.constant 0 : i32
    %dma_start3A_7 = arith.constant 0 : i32
    %dma_start3A_8 = tpu.memref_slice %arg2[%dma_start3A_6, %dma_start3A_7] : memref<100000x128xf32, #tpu.memory_space<hbm>> -> memref<100000x128xf32, #tpu.memory_space<hbm>>
    tpu.enqueue_indirect_dma source(%dma_start3A_8 : memref<100000x128xf32, #tpu.memory_space<hbm>>) target(%arg6 : memref<128x128xf32, #tpu.memory_space<vmem>>) offsets(%dma_start3A_5 : memref<128xi32, #tpu.memory_space<vmem>>) semaphore(%arg8 : memref<!tpu.dma_semaphore, #tpu.memory_space<semaphore_mem>>)
    %dma_start3A_9 = arith.constant 1 : i32
    %dma_start3A_10 = arith.constant 0 : i32
    %dma_start3A_11 = tpu.memref_slice %arg5[%dma_start3A_9, %dma_start3A_10] : memref<2x128xi32, #tpu.memory_space<vmem>> -> memref<1x128xi32, #tpu.memory_space<vmem>>
    %dma_start3A_12 = tpu.memref_squeeze %dma_start3A_11 : memref<1x128xi32, #tpu.memory_space<vmem>> -> memref<128xi32, #tpu.memory_space<vmem>>
    %dma_start3A_13 = arith.constant 0 : i32
    %dma_start3A_14 = arith.constant 0 : i32
    %dma_start3A_15 = tpu.memref_slice %arg2[%dma_start3A_13, %dma_start3A_14] : memref<100000x128xf32, #tpu.memory_space<hbm>> -> memref<100000x128xf32, #tpu.memory_space<hbm>>
    tpu.enqueue_indirect_dma source(%dma_start3A_15 : memref<100000x128xf32, #tpu.memory_space<hbm>>) target(%arg7 : memref<128x128xf32, #tpu.memory_space<vmem>>) offsets(%dma_start3A_12 : memref<128xi32, #tpu.memory_space<vmem>>) semaphore(%arg9 : memref<!tpu.dma_semaphore, #tpu.memory_space<semaphore_mem>>)
    %dma_wait3A = arith.constant 0 : i32
    %dma_wait3A_16 = arith.constant 0 : i32
    %dma_wait3A_17 = tpu.memref_slice %arg5[%dma_wait3A, %dma_wait3A_16] : memref<2x128xi32, #tpu.memory_space<vmem>> -> memref<1x128xi32, #tpu.memory_space<vmem>>
    %dma_wait3A_18 = tpu.memref_squeeze %dma_wait3A_17 : memref<1x128xi32, #tpu.memory_space<vmem>> -> memref<128xi32, #tpu.memory_space<vmem>>
    %dma_wait3A_19 = arith.constant 0 : i32
    %dma_wait3A_20 = arith.constant 0 : i32
    %dma_wait3A_21 = tpu.memref_slice %arg2[%dma_wait3A_19, %dma_wait3A_20] : memref<100000x128xf32, #tpu.memory_space<hbm>> -> memref<100000x128xf32, #tpu.memory_space<hbm>>
    tpu.wait_indirect_dma semaphore(%arg8 : memref<!tpu.dma_semaphore, #tpu.memory_space<semaphore_mem>>) src(%dma_wait3A_21 : memref<100000x128xf32, #tpu.memory_space<hbm>>) dst(%arg6 : memref<128x128xf32, #tpu.memory_space<vmem>>)
    %add3A_22 = arith.constant 0 : i32
    %add3A_23 = arith.addi %mul3A_2, %add3A_22 : i32
    "tpu.region"() ({
      %run_scoped3A = tpu.sem_alloc : memref<!tpu.dma_semaphore, #tpu.memory_space<semaphore_mem>>
      %dma_start3A_33 = arith.constant 0 : i32
      %dma_start3A_34 = tpu.memref_slice %arg4[%add3A_23, %dma_start3A_33] : memref<8192x128xf32, #tpu.memory_space<hbm>> -> memref<128x128xf32, #tpu.memory_space<hbm>>
      %dma_start3A_35 = arith.constant 0 : i32
      %dma_start3A_36 = tpu.memref_slice %arg4[%add3A_23, %dma_start3A_35] : memref<8192x128xf32, #tpu.memory_space<hbm>> -> memref<128x128xf32, #tpu.memory_space<hbm>>
      tpu.enqueue_dma source(%arg6 : memref<128x128xf32, #tpu.memory_space<vmem>>) target(%dma_start3A_36 : memref<128x128xf32, #tpu.memory_space<hbm>>) target_semaphore(%run_scoped3A : memref<!tpu.dma_semaphore, #tpu.memory_space<semaphore_mem>>)
      %dma_wait3A_37 = arith.constant 0 : i32
      %dma_wait3A_38 = tpu.memref_slice %arg4[%add3A_23, %dma_wait3A_37] : memref<8192x128xf32, #tpu.memory_space<hbm>> -> memref<128x128xf32, #tpu.memory_space<hbm>>
      %dma_wait3A_39 = arith.constant 0 : i32
      %dma_wait3A_40 = tpu.memref_slice %arg4[%add3A_23, %dma_wait3A_39] : memref<8192x128xf32, #tpu.memory_space<hbm>> -> memref<128x128xf32, #tpu.memory_space<hbm>>
      tpu.wait_dma2 semaphore(%run_scoped3A : memref<!tpu.dma_semaphore, #tpu.memory_space<semaphore_mem>>) src(%arg6 : memref<128x128xf32, #tpu.memory_space<vmem>>) dst(%dma_wait3A_40 : memref<128x128xf32, #tpu.memory_space<hbm>>)
      tpu.yield
    }) : () -> ()
    %dma_wait3A_24 = arith.constant 1 : i32
    %dma_wait3A_25 = arith.constant 0 : i32
    %dma_wait3A_26 = tpu.memref_slice %arg5[%dma_wait3A_24, %dma_wait3A_25] : memref<2x128xi32, #tpu.memory_space<vmem>> -> memref<1x128xi32, #tpu.memory_space<vmem>>
    %dma_wait3A_27 = tpu.memref_squeeze %dma_wait3A_26 : memref<1x128xi32, #tpu.memory_space<vmem>> -> memref<128xi32, #tpu.memory_space<vmem>>
    %dma_wait3A_28 = arith.constant 0 : i32
    %dma_wait3A_29 = arith.constant 0 : i32
    %dma_wait3A_30 = tpu.memref_slice %arg2[%dma_wait3A_28, %dma_wait3A_29] : memref<100000x128xf32, #tpu.memory_space<hbm>> -> memref<100000x128xf32, #tpu.memory_space<hbm>>
    tpu.wait_indirect_dma semaphore(%arg9 : memref<!tpu.dma_semaphore, #tpu.memory_space<semaphore_mem>>) src(%dma_wait3A_30 : memref<100000x128xf32, #tpu.memory_space<hbm>>) dst(%arg7 : memref<128x128xf32, #tpu.memory_space<vmem>>)
    %add3A_31 = arith.constant 128 : i32
    %add3A_32 = arith.addi %mul3A_2, %add3A_31 : i32
    "tpu.region"() ({
      %run_scoped3A = tpu.sem_alloc : memref<!tpu.dma_semaphore, #tpu.memory_space<semaphore_mem>>
      %dma_start3A_33 = arith.constant 0 : i32
      %dma_start3A_34 = tpu.memref_slice %arg4[%add3A_32, %dma_start3A_33] : memref<8192x128xf32, #tpu.memory_space<hbm>> -> memref<128x128xf32, #tpu.memory_space<hbm>>
      %dma_start3A_35 = arith.constant 0 : i32
      %dma_start3A_36 = tpu.memref_slice %arg4[%add3A_32, %dma_start3A_35] : memref<8192x128xf32, #tpu.memory_space<hbm>> -> memref<128x128xf32, #tpu.memory_space<hbm>>
      tpu.enqueue_dma source(%arg7 : memref<128x128xf32, #tpu.memory_space<vmem>>) target(%dma_start3A_36 : memref<128x128xf32, #tpu.memory_space<hbm>>) target_semaphore(%run_scoped3A : memref<!tpu.dma_semaphore, #tpu.memory_space<semaphore_mem>>)
      %dma_wait3A_37 = arith.constant 0 : i32
      %dma_wait3A_38 = tpu.memref_slice %arg4[%add3A_32, %dma_wait3A_37] : memref<8192x128xf32, #tpu.memory_space<hbm>> -> memref<128x128xf32, #tpu.memory_space<hbm>>
      %dma_wait3A_39 = arith.constant 0 : i32
      %dma_wait3A_40 = tpu.memref_slice %arg4[%add3A_32, %dma_wait3A_39] : memref<8192x128xf32, #tpu.memory_space<hbm>> -> memref<128x128xf32, #tpu.memory_space<hbm>>
      tpu.wait_dma2 semaphore(%run_scoped3A : memref<!tpu.dma_semaphore, #tpu.memory_space<semaphore_mem>>) src(%arg7 : memref<128x128xf32, #tpu.memory_space<vmem>>) dst(%dma_wait3A_40 : memref<128x128xf32, #tpu.memory_space<hbm>>)
      tpu.yield
    }) : () -> ()
    return
  }
}

#map = affine_map<(d0, d1) -> (0, 0)>
#map1 = affine_map<(d0, d1) -> (0, 0, 0)>
module attributes {stable_mosaic.version = 14 : i64} {
  func.func @k(%arg0: i32, %arg1: i32, %arg2: memref<10240x128xf32, #tpu.memory_space<hbm>>, %arg3: memref<32x79x128xi32, #tpu.memory_space<hbm>>, %arg4: memref<32x79x128xi32, #tpu.memory_space<hbm>>, %arg5: memref<640x128xf32, #tpu.memory_space<hbm>>, %arg6: memref<20480x128xf32, #tpu.memory_space<hbm>>, %arg7: memref<79x128xi32, #tpu.memory_space<vmem>>, %arg8: memref<79x128xi32, #tpu.memory_space<vmem>>, %arg9: memref<128x128xf32, #tpu.memory_space<vmem>>, %arg10: memref<10240x128xf32, #tpu.memory_space<vmem_shared>>, %arg11: memref<!tpu.dma_semaphore, #tpu.memory_space<semaphore_mem>>) attributes {dimension_semantics = [#tpu.dimension_semantics<core_parallel>, #tpu.dimension_semantics<subcore_parallel>], iteration_bounds = array<i64: 2, 16>, scalar_prefetch = 0 : i64, scratch_operands = 5 : i64, tpu.core_type = #tpu.core_type<sc_vector_subcore>, window_params = [{transform_indices = #map}, {transform_indices = #map1}, {transform_indices = #map1}, {transform_indices = #map}, {transform_indices = #map}]} {
    %mul3A = arith.constant 2 : i32
    %mul3A_0 = arith.muli %arg1, %mul3A : i32
    %add3A = arith.addi %mul3A_0, %arg0 : i32
    %mul3A_1 = arith.constant 640 : i32
    %mul3A_2 = arith.muli %arg1, %mul3A_1 : i32
    "tpu.region"() ({
      %run_scoped3A = tpu.sem_alloc : memref<!tpu.dma_semaphore, #tpu.memory_space<semaphore_mem>>
      %dma_start3A = arith.constant 0 : i32
      %dma_start3A_16 = tpu.memref_slice %arg10[%mul3A_2, %dma_start3A] : memref<10240x128xf32, #tpu.memory_space<vmem_shared>> -> memref<640x128xf32, #tpu.memory_space<vmem_shared>>
      tpu.enqueue_dma source(%arg5 : memref<640x128xf32, #tpu.memory_space<hbm>>) target(%dma_start3A_16 : memref<640x128xf32, #tpu.memory_space<vmem_shared>>) target_semaphore(%run_scoped3A : memref<!tpu.dma_semaphore, #tpu.memory_space<semaphore_mem>>)
      %dma_wait3A = arith.constant 0 : i32
      %dma_wait3A_17 = tpu.memref_slice %arg10[%mul3A_2, %dma_wait3A] : memref<10240x128xf32, #tpu.memory_space<vmem_shared>> -> memref<640x128xf32, #tpu.memory_space<vmem_shared>>
      tpu.wait_dma2 semaphore(%run_scoped3A : memref<!tpu.dma_semaphore, #tpu.memory_space<semaphore_mem>>) src(%arg5 : memref<640x128xf32, #tpu.memory_space<hbm>>) dst(%dma_wait3A_17 : memref<640x128xf32, #tpu.memory_space<vmem_shared>>)
      tpu.yield
    }) : () -> ()
    "tpu.region"() ({
      %run_scoped3A = tpu.sem_alloc : memref<!tpu.dma_semaphore, #tpu.memory_space<semaphore_mem>>
      %dma_start3A = arith.constant 0 : i32
      %dma_start3A_16 = arith.constant 0 : i32
      %dma_start3A_17 = tpu.memref_slice %arg3[%add3A, %dma_start3A, %dma_start3A_16] : memref<32x79x128xi32, #tpu.memory_space<hbm>> -> memref<1x79x128xi32, #tpu.memory_space<hbm>>
      %dma_start3A_18 = tpu.memref_squeeze %dma_start3A_17 : memref<1x79x128xi32, #tpu.memory_space<hbm>> -> memref<79x128xi32, #tpu.memory_space<hbm>>
      %dma_start3A_19 = arith.constant 0 : i32
      %dma_start3A_20 = arith.constant 0 : i32
      %dma_start3A_21 = tpu.memref_slice %arg3[%add3A, %dma_start3A_19, %dma_start3A_20] : memref<32x79x128xi32, #tpu.memory_space<hbm>> -> memref<1x79x128xi32, #tpu.memory_space<hbm>>
      %dma_start3A_22 = tpu.memref_squeeze %dma_start3A_21 : memref<1x79x128xi32, #tpu.memory_space<hbm>> -> memref<79x128xi32, #tpu.memory_space<hbm>>
      tpu.enqueue_dma source(%dma_start3A_22 : memref<79x128xi32, #tpu.memory_space<hbm>>) target(%arg7 : memref<79x128xi32, #tpu.memory_space<vmem>>) target_semaphore(%run_scoped3A : memref<!tpu.dma_semaphore, #tpu.memory_space<semaphore_mem>>)
      %dma_wait3A = arith.constant 0 : i32
      %dma_wait3A_23 = arith.constant 0 : i32
      %dma_wait3A_24 = tpu.memref_slice %arg3[%add3A, %dma_wait3A, %dma_wait3A_23] : memref<32x79x128xi32, #tpu.memory_space<hbm>> -> memref<1x79x128xi32, #tpu.memory_space<hbm>>
      %dma_wait3A_25 = tpu.memref_squeeze %dma_wait3A_24 : memref<1x79x128xi32, #tpu.memory_space<hbm>> -> memref<79x128xi32, #tpu.memory_space<hbm>>
      %dma_wait3A_26 = arith.constant 0 : i32
      %dma_wait3A_27 = arith.constant 0 : i32
      %dma_wait3A_28 = tpu.memref_slice %arg3[%add3A, %dma_wait3A_26, %dma_wait3A_27] : memref<32x79x128xi32, #tpu.memory_space<hbm>> -> memref<1x79x128xi32, #tpu.memory_space<hbm>>
      %dma_wait3A_29 = tpu.memref_squeeze %dma_wait3A_28 : memref<1x79x128xi32, #tpu.memory_space<hbm>> -> memref<79x128xi32, #tpu.memory_space<hbm>>
      tpu.wait_dma2 semaphore(%run_scoped3A : memref<!tpu.dma_semaphore, #tpu.memory_space<semaphore_mem>>) src(%dma_wait3A_29 : memref<79x128xi32, #tpu.memory_space<hbm>>) dst(%arg7 : memref<79x128xi32, #tpu.memory_space<vmem>>)
      tpu.yield
    }) : () -> ()
    "tpu.region"() ({
      %run_scoped3A = tpu.sem_alloc : memref<!tpu.dma_semaphore, #tpu.memory_space<semaphore_mem>>
      %dma_start3A = arith.constant 0 : i32
      %dma_start3A_16 = arith.constant 0 : i32
      %dma_start3A_17 = tpu.memref_slice %arg4[%add3A, %dma_start3A, %dma_start3A_16] : memref<32x79x128xi32, #tpu.memory_space<hbm>> -> memref<1x79x128xi32, #tpu.memory_space<hbm>>
      %dma_start3A_18 = tpu.memref_squeeze %dma_start3A_17 : memref<1x79x128xi32, #tpu.memory_space<hbm>> -> memref<79x128xi32, #tpu.memory_space<hbm>>
      %dma_start3A_19 = arith.constant 0 : i32
      %dma_start3A_20 = arith.constant 0 : i32
      %dma_start3A_21 = tpu.memref_slice %arg4[%add3A, %dma_start3A_19, %dma_start3A_20] : memref<32x79x128xi32, #tpu.memory_space<hbm>> -> memref<1x79x128xi32, #tpu.memory_space<hbm>>
      %dma_start3A_22 = tpu.memref_squeeze %dma_start3A_21 : memref<1x79x128xi32, #tpu.memory_space<hbm>> -> memref<79x128xi32, #tpu.memory_space<hbm>>
      tpu.enqueue_dma source(%dma_start3A_22 : memref<79x128xi32, #tpu.memory_space<hbm>>) target(%arg8 : memref<79x128xi32, #tpu.memory_space<vmem>>) target_semaphore(%run_scoped3A : memref<!tpu.dma_semaphore, #tpu.memory_space<semaphore_mem>>)
      %dma_wait3A = arith.constant 0 : i32
      %dma_wait3A_23 = arith.constant 0 : i32
      %dma_wait3A_24 = tpu.memref_slice %arg4[%add3A, %dma_wait3A, %dma_wait3A_23] : memref<32x79x128xi32, #tpu.memory_space<hbm>> -> memref<1x79x128xi32, #tpu.memory_space<hbm>>
      %dma_wait3A_25 = tpu.memref_squeeze %dma_wait3A_24 : memref<1x79x128xi32, #tpu.memory_space<hbm>> -> memref<79x128xi32, #tpu.memory_space<hbm>>
      %dma_wait3A_26 = arith.constant 0 : i32
      %dma_wait3A_27 = arith.constant 0 : i32
      %dma_wait3A_28 = tpu.memref_slice %arg4[%add3A, %dma_wait3A_26, %dma_wait3A_27] : memref<32x79x128xi32, #tpu.memory_space<hbm>> -> memref<1x79x128xi32, #tpu.memory_space<hbm>>
      %dma_wait3A_29 = tpu.memref_squeeze %dma_wait3A_28 : memref<1x79x128xi32, #tpu.memory_space<hbm>> -> memref<79x128xi32, #tpu.memory_space<hbm>>
      tpu.wait_dma2 semaphore(%run_scoped3A : memref<!tpu.dma_semaphore, #tpu.memory_space<semaphore_mem>>) src(%dma_wait3A_29 : memref<79x128xi32, #tpu.memory_space<hbm>>) dst(%arg8 : memref<79x128xi32, #tpu.memory_space<vmem>>)
      tpu.yield
    }) : () -> ()
    %barrier3A = arith.constant 0 : index
    tpu.barrier barrier_id(%barrier3A)
    %scan3A = arith.constant 0 : i32
    %scan3A_3 = arith.constant 0 : i32
    %scan3A_4 = arith.constant 79 : i32
    %scan3A_5 = arith.addi %scan3A_3, %scan3A_4 : i32
    %scan3A_6 = arith.constant 1 : i32
    scf.for %scan3A_16 = %scan3A_3 to %scan3A_5 step %scan3A_6  : i32 {
      %dma_start3A = arith.constant 0 : i32
      %dma_start3A_17 = tpu.memref_slice %arg7[%scan3A_16, %dma_start3A] : memref<79x128xi32, #tpu.memory_space<vmem>> -> memref<1x128xi32, #tpu.memory_space<vmem>>
      %dma_start3A_18 = tpu.memref_squeeze %dma_start3A_17 : memref<1x128xi32, #tpu.memory_space<vmem>> -> memref<128xi32, #tpu.memory_space<vmem>>
      %dma_start3A_19 = arith.constant 0 : i32
      %dma_start3A_20 = arith.constant 0 : i32
      %dma_start3A_21 = tpu.memref_slice %arg2[%dma_start3A_19, %dma_start3A_20] : memref<10240x128xf32, #tpu.memory_space<hbm>> -> memref<10240x128xf32, #tpu.memory_space<hbm>>
      tpu.enqueue_indirect_dma source(%dma_start3A_21 : memref<10240x128xf32, #tpu.memory_space<hbm>>) target(%arg9 : memref<128x128xf32, #tpu.memory_space<vmem>>) offsets(%dma_start3A_18 : memref<128xi32, #tpu.memory_space<vmem>>) semaphore(%arg11 : memref<!tpu.dma_semaphore, #tpu.memory_space<semaphore_mem>>)
      %dma_wait3A = arith.constant 0 : i32
      %dma_wait3A_22 = tpu.memref_slice %arg7[%scan3A_16, %dma_wait3A] : memref<79x128xi32, #tpu.memory_space<vmem>> -> memref<1x128xi32, #tpu.memory_space<vmem>>
      %dma_wait3A_23 = tpu.memref_squeeze %dma_wait3A_22 : memref<1x128xi32, #tpu.memory_space<vmem>> -> memref<128xi32, #tpu.memory_space<vmem>>
      %dma_wait3A_24 = arith.constant 0 : i32
      %dma_wait3A_25 = arith.constant 0 : i32
      %dma_wait3A_26 = tpu.memref_slice %arg2[%dma_wait3A_24, %dma_wait3A_25] : memref<10240x128xf32, #tpu.memory_space<hbm>> -> memref<10240x128xf32, #tpu.memory_space<hbm>>
      tpu.wait_indirect_dma semaphore(%arg11 : memref<!tpu.dma_semaphore, #tpu.memory_space<semaphore_mem>>) src(%dma_wait3A_26 : memref<10240x128xf32, #tpu.memory_space<hbm>>) dst(%arg9 : memref<128x128xf32, #tpu.memory_space<vmem>>)
      "tpu.region"() ({
        %run_scoped3A = tpu.sem_alloc : memref<!tpu.dma_semaphore, #tpu.memory_space<semaphore_mem>>
        %dma_start3A_27 = arith.constant 0 : i32
        %dma_start3A_28 = tpu.memref_slice %arg8[%scan3A_16, %dma_start3A_27] : memref<79x128xi32, #tpu.memory_space<vmem>> -> memref<1x128xi32, #tpu.memory_space<vmem>>
        %dma_start3A_29 = tpu.memref_squeeze %dma_start3A_28 : memref<1x128xi32, #tpu.memory_space<vmem>> -> memref<128xi32, #tpu.memory_space<vmem>>
        %dma_start3A_30 = arith.constant 0 : i32
        %dma_start3A_31 = arith.constant 0 : i32
        %dma_start3A_32 = tpu.memref_slice %arg10[%dma_start3A_30, %dma_start3A_31] : memref<10240x128xf32, #tpu.memory_space<vmem_shared>> -> memref<10240x128xf32, #tpu.memory_space<vmem_shared>>
        tpu.enqueue_indirect_dma source(%arg9 : memref<128x128xf32, #tpu.memory_space<vmem>>) target(%dma_start3A_32 : memref<10240x128xf32, #tpu.memory_space<vmem_shared>>) offsets(%dma_start3A_29 : memref<128xi32, #tpu.memory_space<vmem>>) semaphore(%run_scoped3A : memref<!tpu.dma_semaphore, #tpu.memory_space<semaphore_mem>>) {add = true}
        %dma_wait3A_33 = arith.constant 0 : i32
        %dma_wait3A_34 = tpu.memref_slice %arg8[%scan3A_16, %dma_wait3A_33] : memref<79x128xi32, #tpu.memory_space<vmem>> -> memref<1x128xi32, #tpu.memory_space<vmem>>
        %dma_wait3A_35 = tpu.memref_squeeze %dma_wait3A_34 : memref<1x128xi32, #tpu.memory_space<vmem>> -> memref<128xi32, #tpu.memory_space<vmem>>
        %dma_wait3A_36 = arith.constant 0 : i32
        %dma_wait3A_37 = arith.constant 0 : i32
        %dma_wait3A_38 = tpu.memref_slice %arg10[%dma_wait3A_36, %dma_wait3A_37] : memref<10240x128xf32, #tpu.memory_space<vmem_shared>> -> memref<10240x128xf32, #tpu.memory_space<vmem_shared>>
        tpu.wait_indirect_dma semaphore(%run_scoped3A : memref<!tpu.dma_semaphore, #tpu.memory_space<semaphore_mem>>) src(%arg9 : memref<128x128xf32, #tpu.memory_space<vmem>>) dst(%dma_wait3A_38 : memref<10240x128xf32, #tpu.memory_space<vmem_shared>>)
        tpu.yield
      }) : () -> ()
    }
    %scan3A_7 = arith.constant 79 : i32
    %barrier3A_8 = arith.constant 0 : index
    tpu.barrier barrier_id(%barrier3A_8)
    %mul3A_9 = arith.constant 640 : i32
    %mul3A_10 = arith.muli %arg1, %mul3A_9 : i32
    %mul3A_11 = arith.constant 10240 : i32
    %mul3A_12 = arith.muli %arg0, %mul3A_11 : i32
    %mul3A_13 = arith.constant 640 : i32
    %mul3A_14 = arith.muli %arg1, %mul3A_13 : i32
    %add3A_15 = arith.addi %mul3A_12, %mul3A_14 : i32
    "tpu.region"() ({
      %run_scoped3A = tpu.sem_alloc : memref<!tpu.dma_semaphore, #tpu.memory_space<semaphore_mem>>
      %dma_start3A = arith.constant 0 : i32
      %dma_start3A_16 = tpu.memref_slice %arg6[%add3A_15, %dma_start3A] : memref<20480x128xf32, #tpu.memory_space<hbm>> -> memref<640x128xf32, #tpu.memory_space<hbm>>
      %dma_start3A_17 = arith.constant 0 : i32
      %dma_start3A_18 = tpu.memref_slice %arg10[%mul3A_10, %dma_start3A_17] : memref<10240x128xf32, #tpu.memory_space<vmem_shared>> -> memref<640x128xf32, #tpu.memory_space<vmem_shared>>
      tpu.enqueue_dma source(%dma_start3A_18 : memref<640x128xf32, #tpu.memory_space<vmem_shared>>) target(%dma_start3A_16 : memref<640x128xf32, #tpu.memory_space<hbm>>) target_semaphore(%run_scoped3A : memref<!tpu.dma_semaphore, #tpu.memory_space<semaphore_mem>>)
      %dma_wait3A = arith.constant 0 : i32
      %dma_wait3A_19 = tpu.memref_slice %arg6[%add3A_15, %dma_wait3A] : memref<20480x128xf32, #tpu.memory_space<hbm>> -> memref<640x128xf32, #tpu.memory_space<hbm>>
      %dma_wait3A_20 = arith.constant 0 : i32
      %dma_wait3A_21 = tpu.memref_slice %arg10[%mul3A_10, %dma_wait3A_20] : memref<10240x128xf32, #tpu.memory_space<vmem_shared>> -> memref<640x128xf32, #tpu.memory_space<vmem_shared>>
      tpu.wait_dma2 semaphore(%run_scoped3A : memref<!tpu.dma_semaphore, #tpu.memory_space<semaphore_mem>>) src(%dma_wait3A_21 : memref<640x128xf32, #tpu.memory_space<vmem_shared>>) dst(%dma_wait3A_19 : memref<640x128xf32, #tpu.memory_space<hbm>>)
      tpu.yield
    }) : () -> ()
    return
  }
}

#map = affine_map<(d0, d1) -> (0, 0)>
#map1 = affine_map<(d0, d1) -> (0, 0, 0)>
module attributes {stable_mosaic.version = 14 : i64} {
  func.func @k(%arg0: i32, %arg1: i32, %arg2: memref<10240x128xf32, #tpu.memory_space<hbm>>, %arg3: memref<32x2x128xi32, #tpu.memory_space<hbm>>, %arg4: memref<8192x128xf32, #tpu.memory_space<hbm>>, %arg5: memref<2x128xi32, #tpu.memory_space<vmem>>, %arg6: memref<128x128xf32, #tpu.memory_space<vmem>>, %arg7: memref<128x128xf32, #tpu.memory_space<vmem>>, %arg8: memref<!tpu.dma_semaphore, #tpu.memory_space<semaphore_mem>>, %arg9: memref<!tpu.dma_semaphore, #tpu.memory_space<semaphore_mem>>) attributes {dimension_semantics = [#tpu.dimension_semantics<core_parallel>, #tpu.dimension_semantics<subcore_parallel>], iteration_bounds = array<i64: 2, 16>, scalar_prefetch = 0 : i64, scratch_operands = 5 : i64, tpu.core_type = #tpu.core_type<sc_vector_subcore>, window_params = [{transform_indices = #map}, {transform_indices = #map1}, {transform_indices = #map}]} {
    %mul3A = arith.constant 2 : i32
    %mul3A_0 = arith.muli %arg1, %mul3A : i32
    %add3A = arith.addi %mul3A_0, %arg0 : i32
    "tpu.region"() ({
      %run_scoped3A = tpu.sem_alloc : memref<!tpu.dma_semaphore, #tpu.memory_space<semaphore_mem>>
      %dma_start3A_33 = arith.constant 0 : i32
      %dma_start3A_34 = arith.constant 0 : i32
      %dma_start3A_35 = tpu.memref_slice %arg3[%add3A, %dma_start3A_33, %dma_start3A_34] : memref<32x2x128xi32, #tpu.memory_space<hbm>> -> memref<1x2x128xi32, #tpu.memory_space<hbm>>
      %dma_start3A_36 = tpu.memref_squeeze %dma_start3A_35 : memref<1x2x128xi32, #tpu.memory_space<hbm>> -> memref<2x128xi32, #tpu.memory_space<hbm>>
      %dma_start3A_37 = arith.constant 0 : i32
      %dma_start3A_38 = arith.constant 0 : i32
      %dma_start3A_39 = tpu.memref_slice %arg3[%add3A, %dma_start3A_37, %dma_start3A_38] : memref<32x2x128xi32, #tpu.memory_space<hbm>> -> memref<1x2x128xi32, #tpu.memory_space<hbm>>
      %dma_start3A_40 = tpu.memref_squeeze %dma_start3A_39 : memref<1x2x128xi32, #tpu.memory_space<hbm>> -> memref<2x128xi32, #tpu.memory_space<hbm>>
      tpu.enqueue_dma source(%dma_start3A_40 : memref<2x128xi32, #tpu.memory_space<hbm>>) target(%arg5 : memref<2x128xi32, #tpu.memory_space<vmem>>) target_semaphore(%run_scoped3A : memref<!tpu.dma_semaphore, #tpu.memory_space<semaphore_mem>>)
      %dma_wait3A_41 = arith.constant 0 : i32
      %dma_wait3A_42 = arith.constant 0 : i32
      %dma_wait3A_43 = tpu.memref_slice %arg3[%add3A, %dma_wait3A_41, %dma_wait3A_42] : memref<32x2x128xi32, #tpu.memory_space<hbm>> -> memref<1x2x128xi32, #tpu.memory_space<hbm>>
      %dma_wait3A_44 = tpu.memref_squeeze %dma_wait3A_43 : memref<1x2x128xi32, #tpu.memory_space<hbm>> -> memref<2x128xi32, #tpu.memory_space<hbm>>
      %dma_wait3A_45 = arith.constant 0 : i32
      %dma_wait3A_46 = arith.constant 0 : i32
      %dma_wait3A_47 = tpu.memref_slice %arg3[%add3A, %dma_wait3A_45, %dma_wait3A_46] : memref<32x2x128xi32, #tpu.memory_space<hbm>> -> memref<1x2x128xi32, #tpu.memory_space<hbm>>
      %dma_wait3A_48 = tpu.memref_squeeze %dma_wait3A_47 : memref<1x2x128xi32, #tpu.memory_space<hbm>> -> memref<2x128xi32, #tpu.memory_space<hbm>>
      tpu.wait_dma2 semaphore(%run_scoped3A : memref<!tpu.dma_semaphore, #tpu.memory_space<semaphore_mem>>) src(%dma_wait3A_48 : memref<2x128xi32, #tpu.memory_space<hbm>>) dst(%arg5 : memref<2x128xi32, #tpu.memory_space<vmem>>)
      tpu.yield
    }) : () -> ()
    %mul3A_1 = arith.constant 256 : i32
    %mul3A_2 = arith.muli %add3A, %mul3A_1 : i32
    %dma_start3A = arith.constant 0 : i32
    %dma_start3A_3 = arith.constant 0 : i32
    %dma_start3A_4 = tpu.memref_slice %arg5[%dma_start3A, %dma_start3A_3] : memref<2x128xi32, #tpu.memory_space<vmem>> -> memref<1x128xi32, #tpu.memory_space<vmem>>
    %dma_start3A_5 = tpu.memref_squeeze %dma_start3A_4 : memref<1x128xi32, #tpu.memory_space<vmem>> -> memref<128xi32, #tpu.memory_space<vmem>>
    %dma_start3A_6 = arith.constant 0 : i32
    %dma_start3A_7 = arith.constant 0 : i32
    %dma_start3A_8 = tpu.memref_slice %arg2[%dma_start3A_6, %dma_start3A_7] : memref<10240x128xf32, #tpu.memory_space<hbm>> -> memref<10240x128xf32, #tpu.memory_space<hbm>>
    tpu.enqueue_indirect_dma source(%dma_start3A_8 : memref<10240x128xf32, #tpu.memory_space<hbm>>) target(%arg6 : memref<128x128xf32, #tpu.memory_space<vmem>>) offsets(%dma_start3A_5 : memref<128xi32, #tpu.memory_space<vmem>>) semaphore(%arg8 : memref<!tpu.dma_semaphore, #tpu.memory_space<semaphore_mem>>)
    %dma_start3A_9 = arith.constant 1 : i32
    %dma_start3A_10 = arith.constant 0 : i32
    %dma_start3A_11 = tpu.memref_slice %arg5[%dma_start3A_9, %dma_start3A_10] : memref<2x128xi32, #tpu.memory_space<vmem>> -> memref<1x128xi32, #tpu.memory_space<vmem>>
    %dma_start3A_12 = tpu.memref_squeeze %dma_start3A_11 : memref<1x128xi32, #tpu.memory_space<vmem>> -> memref<128xi32, #tpu.memory_space<vmem>>
    %dma_start3A_13 = arith.constant 0 : i32
    %dma_start3A_14 = arith.constant 0 : i32
    %dma_start3A_15 = tpu.memref_slice %arg2[%dma_start3A_13, %dma_start3A_14] : memref<10240x128xf32, #tpu.memory_space<hbm>> -> memref<10240x128xf32, #tpu.memory_space<hbm>>
    tpu.enqueue_indirect_dma source(%dma_start3A_15 : memref<10240x128xf32, #tpu.memory_space<hbm>>) target(%arg7 : memref<128x128xf32, #tpu.memory_space<vmem>>) offsets(%dma_start3A_12 : memref<128xi32, #tpu.memory_space<vmem>>) semaphore(%arg9 : memref<!tpu.dma_semaphore, #tpu.memory_space<semaphore_mem>>)
    %dma_wait3A = arith.constant 0 : i32
    %dma_wait3A_16 = arith.constant 0 : i32
    %dma_wait3A_17 = tpu.memref_slice %arg5[%dma_wait3A, %dma_wait3A_16] : memref<2x128xi32, #tpu.memory_space<vmem>> -> memref<1x128xi32, #tpu.memory_space<vmem>>
    %dma_wait3A_18 = tpu.memref_squeeze %dma_wait3A_17 : memref<1x128xi32, #tpu.memory_space<vmem>> -> memref<128xi32, #tpu.memory_space<vmem>>
    %dma_wait3A_19 = arith.constant 0 : i32
    %dma_wait3A_20 = arith.constant 0 : i32
    %dma_wait3A_21 = tpu.memref_slice %arg2[%dma_wait3A_19, %dma_wait3A_20] : memref<10240x128xf32, #tpu.memory_space<hbm>> -> memref<10240x128xf32, #tpu.memory_space<hbm>>
    tpu.wait_indirect_dma semaphore(%arg8 : memref<!tpu.dma_semaphore, #tpu.memory_space<semaphore_mem>>) src(%dma_wait3A_21 : memref<10240x128xf32, #tpu.memory_space<hbm>>) dst(%arg6 : memref<128x128xf32, #tpu.memory_space<vmem>>)
    %add3A_22 = arith.constant 0 : i32
    %add3A_23 = arith.addi %mul3A_2, %add3A_22 : i32
    "tpu.region"() ({
      %run_scoped3A = tpu.sem_alloc : memref<!tpu.dma_semaphore, #tpu.memory_space<semaphore_mem>>
      %dma_start3A_33 = arith.constant 0 : i32
      %dma_start3A_34 = tpu.memref_slice %arg4[%add3A_23, %dma_start3A_33] : memref<8192x128xf32, #tpu.memory_space<hbm>> -> memref<128x128xf32, #tpu.memory_space<hbm>>
      %dma_start3A_35 = arith.constant 0 : i32
      %dma_start3A_36 = tpu.memref_slice %arg4[%add3A_23, %dma_start3A_35] : memref<8192x128xf32, #tpu.memory_space<hbm>> -> memref<128x128xf32, #tpu.memory_space<hbm>>
      tpu.enqueue_dma source(%arg6 : memref<128x128xf32, #tpu.memory_space<vmem>>) target(%dma_start3A_36 : memref<128x128xf32, #tpu.memory_space<hbm>>) target_semaphore(%run_scoped3A : memref<!tpu.dma_semaphore, #tpu.memory_space<semaphore_mem>>)
      %dma_wait3A_37 = arith.constant 0 : i32
      %dma_wait3A_38 = tpu.memref_slice %arg4[%add3A_23, %dma_wait3A_37] : memref<8192x128xf32, #tpu.memory_space<hbm>> -> memref<128x128xf32, #tpu.memory_space<hbm>>
      %dma_wait3A_39 = arith.constant 0 : i32
      %dma_wait3A_40 = tpu.memref_slice %arg4[%add3A_23, %dma_wait3A_39] : memref<8192x128xf32, #tpu.memory_space<hbm>> -> memref<128x128xf32, #tpu.memory_space<hbm>>
      tpu.wait_dma2 semaphore(%run_scoped3A : memref<!tpu.dma_semaphore, #tpu.memory_space<semaphore_mem>>) src(%arg6 : memref<128x128xf32, #tpu.memory_space<vmem>>) dst(%dma_wait3A_40 : memref<128x128xf32, #tpu.memory_space<hbm>>)
      tpu.yield
    }) : () -> ()
    %dma_wait3A_24 = arith.constant 1 : i32
    %dma_wait3A_25 = arith.constant 0 : i32
    %dma_wait3A_26 = tpu.memref_slice %arg5[%dma_wait3A_24, %dma_wait3A_25] : memref<2x128xi32, #tpu.memory_space<vmem>> -> memref<1x128xi32, #tpu.memory_space<vmem>>
    %dma_wait3A_27 = tpu.memref_squeeze %dma_wait3A_26 : memref<1x128xi32, #tpu.memory_space<vmem>> -> memref<128xi32, #tpu.memory_space<vmem>>
    %dma_wait3A_28 = arith.constant 0 : i32
    %dma_wait3A_29 = arith.constant 0 : i32
    %dma_wait3A_30 = tpu.memref_slice %arg2[%dma_wait3A_28, %dma_wait3A_29] : memref<10240x128xf32, #tpu.memory_space<hbm>> -> memref<10240x128xf32, #tpu.memory_space<hbm>>
    tpu.wait_indirect_dma semaphore(%arg9 : memref<!tpu.dma_semaphore, #tpu.memory_space<semaphore_mem>>) src(%dma_wait3A_30 : memref<10240x128xf32, #tpu.memory_space<hbm>>) dst(%arg7 : memref<128x128xf32, #tpu.memory_space<vmem>>)
    %add3A_31 = arith.constant 128 : i32
    %add3A_32 = arith.addi %mul3A_2, %add3A_31 : i32
    "tpu.region"() ({
      %run_scoped3A = tpu.sem_alloc : memref<!tpu.dma_semaphore, #tpu.memory_space<semaphore_mem>>
      %dma_start3A_33 = arith.constant 0 : i32
      %dma_start3A_34 = tpu.memref_slice %arg4[%add3A_32, %dma_start3A_33] : memref<8192x128xf32, #tpu.memory_space<hbm>> -> memref<128x128xf32, #tpu.memory_space<hbm>>
      %dma_start3A_35 = arith.constant 0 : i32
      %dma_start3A_36 = tpu.memref_slice %arg4[%add3A_32, %dma_start3A_35] : memref<8192x128xf32, #tpu.memory_space<hbm>> -> memref<128x128xf32, #tpu.memory_space<hbm>>
      tpu.enqueue_dma source(%arg7 : memref<128x128xf32, #tpu.memory_space<vmem>>) target(%dma_start3A_36 : memref<128x128xf32, #tpu.memory_space<hbm>>) target_semaphore(%run_scoped3A : memref<!tpu.dma_semaphore, #tpu.memory_space<semaphore_mem>>)
      %dma_wait3A_37 = arith.constant 0 : i32
      %dma_wait3A_38 = tpu.memref_slice %arg4[%add3A_32, %dma_wait3A_37] : memref<8192x128xf32, #tpu.memory_space<hbm>> -> memref<128x128xf32, #tpu.memory_space<hbm>>
      %dma_wait3A_39 = arith.constant 0 : i32
      %dma_wait3A_40 = tpu.memref_slice %arg4[%add3A_32, %dma_wait3A_39] : memref<8192x128xf32, #tpu.memory_space<hbm>> -> memref<128x128xf32, #tpu.memory_space<hbm>>
      tpu.wait_dma2 semaphore(%run_scoped3A : memref<!tpu.dma_semaphore, #tpu.memory_space<semaphore_mem>>) src(%arg7 : memref<128x128xf32, #tpu.memory_space<vmem>>) dst(%dma_wait3A_40 : memref<128x128xf32, #tpu.memory_space<hbm>>)
      tpu.yield
    }) : () -> ()
    return
  }
}

module attributes {stable_mosaic.version = 14 : i64} {
  func.func @body(%arg0: i32, %arg1: memref<1024x128xf32, #tpu.memory_space<vmem>>, %arg2: memref<128x128xf32, #tpu.memory_space<vmem>>, %arg3: memref<128x384xf32, #tpu.memory_space<vmem>>, %arg4: memref<1x384xf32, #tpu.memory_space<vmem>>, %arg5: memref<1024x128xf32, #tpu.memory_space<vmem>>, %arg6: memref<1024x384xf32, #tpu.memory_space<vmem>>) attributes {dimension_semantics = [#tpu.dimension_semantics<arbitrary>], iteration_bounds = array<i64: 10>, scalar_prefetch = 0 : i64, scratch_operands = 0 : i64, tpu.core_type = #tpu.core_type<tc>, window_params = [{transform_indices = @transform_0, window_bounds = array<i64: 1024, 128>}, {pipeline_mode = #tpu.pipeline_mode<synchronous>, transform_indices = @transform_1, window_bounds = array<i64: 128, 128>}, {pipeline_mode = #tpu.pipeline_mode<synchronous>, transform_indices = @transform_2, window_bounds = array<i64: 128, 384>}, {pipeline_mode = #tpu.pipeline_mode<synchronous>, transform_indices = @transform_3, window_bounds = array<i64: 1, 384>}, {transform_indices = @transform_4, window_bounds = array<i64: 1024, 128>}, {transform_indices = @transform_5, window_bounds = array<i64: 1024, 384>}]} {
    %get3A = arith.constant 0 : index
    %get3A_0 = arith.constant 0 : index
    %get3A_1 = vector.load %arg1[%get3A, %get3A_0] : memref<1024x128xf32, #tpu.memory_space<vmem>>, vector<1024x128xf32>
    %get3A_2 = arith.constant 0 : index
    %get3A_3 = arith.constant 0 : index
    %get3A_4 = vector.load %arg2[%get3A_2, %get3A_3] : memref<128x128xf32, #tpu.memory_space<vmem>>, vector<128x128xf32>
    %dot_general3A = arith.constant dense<0.000000e+00> : vector<1024x128xf32>
    %dot_general3A_5 = tpu.matmul %get3A_1, %get3A_4, %dot_general3A {dimension_numbers = #tpu.dot_dimension_numbers<[1], [0], [0], [1], [0, 0, 1, 1], [], []>, transpose_lhs_hint = false} : vector<1024x128xf32>, vector<128x128xf32>, vector<1024x128xf32> -> vector<1024x128xf32>
    %swap3A = arith.constant 0 : index
    %swap3A_6 = arith.constant 0 : index
    %swap3A_7 = vector.load %arg5[%swap3A, %swap3A_6] : memref<1024x128xf32, #tpu.memory_space<vmem>>, vector<1024x128xf32>
    tpu.vector_store %arg5[%swap3A, %swap3A_6], %dot_general3A_5 {strides = array<i32>} : memref<1024x128xf32, #tpu.memory_space<vmem>>, vector<1024x128xf32>,
    %get3A_8 = arith.constant 0 : index
    %get3A_9 = arith.constant 0 : index
    %get3A_10 = vector.load %arg3[%get3A_8, %get3A_9] : memref<128x384xf32, #tpu.memory_space<vmem>>, vector<128x384xf32>
    %dot_general3A_11 = arith.constant dense<0.000000e+00> : vector<1024x384xf32>
    %dot_general3A_12 = tpu.matmul %get3A_1, %get3A_10, %dot_general3A_11 {dimension_numbers = #tpu.dot_dimension_numbers<[1], [0], [0], [1], [0, 0, 1, 1], [], []>, transpose_lhs_hint = false} : vector<1024x128xf32>, vector<128x384xf32>, vector<1024x384xf32> -> vector<1024x384xf32>
    %get3A_13 = arith.constant 0 : index
    %get3A_14 = arith.constant 0 : index
    %get3A_15 = vector.load %arg4[%get3A_13, %get3A_14] : memref<1x384xf32, #tpu.memory_space<vmem>>, vector<1x384xf32>
    %add3A = vector.broadcast %get3A_15 : vector<1x384xf32> to vector<1024x384xf32>
    %add3A_16 = arith.addf %dot_general3A_12, %add3A : vector<1024x384xf32>
    %swap3A_17 = arith.constant 0 : index
    %swap3A_18 = arith.constant 0 : index
    %swap3A_19 = vector.load %arg6[%swap3A_17, %swap3A_18] : memref<1024x384xf32, #tpu.memory_space<vmem>>, vector<1024x384xf32>
    tpu.vector_store %arg6[%swap3A_17, %swap3A_18], %add3A_16 {strides = array<i32>} : memref<1024x384xf32, #tpu.memory_space<vmem>>, vector<1024x384xf32>,
    return
  }
  func.func @transform_0(%arg0: i32) -> (i32, i32) {
    %c0_i32 = arith.constant 0 : i32
    %c0_i32_0 = arith.constant 0 : i32
    return %arg0, %c0_i32 : i32, i32
  }
  func.func @transform_1(%arg0: i32) -> (i32, i32) {
    %c0_i32 = arith.constant 0 : i32
    %c0_i32_0 = arith.constant 0 : i32
    %c0_i32_1 = arith.constant 0 : i32
    return %c0_i32, %c0_i32_0 : i32, i32
  }
  func.func @transform_2(%arg0: i32) -> (i32, i32) {
    %c0_i32 = arith.constant 0 : i32
    %c0_i32_0 = arith.constant 0 : i32
    %c0_i32_1 = arith.constant 0 : i32
    return %c0_i32, %c0_i32_0 : i32, i32
  }
  func.func @transform_3(%arg0: i32) -> (i32, i32) {
    %c0_i32 = arith.constant 0 : i32
    %c0_i32_0 = arith.constant 0 : i32
    %c0_i32_1 = arith.constant 0 : i32
    return %c0_i32, %c0_i32_0 : i32, i32
  }
  func.func @transform_4(%arg0: i32) -> (i32, i32) {
    %c0_i32 = arith.constant 0 : i32
    %c0_i32_0 = arith.constant 0 : i32
    return %arg0, %c0_i32 : i32, i32
  }
  func.func @transform_5(%arg0: i32) -> (i32, i32) {
    %c0_i32 = arith.constant 0 : i32
    %c0_i32_0 = arith.constant 0 : i32
    return %arg0, %c0_i32 : i32, i32
  }
}

module attributes {stable_mosaic.version = 14 : i64} {
  func.func @body(%arg0: i32, %arg1: memref<1024x128xf32, #tpu.memory_space<vmem>>, %arg2: memref<1024x128xf32, #tpu.memory_space<vmem>>, %arg3: memref<1024x384xf32, #tpu.memory_space<vmem>>, %arg4: memref<1024x128xf32, #tpu.memory_space<vmem>>, %arg5: memref<128x384xf32, #tpu.memory_space<vmem>>, %arg6: memref<1x384xf32, #tpu.memory_space<vmem>>, %arg7: memref<128x128xf32, #tpu.memory_space<vmem>>, %arg8: memref<128x384xf32, #tpu.memory_space<vmem>>, %arg9: memref<1x384xf32, #tpu.memory_space<vmem>>, %arg10: memref<1024x128xf32, #tpu.memory_space<vmem>>, %arg11: memref<1024x128xf32, #tpu.memory_space<vmem>>, %arg12: memref<1024x384xf32, #tpu.memory_space<vmem>>) attributes {dimension_semantics = [#tpu.dimension_semantics<arbitrary>], iteration_bounds = array<i64: 10>, scalar_prefetch = 0 : i64, scratch_operands = 0 : i64, tpu.core_type = #tpu.core_type<tc>, window_params = [{transform_indices = @transform_0, window_bounds = array<i64: 1024, 128>}, {transform_indices = @transform_1, window_bounds = array<i64: 1024, 128>}, {transform_indices = @transform_2, window_bounds = array<i64: 1024, 384>}, {transform_indices = @transform_3, window_bounds = array<i64: 1024, 128>}, {pipeline_mode = #tpu.pipeline_mode<synchronous>, transform_indices = @transform_4, window_bounds = array<i64: 128, 384>}, {pipeline_mode = #tpu.pipeline_mode<synchronous>, transform_indices = @transform_5, window_bounds = array<i64: 1, 384>}, {pipeline_mode = #tpu.pipeline_mode<synchronous>, transform_indices = @transform_6, window_bounds = array<i64: 128, 128>}, {pipeline_mode = #tpu.pipeline_mode<synchronous>, transform_indices = @transform_7, window_bounds = array<i64: 128, 384>}, {pipeline_mode = #tpu.pipeline_mode<synchronous>, transform_indices = @transform_8, window_bounds = array<i64: 1, 384>}, {transform_indices = @transform_9, window_bounds = array<i64: 1024, 128>}, {transform_indices = @transform_10, window_bounds = array<i64: 1024, 128>}, {transform_indices = @transform_11, window_bounds = array<i64: 1024, 384>}]} {
    %get3A = arith.constant 0 : index
    %get3A_0 = arith.constant 0 : index
    %get3A_1 = vector.load %arg1[%get3A, %get3A_0] : memref<1024x128xf32, #tpu.memory_space<vmem>>, vector<1024x128xf32>
    %get3A_2 = arith.constant 0 : index
    %get3A_3 = arith.constant 0 : index
    %get3A_4 = vector.load %arg2[%get3A_2, %get3A_3] : memref<1024x128xf32, #tpu.memory_space<vmem>>, vector<1024x128xf32>
    %add3A = arith.addf %get3A_1, %get3A_4 : vector<1024x128xf32>
    %get3A_5 = arith.constant 0 : index
    %get3A_6 = arith.constant 0 : index
    %get3A_7 = vector.load %arg5[%get3A_5, %get3A_6] : memref<128x384xf32, #tpu.memory_space<vmem>>, vector<128x384xf32>
    %dot_general3A = arith.constant dense<0.000000e+00> : vector<1024x384xf32>
    %dot_general3A_8 = tpu.matmul %add3A, %get3A_7, %dot_general3A {dimension_numbers = #tpu.dot_dimension_numbers<[1], [0], [0], [1], [0, 0, 1, 1], [], []>, transpose_lhs_hint = false} : vector<1024x128xf32>, vector<128x384xf32>, vector<1024x384xf32> -> vector<1024x384xf32>
    %get3A_9 = arith.constant 0 : index
    %get3A_10 = arith.constant 0 : index
    %get3A_11 = vector.load %arg6[%get3A_9, %get3A_10] : memref<1x384xf32, #tpu.memory_space<vmem>>, vector<1x384xf32>
    %add3A_12 = vector.broadcast %get3A_11 : vector<1x384xf32> to vector<1024x384xf32>
    %add3A_13 = arith.addf %dot_general3A_8, %add3A_12 : vector<1024x384xf32>
    %get3A_14 = arith.constant 0 : index
    %get3A_15 = arith.constant 0 : index
    %get3A_16 = vector.load %arg3[%get3A_14, %get3A_15] : memref<1024x384xf32, #tpu.memory_space<vmem>>, vector<1024x384xf32>
    %get3A_17 = arith.constant 0 : index
    %get3A_18 = arith.constant 0 : index
    %get3A_19 = vector.load %arg4[%get3A_17, %get3A_18] : memref<1024x128xf32, #tpu.memory_space<vmem>>, vector<1024x128xf32>
    %slice3A = vector.extract_strided_slice %add3A_13 {offsets = [0, 0], sizes = [1024, 128], strides = [1, 1]} : vector<1024x384xf32> to vector<1024x128xf32>
    %slice3A_20 = vector.extract_strided_slice %add3A_13 {offsets = [0, 128], sizes = [1024, 128], strides = [1, 1]} : vector<1024x384xf32> to vector<1024x128xf32>
    %slice3A_21 = vector.extract_strided_slice %add3A_13 {offsets = [0, 256], sizes = [1024, 128], strides = [1, 1]} : vector<1024x384xf32> to vector<1024x128xf32>
    %slice3A_22 = vector.extract_strided_slice %get3A_16 {offsets = [0, 0], sizes = [1024, 128], strides = [1, 1]} : vector<1024x384xf32> to vector<1024x128xf32>
    %slice3A_23 = vector.extract_strided_slice %get3A_16 {offsets = [0, 128], sizes = [1024, 128], strides = [1, 1]} : vector<1024x384xf32> to vector<1024x128xf32>
    %slice3A_24 = vector.extract_strided_slice %get3A_16 {offsets = [0, 256], sizes = [1024, 128], strides = [1, 1]} : vector<1024x384xf32> to vector<1024x128xf32>
    %add3A_25 = arith.addf %slice3A, %slice3A_22 : vector<1024x128xf32>
    %logistic3A = arith.negf %add3A_25 : vector<1024x128xf32>
    %logistic3A_26 = math.exp %logistic3A : vector<1024x128xf32>
    %logistic3A_27 = arith.constant 1.000000e+00 : f32
    %logistic3A_28 = vector.broadcast %logistic3A_27 : f32 to vector<1024x128xf32>
    %logistic3A_29 = arith.addf %logistic3A_28, %logistic3A_26 : vector<1024x128xf32>
    %logistic3A_30 = arith.divf %logistic3A_28, %logistic3A_29 : vector<1024x128xf32>
    %add3A_31 = arith.addf %slice3A_20, %slice3A_23 : vector<1024x128xf32>
    %logistic3A_32 = arith.negf %add3A_31 : vector<1024x128xf32>
    %logistic3A_33 = math.exp %logistic3A_32 : vector<1024x128xf32>
    %logistic3A_34 = arith.constant 1.000000e+00 : f32
    %logistic3A_35 = vector.broadcast %logistic3A_34 : f32 to vector<1024x128xf32>
    %logistic3A_36 = arith.addf %logistic3A_35, %logistic3A_33 : vector<1024x128xf32>
    %logistic3A_37 = arith.divf %logistic3A_35, %logistic3A_36 : vector<1024x128xf32>
    %mul3A = arith.mulf %logistic3A_30, %slice3A_24 : vector<1024x128xf32>
    %add3A_38 = arith.addf %slice3A_21, %mul3A : vector<1024x128xf32>
    %tanh3A = math.tanh %add3A_38 : vector<1024x128xf32>
    %sub3A = arith.constant 1.000000e+00 : f32
    %sub3A_39 = vector.broadcast %sub3A : f32 to vector<1024x128xf32>
    %sub3A_40 = arith.subf %sub3A_39, %logistic3A_37 : vector<1024x128xf32>
    %mul3A_41 = arith.mulf %sub3A_40, %tanh3A : vector<1024x128xf32>
    %mul3A_42 = arith.mulf %logistic3A_37, %get3A_19 : vector<1024x128xf32>
    %add3A_43 = arith.addf %mul3A_41, %mul3A_42 : vector<1024x128xf32>
    %mul3A_44 = arith.constant 1024 : i32
    %mul3A_45 = arith.muli %arg0, %mul3A_44 : i32
    %iota3A = tpu.iota {dimensions = array<i32: 0>} : vector<1024x128xi32>
    %add3A_46 = vector.broadcast %mul3A_45 : i32 to vector<1024x128xi32>
    %add3A_47 = arith.addi %add3A_46, %iota3A : vector<1024x128xi32>
    %lt3A = arith.constant 10000 : i32
    %lt3A_48 = vector.broadcast %lt3A : i32 to vector<1024x128xi32>
    %lt3A_49 = arith.cmpi slt, %add3A_47, %lt3A_48 : vector<1024x128xi32>
    %jit3A = arith.constant 0.000000e+00 : f32
    %broadcast_in_dim3A = vector.broadcast %jit3A : f32 to vector<1024x128xf32>
    %select_n3A = arith.select %lt3A_49, %add3A_43, %broadcast_in_dim3A : vector<1024x128xi1>, vector<1024x128xf32>
    %swap3A = arith.constant 0 : index
    %swap3A_50 = arith.constant 0 : index
    %swap3A_51 = vector.load %arg10[%swap3A, %swap3A_50] : memref<1024x128xf32, #tpu.memory_space<vmem>>, vector<1024x128xf32>
    tpu.vector_store %arg10[%swap3A, %swap3A_50], %select_n3A {strides = array<i32>} : memref<1024x128xf32, #tpu.memory_space<vmem>>, vector<1024x128xf32>,
    %get3A_52 = arith.constant 0 : index
    %get3A_53 = arith.constant 0 : index
    %get3A_54 = vector.load %arg7[%get3A_52, %get3A_53] : memref<128x128xf32, #tpu.memory_space<vmem>>, vector<128x128xf32>
    %dot_general3A_55 = arith.constant dense<0.000000e+00> : vector<1024x128xf32>
    %dot_general3A_56 = tpu.matmul %select_n3A, %get3A_54, %dot_general3A_55 {dimension_numbers = #tpu.dot_dimension_numbers<[1], [0], [0], [1], [0, 0, 1, 1], [], []>, transpose_lhs_hint = false} : vector<1024x128xf32>, vector<128x128xf32>, vector<1024x128xf32> -> vector<1024x128xf32>
    %swap3A_57 = arith.constant 0 : index
    %swap3A_58 = arith.constant 0 : index
    %swap3A_59 = vector.load %arg11[%swap3A_57, %swap3A_58] : memref<1024x128xf32, #tpu.memory_space<vmem>>, vector<1024x128xf32>
    tpu.vector_store %arg11[%swap3A_57, %swap3A_58], %dot_general3A_56 {strides = array<i32>} : memref<1024x128xf32, #tpu.memory_space<vmem>>, vector<1024x128xf32>,
    %get3A_60 = arith.constant 0 : index
    %get3A_61 = arith.constant 0 : index
    %get3A_62 = vector.load %arg8[%get3A_60, %get3A_61] : memref<128x384xf32, #tpu.memory_space<vmem>>, vector<128x384xf32>
    %dot_general3A_63 = arith.constant dense<0.000000e+00> : vector<1024x384xf32>
    %dot_general3A_64 = tpu.matmul %select_n3A, %get3A_62, %dot_general3A_63 {dimension_numbers = #tpu.dot_dimension_numbers<[1], [0], [0], [1], [0, 0, 1, 1], [], []>, transpose_lhs_hint = false} : vector<1024x128xf32>, vector<128x384xf32>, vector<1024x384xf32> -> vector<1024x384xf32>
    %get3A_65 = arith.constant 0 : index
    %get3A_66 = arith.constant 0 : index
    %get3A_67 = vector.load %arg9[%get3A_65, %get3A_66] : memref<1x384xf32, #tpu.memory_space<vmem>>, vector<1x384xf32>
    %add3A_68 = vector.broadcast %get3A_67 : vector<1x384xf32> to vector<1024x384xf32>
    %add3A_69 = arith.addf %dot_general3A_64, %add3A_68 : vector<1024x384xf32>
    %swap3A_70 = arith.constant 0 : index
    %swap3A_71 = arith.constant 0 : index
    %swap3A_72 = vector.load %arg12[%swap3A_70, %swap3A_71] : memref<1024x384xf32, #tpu.memory_space<vmem>>, vector<1024x384xf32>
    tpu.vector_store %arg12[%swap3A_70, %swap3A_71], %add3A_69 {strides = array<i32>} : memref<1024x384xf32, #tpu.memory_space<vmem>>, vector<1024x384xf32>,
    return
  }
  func.func @transform_0(%arg0: i32) -> (i32, i32) {
    %c0_i32 = arith.constant 0 : i32
    %c0_i32_0 = arith.constant 0 : i32
    return %arg0, %c0_i32 : i32, i32
  }
  func.func @transform_1(%arg0: i32) -> (i32, i32) {
    %add3A = arith.constant 10 : i32
    %add3A_0 = arith.addi %arg0, %add3A : i32
    %c0_i32 = arith.constant 0 : i32
    %c0_i32_1 = arith.constant 0 : i32
    return %add3A_0, %c0_i32 : i32, i32
  }
  func.func @transform_2(%arg0: i32) -> (i32, i32) {
    %c0_i32 = arith.constant 0 : i32
    %c0_i32_0 = arith.constant 0 : i32
    return %arg0, %c0_i32 : i32, i32
  }
  func.func @transform_3(%arg0: i32) -> (i32, i32) {
    %c0_i32 = arith.constant 0 : i32
    %c0_i32_0 = arith.constant 0 : i32
    return %arg0, %c0_i32 : i32, i32
  }
  func.func @transform_4(%arg0: i32) -> (i32, i32) {
    %c0_i32 = arith.constant 0 : i32
    %c0_i32_0 = arith.constant 0 : i32
    %c0_i32_1 = arith.constant 0 : i32
    return %c0_i32, %c0_i32_0 : i32, i32
  }
  func.func @transform_5(%arg0: i32) -> (i32, i32) {
    %c0_i32 = arith.constant 0 : i32
    %c0_i32_0 = arith.constant 0 : i32
    %c0_i32_1 = arith.constant 0 : i32
    return %c0_i32, %c0_i32_0 : i32, i32
  }
  func.func @transform_6(%arg0: i32) -> (i32, i32) {
    %c0_i32 = arith.constant 0 : i32
    %c0_i32_0 = arith.constant 0 : i32
    %c0_i32_1 = arith.constant 0 : i32
    return %c0_i32, %c0_i32_0 : i32, i32
  }
  func.func @transform_7(%arg0: i32) -> (i32, i32) {
    %c0_i32 = arith.constant 0 : i32
    %c0_i32_0 = arith.constant 0 : i32
    %c0_i32_1 = arith.constant 0 : i32
    return %c0_i32, %c0_i32_0 : i32, i32
  }
  func.func @transform_8(%arg0: i32) -> (i32, i32) {
    %c0_i32 = arith.constant 0 : i32
    %c0_i32_0 = arith.constant 0 : i32
    %c0_i32_1 = arith.constant 0 : i32
    return %c0_i32, %c0_i32_0 : i32, i32
  }
  func.func @transform_9(%arg0: i32) -> (i32, i32) {
    %c0_i32 = arith.constant 0 : i32
    %c0_i32_0 = arith.constant 0 : i32
    return %arg0, %c0_i32 : i32, i32
  }
  func.func @transform_10(%arg0: i32) -> (i32, i32) {
    %c0_i32 = arith.constant 0 : i32
    %c0_i32_0 = arith.constant 0 : i32
    return %arg0, %c0_i32 : i32, i32
  }
  func.func @transform_11(%arg0: i32) -> (i32, i32) {
    %c0_i32 = arith.constant 0 : i32
    %c0_i32_0 = arith.constant 0 : i32
    return %arg0, %c0_i32 : i32, i32
  }
}

module attributes {stable_mosaic.version = 14 : i64} {
  func.func @body(%arg0: i32, %arg1: memref<1024x128xf32, #tpu.memory_space<vmem>>, %arg2: memref<1024x128xf32, #tpu.memory_space<vmem>>, %arg3: memref<1024x384xf32, #tpu.memory_space<vmem>>, %arg4: memref<1024x128xf32, #tpu.memory_space<vmem>>, %arg5: memref<128x384xf32, #tpu.memory_space<vmem>>, %arg6: memref<1x384xf32, #tpu.memory_space<vmem>>, %arg7: memref<128x128xf32, #tpu.memory_space<vmem>>, %arg8: memref<128x384xf32, #tpu.memory_space<vmem>>, %arg9: memref<1x384xf32, #tpu.memory_space<vmem>>, %arg10: memref<1024x128xf32, #tpu.memory_space<vmem>>, %arg11: memref<1024x128xf32, #tpu.memory_space<vmem>>, %arg12: memref<1024x384xf32, #tpu.memory_space<vmem>>) attributes {dimension_semantics = [#tpu.dimension_semantics<arbitrary>], iteration_bounds = array<i64: 10>, scalar_prefetch = 0 : i64, scratch_operands = 0 : i64, tpu.core_type = #tpu.core_type<tc>, window_params = [{transform_indices = @transform_0, window_bounds = array<i64: 1024, 128>}, {transform_indices = @transform_1, window_bounds = array<i64: 1024, 128>}, {transform_indices = @transform_2, window_bounds = array<i64: 1024, 384>}, {transform_indices = @transform_3, window_bounds = array<i64: 1024, 128>}, {pipeline_mode = #tpu.pipeline_mode<synchronous>, transform_indices = @transform_4, window_bounds = array<i64: 128, 384>}, {pipeline_mode = #tpu.pipeline_mode<synchronous>, transform_indices = @transform_5, window_bounds = array<i64: 1, 384>}, {pipeline_mode = #tpu.pipeline_mode<synchronous>, transform_indices = @transform_6, window_bounds = array<i64: 128, 128>}, {pipeline_mode = #tpu.pipeline_mode<synchronous>, transform_indices = @transform_7, window_bounds = array<i64: 128, 384>}, {pipeline_mode = #tpu.pipeline_mode<synchronous>, transform_indices = @transform_8, window_bounds = array<i64: 1, 384>}, {transform_indices = @transform_9, window_bounds = array<i64: 1024, 128>}, {transform_indices = @transform_10, window_bounds = array<i64: 1024, 128>}, {transform_indices = @transform_11, window_bounds = array<i64: 1024, 384>}]} {
    %get3A = arith.constant 0 : index
    %get3A_0 = arith.constant 0 : index
    %get3A_1 = vector.load %arg1[%get3A, %get3A_0] : memref<1024x128xf32, #tpu.memory_space<vmem>>, vector<1024x128xf32>
    %get3A_2 = arith.constant 0 : index
    %get3A_3 = arith.constant 0 : index
    %get3A_4 = vector.load %arg2[%get3A_2, %get3A_3] : memref<1024x128xf32, #tpu.memory_space<vmem>>, vector<1024x128xf32>
    %add3A = arith.addf %get3A_1, %get3A_4 : vector<1024x128xf32>
    %get3A_5 = arith.constant 0 : index
    %get3A_6 = arith.constant 0 : index
    %get3A_7 = vector.load %arg5[%get3A_5, %get3A_6] : memref<128x384xf32, #tpu.memory_space<vmem>>, vector<128x384xf32>
    %dot_general3A = arith.constant dense<0.000000e+00> : vector<1024x384xf32>
    %dot_general3A_8 = tpu.matmul %add3A, %get3A_7, %dot_general3A {dimension_numbers = #tpu.dot_dimension_numbers<[1], [0], [0], [1], [0, 0, 1, 1], [], []>, transpose_lhs_hint = false} : vector<1024x128xf32>, vector<128x384xf32>, vector<1024x384xf32> -> vector<1024x384xf32>
    %get3A_9 = arith.constant 0 : index
    %get3A_10 = arith.constant 0 : index
    %get3A_11 = vector.load %arg6[%get3A_9, %get3A_10] : memref<1x384xf32, #tpu.memory_space<vmem>>, vector<1x384xf32>
    %add3A_12 = vector.broadcast %get3A_11 : vector<1x384xf32> to vector<1024x384xf32>
    %add3A_13 = arith.addf %dot_general3A_8, %add3A_12 : vector<1024x384xf32>
    %get3A_14 = arith.constant 0 : index
    %get3A_15 = arith.constant 0 : index
    %get3A_16 = vector.load %arg3[%get3A_14, %get3A_15] : memref<1024x384xf32, #tpu.memory_space<vmem>>, vector<1024x384xf32>
    %get3A_17 = arith.constant 0 : index
    %get3A_18 = arith.constant 0 : index
    %get3A_19 = vector.load %arg4[%get3A_17, %get3A_18] : memref<1024x128xf32, #tpu.memory_space<vmem>>, vector<1024x128xf32>
    %slice3A = vector.extract_strided_slice %add3A_13 {offsets = [0, 0], sizes = [1024, 128], strides = [1, 1]} : vector<1024x384xf32> to vector<1024x128xf32>
    %slice3A_20 = vector.extract_strided_slice %add3A_13 {offsets = [0, 128], sizes = [1024, 128], strides = [1, 1]} : vector<1024x384xf32> to vector<1024x128xf32>
    %slice3A_21 = vector.extract_strided_slice %add3A_13 {offsets = [0, 256], sizes = [1024, 128], strides = [1, 1]} : vector<1024x384xf32> to vector<1024x128xf32>
    %slice3A_22 = vector.extract_strided_slice %get3A_16 {offsets = [0, 0], sizes = [1024, 128], strides = [1, 1]} : vector<1024x384xf32> to vector<1024x128xf32>
    %slice3A_23 = vector.extract_strided_slice %get3A_16 {offsets = [0, 128], sizes = [1024, 128], strides = [1, 1]} : vector<1024x384xf32> to vector<1024x128xf32>
    %slice3A_24 = vector.extract_strided_slice %get3A_16 {offsets = [0, 256], sizes = [1024, 128], strides = [1, 1]} : vector<1024x384xf32> to vector<1024x128xf32>
    %add3A_25 = arith.addf %slice3A, %slice3A_22 : vector<1024x128xf32>
    %logistic3A = arith.negf %add3A_25 : vector<1024x128xf32>
    %logistic3A_26 = math.exp %logistic3A : vector<1024x128xf32>
    %logistic3A_27 = arith.constant 1.000000e+00 : f32
    %logistic3A_28 = vector.broadcast %logistic3A_27 : f32 to vector<1024x128xf32>
    %logistic3A_29 = arith.addf %logistic3A_28, %logistic3A_26 : vector<1024x128xf32>
    %logistic3A_30 = arith.divf %logistic3A_28, %logistic3A_29 : vector<1024x128xf32>
    %add3A_31 = arith.addf %slice3A_20, %slice3A_23 : vector<1024x128xf32>
    %logistic3A_32 = arith.negf %add3A_31 : vector<1024x128xf32>
    %logistic3A_33 = math.exp %logistic3A_32 : vector<1024x128xf32>
    %logistic3A_34 = arith.constant 1.000000e+00 : f32
    %logistic3A_35 = vector.broadcast %logistic3A_34 : f32 to vector<1024x128xf32>
    %logistic3A_36 = arith.addf %logistic3A_35, %logistic3A_33 : vector<1024x128xf32>
    %logistic3A_37 = arith.divf %logistic3A_35, %logistic3A_36 : vector<1024x128xf32>
    %mul3A = arith.mulf %logistic3A_30, %slice3A_24 : vector<1024x128xf32>
    %add3A_38 = arith.addf %slice3A_21, %mul3A : vector<1024x128xf32>
    %tanh3A = math.tanh %add3A_38 : vector<1024x128xf32>
    %sub3A = arith.constant 1.000000e+00 : f32
    %sub3A_39 = vector.broadcast %sub3A : f32 to vector<1024x128xf32>
    %sub3A_40 = arith.subf %sub3A_39, %logistic3A_37 : vector<1024x128xf32>
    %mul3A_41 = arith.mulf %sub3A_40, %tanh3A : vector<1024x128xf32>
    %mul3A_42 = arith.mulf %logistic3A_37, %get3A_19 : vector<1024x128xf32>
    %add3A_43 = arith.addf %mul3A_41, %mul3A_42 : vector<1024x128xf32>
    %mul3A_44 = arith.constant 1024 : i32
    %mul3A_45 = arith.muli %arg0, %mul3A_44 : i32
    %iota3A = tpu.iota {dimensions = array<i32: 0>} : vector<1024x128xi32>
    %add3A_46 = vector.broadcast %mul3A_45 : i32 to vector<1024x128xi32>
    %add3A_47 = arith.addi %add3A_46, %iota3A : vector<1024x128xi32>
    %lt3A = arith.constant 10000 : i32
    %lt3A_48 = vector.broadcast %lt3A : i32 to vector<1024x128xi32>
    %lt3A_49 = arith.cmpi slt, %add3A_47, %lt3A_48 : vector<1024x128xi32>
    %jit3A = arith.constant 0.000000e+00 : f32
    %broadcast_in_dim3A = vector.broadcast %jit3A : f32 to vector<1024x128xf32>
    %select_n3A = arith.select %lt3A_49, %add3A_43, %broadcast_in_dim3A : vector<1024x128xi1>, vector<1024x128xf32>
    %swap3A = arith.constant 0 : index
    %swap3A_50 = arith.constant 0 : index
    %swap3A_51 = vector.load %arg10[%swap3A, %swap3A_50] : memref<1024x128xf32, #tpu.memory_space<vmem>>, vector<1024x128xf32>
    tpu.vector_store %arg10[%swap3A, %swap3A_50], %select_n3A {strides = array<i32>} : memref<1024x128xf32, #tpu.memory_space<vmem>>, vector<1024x128xf32>,
    %get3A_52 = arith.constant 0 : index
    %get3A_53 = arith.constant 0 : index
    %get3A_54 = vector.load %arg7[%get3A_52, %get3A_53] : memref<128x128xf32, #tpu.memory_space<vmem>>, vector<128x128xf32>
    %dot_general3A_55 = arith.constant dense<0.000000e+00> : vector<1024x128xf32>
    %dot_general3A_56 = tpu.matmul %select_n3A, %get3A_54, %dot_general3A_55 {dimension_numbers = #tpu.dot_dimension_numbers<[1], [0], [0], [1], [0, 0, 1, 1], [], []>, transpose_lhs_hint = false} : vector<1024x128xf32>, vector<128x128xf32>, vector<1024x128xf32> -> vector<1024x128xf32>
    %swap3A_57 = arith.constant 0 : index
    %swap3A_58 = arith.constant 0 : index
    %swap3A_59 = vector.load %arg11[%swap3A_57, %swap3A_58] : memref<1024x128xf32, #tpu.memory_space<vmem>>, vector<1024x128xf32>
    tpu.vector_store %arg11[%swap3A_57, %swap3A_58], %dot_general3A_56 {strides = array<i32>} : memref<1024x128xf32, #tpu.memory_space<vmem>>, vector<1024x128xf32>,
    %get3A_60 = arith.constant 0 : index
    %get3A_61 = arith.constant 0 : index
    %get3A_62 = vector.load %arg8[%get3A_60, %get3A_61] : memref<128x384xf32, #tpu.memory_space<vmem>>, vector<128x384xf32>
    %dot_general3A_63 = arith.constant dense<0.000000e+00> : vector<1024x384xf32>
    %dot_general3A_64 = tpu.matmul %select_n3A, %get3A_62, %dot_general3A_63 {dimension_numbers = #tpu.dot_dimension_numbers<[1], [0], [0], [1], [0, 0, 1, 1], [], []>, transpose_lhs_hint = false} : vector<1024x128xf32>, vector<128x384xf32>, vector<1024x384xf32> -> vector<1024x384xf32>
    %get3A_65 = arith.constant 0 : index
    %get3A_66 = arith.constant 0 : index
    %get3A_67 = vector.load %arg9[%get3A_65, %get3A_66] : memref<1x384xf32, #tpu.memory_space<vmem>>, vector<1x384xf32>
    %add3A_68 = vector.broadcast %get3A_67 : vector<1x384xf32> to vector<1024x384xf32>
    %add3A_69 = arith.addf %dot_general3A_64, %add3A_68 : vector<1024x384xf32>
    %swap3A_70 = arith.constant 0 : index
    %swap3A_71 = arith.constant 0 : index
    %swap3A_72 = vector.load %arg12[%swap3A_70, %swap3A_71] : memref<1024x384xf32, #tpu.memory_space<vmem>>, vector<1024x384xf32>
    tpu.vector_store %arg12[%swap3A_70, %swap3A_71], %add3A_69 {strides = array<i32>} : memref<1024x384xf32, #tpu.memory_space<vmem>>, vector<1024x384xf32>,
    return
  }
  func.func @transform_0(%arg0: i32) -> (i32, i32) {
    %c0_i32 = arith.constant 0 : i32
    %c0_i32_0 = arith.constant 0 : i32
    return %arg0, %c0_i32 : i32, i32
  }
  func.func @transform_1(%arg0: i32) -> (i32, i32) {
    %add3A = arith.constant 10 : i32
    %add3A_0 = arith.addi %arg0, %add3A : i32
    %c0_i32 = arith.constant 0 : i32
    %c0_i32_1 = arith.constant 0 : i32
    return %add3A_0, %c0_i32 : i32, i32
  }
  func.func @transform_2(%arg0: i32) -> (i32, i32) {
    %c0_i32 = arith.constant 0 : i32
    %c0_i32_0 = arith.constant 0 : i32
    return %arg0, %c0_i32 : i32, i32
  }
  func.func @transform_3(%arg0: i32) -> (i32, i32) {
    %c0_i32 = arith.constant 0 : i32
    %c0_i32_0 = arith.constant 0 : i32
    return %arg0, %c0_i32 : i32, i32
  }
  func.func @transform_4(%arg0: i32) -> (i32, i32) {
    %c0_i32 = arith.constant 0 : i32
    %c0_i32_0 = arith.constant 0 : i32
    %c0_i32_1 = arith.constant 0 : i32
    return %c0_i32, %c0_i32_0 : i32, i32
  }
  func.func @transform_5(%arg0: i32) -> (i32, i32) {
    %c0_i32 = arith.constant 0 : i32
    %c0_i32_0 = arith.constant 0 : i32
    %c0_i32_1 = arith.constant 0 : i32
    return %c0_i32, %c0_i32_0 : i32, i32
  }
  func.func @transform_6(%arg0: i32) -> (i32, i32) {
    %c0_i32 = arith.constant 0 : i32
    %c0_i32_0 = arith.constant 0 : i32
    %c0_i32_1 = arith.constant 0 : i32
    return %c0_i32, %c0_i32_0 : i32, i32
  }
  func.func @transform_7(%arg0: i32) -> (i32, i32) {
    %c0_i32 = arith.constant 0 : i32
    %c0_i32_0 = arith.constant 0 : i32
    %c0_i32_1 = arith.constant 0 : i32
    return %c0_i32, %c0_i32_0 : i32, i32
  }
  func.func @transform_8(%arg0: i32) -> (i32, i32) {
    %c0_i32 = arith.constant 0 : i32
    %c0_i32_0 = arith.constant 0 : i32
    %c0_i32_1 = arith.constant 0 : i32
    return %c0_i32, %c0_i32_0 : i32, i32
  }
  func.func @transform_9(%arg0: i32) -> (i32, i32) {
    %c0_i32 = arith.constant 0 : i32
    %c0_i32_0 = arith.constant 0 : i32
    return %arg0, %c0_i32 : i32, i32
  }
  func.func @transform_10(%arg0: i32) -> (i32, i32) {
    %c0_i32 = arith.constant 0 : i32
    %c0_i32_0 = arith.constant 0 : i32
    return %arg0, %c0_i32 : i32, i32
  }
  func.func @transform_11(%arg0: i32) -> (i32, i32) {
    %c0_i32 = arith.constant 0 : i32
    %c0_i32_0 = arith.constant 0 : i32
    return %arg0, %c0_i32 : i32, i32
  }
}

module attributes {stable_mosaic.version = 14 : i64} {
  func.func @body(%arg0: i32, %arg1: memref<1024x128xf32, #tpu.memory_space<vmem>>, %arg2: memref<128x768xf32, #tpu.memory_space<vmem>>, %arg3: memref<1x768xf32, #tpu.memory_space<vmem>>, %arg4: memref<1024x768xf32, #tpu.memory_space<vmem>>) attributes {dimension_semantics = [#tpu.dimension_semantics<arbitrary>], iteration_bounds = array<i64: 8>, scalar_prefetch = 0 : i64, scratch_operands = 0 : i64, tpu.core_type = #tpu.core_type<tc>, window_params = [{transform_indices = @transform_0, window_bounds = array<i64: 1024, 128>}, {pipeline_mode = #tpu.pipeline_mode<synchronous>, transform_indices = @transform_1, window_bounds = array<i64: 128, 768>}, {pipeline_mode = #tpu.pipeline_mode<synchronous>, transform_indices = @transform_2, window_bounds = array<i64: 1, 768>}, {transform_indices = @transform_3, window_bounds = array<i64: 1024, 768>}]} {
    %get3A = arith.constant 0 : index
    %get3A_0 = arith.constant 0 : index
    %get3A_1 = vector.load %arg1[%get3A, %get3A_0] : memref<1024x128xf32, #tpu.memory_space<vmem>>, vector<1024x128xf32>
    %get3A_2 = arith.constant 0 : index
    %get3A_3 = arith.constant 0 : index
    %get3A_4 = vector.load %arg2[%get3A_2, %get3A_3] : memref<128x768xf32, #tpu.memory_space<vmem>>, vector<128x768xf32>
    %dot_general3A = arith.constant dense<0.000000e+00> : vector<1024x768xf32>
    %dot_general3A_5 = tpu.matmul %get3A_1, %get3A_4, %dot_general3A {dimension_numbers = #tpu.dot_dimension_numbers<[1], [0], [0], [1], [0, 0, 1, 1], [], []>, transpose_lhs_hint = false} : vector<1024x128xf32>, vector<128x768xf32>, vector<1024x768xf32> -> vector<1024x768xf32>
    %get3A_6 = arith.constant 0 : index
    %get3A_7 = arith.constant 0 : index
    %get3A_8 = vector.load %arg3[%get3A_6, %get3A_7] : memref<1x768xf32, #tpu.memory_space<vmem>>, vector<1x768xf32>
    %add3A = vector.broadcast %get3A_8 : vector<1x768xf32> to vector<1024x768xf32>
    %add3A_9 = arith.addf %dot_general3A_5, %add3A : vector<1024x768xf32>
    %swap3A = arith.constant 0 : index
    %swap3A_10 = arith.constant 0 : index
    %swap3A_11 = vector.load %arg4[%swap3A, %swap3A_10] : memref<1024x768xf32, #tpu.memory_space<vmem>>, vector<1024x768xf32>
    tpu.vector_store %arg4[%swap3A, %swap3A_10], %add3A_9 {strides = array<i32>} : memref<1024x768xf32, #tpu.memory_space<vmem>>, vector<1024x768xf32>,
    return
  }
  func.func @transform_0(%arg0: i32) -> (i32, i32) {
    %c0_i32 = arith.constant 0 : i32
    %c0_i32_0 = arith.constant 0 : i32
    return %arg0, %c0_i32 : i32, i32
  }
  func.func @transform_1(%arg0: i32) -> (i32, i32) {
    %c0_i32 = arith.constant 0 : i32
    %c0_i32_0 = arith.constant 0 : i32
    %c0_i32_1 = arith.constant 0 : i32
    return %c0_i32, %c0_i32_0 : i32, i32
  }
  func.func @transform_2(%arg0: i32) -> (i32, i32) {
    %c0_i32 = arith.constant 0 : i32
    %c0_i32_0 = arith.constant 0 : i32
    %c0_i32_1 = arith.constant 0 : i32
    return %c0_i32, %c0_i32_0 : i32, i32
  }
  func.func @transform_3(%arg0: i32) -> (i32, i32) {
    %c0_i32 = arith.constant 0 : i32
    %c0_i32_0 = arith.constant 0 : i32
    return %arg0, %c0_i32 : i32, i32
  }
}

module attributes {stable_mosaic.version = 14 : i64} {
  func.func @body(%arg0: i32, %arg1: memref<1024x768xf32, #tpu.memory_space<vmem>>, %arg2: memref<1024x768xf32, #tpu.memory_space<vmem>>, %arg3: memref<128x384xf32, #tpu.memory_space<vmem>>, %arg4: memref<128x384xf32, #tpu.memory_space<vmem>>, %arg5: memref<1x384xf32, #tpu.memory_space<vmem>>, %arg6: memref<1x384xf32, #tpu.memory_space<vmem>>, %arg7: memref<1024x128xf32, #tpu.memory_space<vmem>>, %arg8: memref<1024x128xf32, #tpu.memory_space<vmem>>, %arg9: memref<16x128xf32, #tpu.memory_space<vmem>>, %arg10: memref<16x128xf32, #tpu.memory_space<vmem>>, %arg11: memref<16x128xf32, #tpu.memory_space<vmem>>, %arg12: memref<16x128xf32, #tpu.memory_space<vmem>>) attributes {dimension_semantics = [#tpu.dimension_semantics<arbitrary>], iteration_bounds = array<i64: 8>, scalar_prefetch = 0 : i64, scratch_operands = 2 : i64, tpu.core_type = #tpu.core_type<tc>, window_params = [{transform_indices = @transform_0, window_bounds = array<i64: 1024, 768>}, {transform_indices = @transform_1, window_bounds = array<i64: 1024, 768>}, {pipeline_mode = #tpu.pipeline_mode<synchronous>, transform_indices = @transform_2, window_bounds = array<i64: 128, 384>}, {pipeline_mode = #tpu.pipeline_mode<synchronous>, transform_indices = @transform_3, window_bounds = array<i64: 128, 384>}, {pipeline_mode = #tpu.pipeline_mode<synchronous>, transform_indices = @transform_4, window_bounds = array<i64: 1, 384>}, {pipeline_mode = #tpu.pipeline_mode<synchronous>, transform_indices = @transform_5, window_bounds = array<i64: 1, 384>}, {transform_indices = @transform_6, window_bounds = array<i64: 1024, 128>}, {transform_indices = @transform_7, window_bounds = array<i64: 1024, 128>}, {pipeline_mode = #tpu.pipeline_mode<synchronous>, transform_indices = @transform_8, window_bounds = array<i64: 16, 128>}, {pipeline_mode = #tpu.pipeline_mode<synchronous>, transform_indices = @transform_9, window_bounds = array<i64: 16, 128>}]} {
    %eq3A = arith.constant 0 : i32
    %eq3A_0 = arith.cmpi eq, %arg0, %eq3A : i32
    %convert_element_type3A = arith.extui %eq3A_0 : i1 to i32
    %cond3A = arith.constant 0 : i32
    %cond3A_1 = arith.cmpi ne, %convert_element_type3A, %cond3A : i32
    scf.if %cond3A_1 {
      %broadcast_in_dim3A = arith.constant 0.000000e+00 : f32
      %broadcast_in_dim3A_16 = vector.broadcast %broadcast_in_dim3A : f32 to vector<16x128xf32>
      %swap3A_17 = arith.constant 0 : index
      %swap3A_18 = arith.constant 0 : index
      %swap3A_19 = vector.load %arg11[%swap3A_17, %swap3A_18] : memref<16x128xf32, #tpu.memory_space<vmem>>, vector<16x128xf32>
      tpu.vector_store %arg11[%swap3A_17, %swap3A_18], %broadcast_in_dim3A_16 {strides = array<i32>} : memref<16x128xf32, #tpu.memory_space<vmem>>, vector<16x128xf32>,
      %broadcast_in_dim3A_20 = arith.constant 0.000000e+00 : f32
      %broadcast_in_dim3A_21 = vector.broadcast %broadcast_in_dim3A_20 : f32 to vector<16x128xf32>
      %swap3A_22 = arith.constant 0 : index
      %swap3A_23 = arith.constant 0 : index
      %swap3A_24 = vector.load %arg12[%swap3A_22, %swap3A_23] : memref<16x128xf32, #tpu.memory_space<vmem>>, vector<16x128xf32>
      tpu.vector_store %arg12[%swap3A_22, %swap3A_23], %broadcast_in_dim3A_21 {strides = array<i32>} : memref<16x128xf32, #tpu.memory_space<vmem>>, vector<16x128xf32>,
    } else {
    }
    %scan3A = arith.constant 0 : i32
    %scan3A_2 = arith.constant 64 : i32
    %scan3A_3 = arith.addi %scan3A, %scan3A_2 : i32
    %scan3A_4 = arith.constant 1 : i32
    scf.for %scan3A_16 = %scan3A to %scan3A_3 step %scan3A_4  : i32 {
      %mul3A = arith.constant 16 : i32
      %mul3A_17 = arith.muli %scan3A_16, %mul3A : i32
      %get3A_18 = arith.index_cast %mul3A_17 : i32 to index
      %get3A_19 = arith.constant 0 : index
      %get3A_20 = vector.load %arg1[%get3A_18, %get3A_19] : memref<1024x768xf32, #tpu.memory_space<vmem>>, vector<16x384xf32>
      %get3A_21 = arith.constant 0 : index
      %get3A_22 = arith.constant 0 : index
      %get3A_23 = vector.load %arg11[%get3A_21, %get3A_22] : memref<16x128xf32, #tpu.memory_space<vmem>>, vector<16x128xf32>
      %get3A_24 = arith.constant 0 : index
      %get3A_25 = arith.constant 0 : index
      %get3A_26 = vector.load %arg3[%get3A_24, %get3A_25] : memref<128x384xf32, #tpu.memory_space<vmem>>, vector<128x384xf32>
      %dot_general3A = arith.constant dense<0.000000e+00> : vector<16x384xf32>
      %dot_general3A_27 = tpu.matmul %get3A_23, %get3A_26, %dot_general3A {dimension_numbers = #tpu.dot_dimension_numbers<[1], [0], [0], [1], [0, 0, 1, 1], [], []>, transpose_lhs_hint = false} : vector<16x128xf32>, vector<128x384xf32>, vector<16x384xf32> -> vector<16x384xf32>
      %get3A_28 = arith.constant 0 : index
      %get3A_29 = arith.constant 0 : index
      %get3A_30 = vector.load %arg5[%get3A_28, %get3A_29] : memref<1x384xf32, #tpu.memory_space<vmem>>, vector<1x384xf32>
      %add3A = vector.broadcast %get3A_30 : vector<1x384xf32> to vector<16x384xf32>
      %add3A_31 = arith.addf %dot_general3A_27, %add3A : vector<16x384xf32>
      %get3A_32 = arith.constant 0 : index
      %get3A_33 = arith.constant 0 : index
      %get3A_34 = vector.load %arg11[%get3A_32, %get3A_33] : memref<16x128xf32, #tpu.memory_space<vmem>>, vector<16x128xf32>
      %slice3A = vector.extract_strided_slice %get3A_20 {offsets = [0, 0], sizes = [16, 128], strides = [1, 1]} : vector<16x384xf32> to vector<16x128xf32>
      %slice3A_35 = vector.extract_strided_slice %get3A_20 {offsets = [0, 128], sizes = [16, 128], strides = [1, 1]} : vector<16x384xf32> to vector<16x128xf32>
      %slice3A_36 = vector.extract_strided_slice %get3A_20 {offsets = [0, 256], sizes = [16, 128], strides = [1, 1]} : vector<16x384xf32> to vector<16x128xf32>
      %slice3A_37 = vector.extract_strided_slice %add3A_31 {offsets = [0, 0], sizes = [16, 128], strides = [1, 1]} : vector<16x384xf32> to vector<16x128xf32>
      %slice3A_38 = vector.extract_strided_slice %add3A_31 {offsets = [0, 128], sizes = [16, 128], strides = [1, 1]} : vector<16x384xf32> to vector<16x128xf32>
      %slice3A_39 = vector.extract_strided_slice %add3A_31 {offsets = [0, 256], sizes = [16, 128], strides = [1, 1]} : vector<16x384xf32> to vector<16x128xf32>
      %add3A_40 = arith.addf %slice3A, %slice3A_37 : vector<16x128xf32>
      %logistic3A = arith.negf %add3A_40 : vector<16x128xf32>
      %logistic3A_41 = math.exp %logistic3A : vector<16x128xf32>
      %logistic3A_42 = arith.constant 1.000000e+00 : f32
      %logistic3A_43 = vector.broadcast %logistic3A_42 : f32 to vector<16x128xf32>
      %logistic3A_44 = arith.addf %logistic3A_43, %logistic3A_41 : vector<16x128xf32>
      %logistic3A_45 = arith.divf %logistic3A_43, %logistic3A_44 : vector<16x128xf32>
      %add3A_46 = arith.addf %slice3A_35, %slice3A_38 : vector<16x128xf32>
      %logistic3A_47 = arith.negf %add3A_46 : vector<16x128xf32>
      %logistic3A_48 = math.exp %logistic3A_47 : vector<16x128xf32>
      %logistic3A_49 = arith.constant 1.000000e+00 : f32
      %logistic3A_50 = vector.broadcast %logistic3A_49 : f32 to vector<16x128xf32>
      %logistic3A_51 = arith.addf %logistic3A_50, %logistic3A_48 : vector<16x128xf32>
      %logistic3A_52 = arith.divf %logistic3A_50, %logistic3A_51 : vector<16x128xf32>
      %mul3A_53 = arith.mulf %logistic3A_45, %slice3A_39 : vector<16x128xf32>
      %add3A_54 = arith.addf %slice3A_36, %mul3A_53 : vector<16x128xf32>
      %tanh3A = math.tanh %add3A_54 : vector<16x128xf32>
      %sub3A = arith.constant 1.000000e+00 : f32
      %sub3A_55 = vector.broadcast %sub3A : f32 to vector<16x128xf32>
      %sub3A_56 = arith.subf %sub3A_55, %logistic3A_52 : vector<16x128xf32>
      %mul3A_57 = arith.mulf %sub3A_56, %tanh3A : vector<16x128xf32>
      %mul3A_58 = arith.mulf %logistic3A_52, %get3A_34 : vector<16x128xf32>
      %add3A_59 = arith.addf %mul3A_57, %mul3A_58 : vector<16x128xf32>
      %swap3A_60 = arith.constant 0 : index
      %swap3A_61 = arith.constant 0 : index
      %swap3A_62 = vector.load %arg11[%swap3A_60, %swap3A_61] : memref<16x128xf32, #tpu.memory_space<vmem>>, vector<16x128xf32>
      tpu.vector_store %arg11[%swap3A_60, %swap3A_61], %add3A_59 {strides = array<i32>} : memref<16x128xf32, #tpu.memory_space<vmem>>, vector<16x128xf32>,
      %mul3A_63 = arith.constant 16 : i32
      %mul3A_64 = arith.muli %scan3A_16, %mul3A_63 : i32
      %swap3A_65 = arith.index_cast %mul3A_64 : i32 to index
      %swap3A_66 = arith.constant 0 : index
      %swap3A_67 = vector.load %arg7[%swap3A_65, %swap3A_66] : memref<1024x128xf32, #tpu.memory_space<vmem>>, vector<16x128xf32>
      tpu.vector_store %arg7[%swap3A_65, %swap3A_66], %add3A_59 {strides = array<i32>} : memref<1024x128xf32, #tpu.memory_space<vmem>>, vector<16x128xf32>,
      %sub3A_68 = arith.constant 63 : i32
      %sub3A_69 = arith.subi %sub3A_68, %scan3A_16 : i32
      %mul3A_70 = arith.constant 16 : i32
      %mul3A_71 = arith.muli %sub3A_69, %mul3A_70 : i32
      %get3A_72 = arith.index_cast %mul3A_71 : i32 to index
      %get3A_73 = arith.constant 384 : index
      %get3A_74 = vector.load %arg2[%get3A_72, %get3A_73] : memref<1024x768xf32, #tpu.memory_space<vmem>>, vector<16x384xf32>
      %get3A_75 = arith.constant 0 : index
      %get3A_76 = arith.constant 0 : index
      %get3A_77 = vector.load %arg12[%get3A_75, %get3A_76] : memref<16x128xf32, #tpu.memory_space<vmem>>, vector<16x128xf32>
      %get3A_78 = arith.constant 0 : index
      %get3A_79 = arith.constant 0 : index
      %get3A_80 = vector.load %arg4[%get3A_78, %get3A_79] : memref<128x384xf32, #tpu.memory_space<vmem>>, vector<128x384xf32>
      %dot_general3A_81 = arith.constant dense<0.000000e+00> : vector<16x384xf32>
      %dot_general3A_82 = tpu.matmul %get3A_77, %get3A_80, %dot_general3A_81 {dimension_numbers = #tpu.dot_dimension_numbers<[1], [0], [0], [1], [0, 0, 1, 1], [], []>, transpose_lhs_hint = false} : vector<16x128xf32>, vector<128x384xf32>, vector<16x384xf32> -> vector<16x384xf32>
      %get3A_83 = arith.constant 0 : index
      %get3A_84 = arith.constant 0 : index
      %get3A_85 = vector.load %arg6[%get3A_83, %get3A_84] : memref<1x384xf32, #tpu.memory_space<vmem>>, vector<1x384xf32>
      %add3A_86 = vector.broadcast %get3A_85 : vector<1x384xf32> to vector<16x384xf32>
      %add3A_87 = arith.addf %dot_general3A_82, %add3A_86 : vector<16x384xf32>
      %get3A_88 = arith.constant 0 : index
      %get3A_89 = arith.constant 0 : index
      %get3A_90 = vector.load %arg12[%get3A_88, %get3A_89] : memref<16x128xf32, #tpu.memory_space<vmem>>, vector<16x128xf32>
      %slice3A_91 = vector.extract_strided_slice %get3A_74 {offsets = [0, 0], sizes = [16, 128], strides = [1, 1]} : vector<16x384xf32> to vector<16x128xf32>
      %slice3A_92 = vector.extract_strided_slice %get3A_74 {offsets = [0, 128], sizes = [16, 128], strides = [1, 1]} : vector<16x384xf32> to vector<16x128xf32>
      %slice3A_93 = vector.extract_strided_slice %get3A_74 {offsets = [0, 256], sizes = [16, 128], strides = [1, 1]} : vector<16x384xf32> to vector<16x128xf32>
      %slice3A_94 = vector.extract_strided_slice %add3A_87 {offsets = [0, 0], sizes = [16, 128], strides = [1, 1]} : vector<16x384xf32> to vector<16x128xf32>
      %slice3A_95 = vector.extract_strided_slice %add3A_87 {offsets = [0, 128], sizes = [16, 128], strides = [1, 1]} : vector<16x384xf32> to vector<16x128xf32>
      %slice3A_96 = vector.extract_strided_slice %add3A_87 {offsets = [0, 256], sizes = [16, 128], strides = [1, 1]} : vector<16x384xf32> to vector<16x128xf32>
      %add3A_97 = arith.addf %slice3A_91, %slice3A_94 : vector<16x128xf32>
      %logistic3A_98 = arith.negf %add3A_97 : vector<16x128xf32>
      %logistic3A_99 = math.exp %logistic3A_98 : vector<16x128xf32>
      %logistic3A_100 = arith.constant 1.000000e+00 : f32
      %logistic3A_101 = vector.broadcast %logistic3A_100 : f32 to vector<16x128xf32>
      %logistic3A_102 = arith.addf %logistic3A_101, %logistic3A_99 : vector<16x128xf32>
      %logistic3A_103 = arith.divf %logistic3A_101, %logistic3A_102 : vector<16x128xf32>
      %add3A_104 = arith.addf %slice3A_92, %slice3A_95 : vector<16x128xf32>
      %logistic3A_105 = arith.negf %add3A_104 : vector<16x128xf32>
      %logistic3A_106 = math.exp %logistic3A_105 : vector<16x128xf32>
      %logistic3A_107 = arith.constant 1.000000e+00 : f32
      %logistic3A_108 = vector.broadcast %logistic3A_107 : f32 to vector<16x128xf32>
      %logistic3A_109 = arith.addf %logistic3A_108, %logistic3A_106 : vector<16x128xf32>
      %logistic3A_110 = arith.divf %logistic3A_108, %logistic3A_109 : vector<16x128xf32>
      %mul3A_111 = arith.mulf %logistic3A_103, %slice3A_96 : vector<16x128xf32>
      %add3A_112 = arith.addf %slice3A_93, %mul3A_111 : vector<16x128xf32>
      %tanh3A_113 = math.tanh %add3A_112 : vector<16x128xf32>
      %sub3A_114 = arith.constant 1.000000e+00 : f32
      %sub3A_115 = vector.broadcast %sub3A_114 : f32 to vector<16x128xf32>
      %sub3A_116 = arith.subf %sub3A_115, %logistic3A_110 : vector<16x128xf32>
      %mul3A_117 = arith.mulf %sub3A_116, %tanh3A_113 : vector<16x128xf32>
      %mul3A_118 = arith.mulf %logistic3A_110, %get3A_90 : vector<16x128xf32>
      %add3A_119 = arith.addf %mul3A_117, %mul3A_118 : vector<16x128xf32>
      %swap3A_120 = arith.constant 0 : index
      %swap3A_121 = arith.constant 0 : index
      %swap3A_122 = vector.load %arg12[%swap3A_120, %swap3A_121] : memref<16x128xf32, #tpu.memory_space<vmem>>, vector<16x128xf32>
      tpu.vector_store %arg12[%swap3A_120, %swap3A_121], %add3A_119 {strides = array<i32>} : memref<16x128xf32, #tpu.memory_space<vmem>>, vector<16x128xf32>,
      %mul3A_123 = arith.constant 16 : i32
      %mul3A_124 = arith.muli %sub3A_69, %mul3A_123 : i32
      %swap3A_125 = arith.index_cast %mul3A_124 : i32 to index
      %swap3A_126 = arith.constant 0 : index
      %swap3A_127 = vector.load %arg8[%swap3A_125, %swap3A_126] : memref<1024x128xf32, #tpu.memory_space<vmem>>, vector<16x128xf32>
      tpu.vector_store %arg8[%swap3A_125, %swap3A_126], %add3A_119 {strides = array<i32>} : memref<1024x128xf32, #tpu.memory_space<vmem>>, vector<16x128xf32>,
    }
    %scan3A_5 = arith.constant 64 : i32
    %get3A = arith.constant 0 : index
    %get3A_6 = arith.constant 0 : index
    %get3A_7 = vector.load %arg11[%get3A, %get3A_6] : memref<16x128xf32, #tpu.memory_space<vmem>>, vector<16x128xf32>
    %swap3A = arith.constant 0 : index
    %swap3A_8 = arith.constant 0 : index
    %swap3A_9 = vector.load %arg9[%swap3A, %swap3A_8] : memref<16x128xf32, #tpu.memory_space<vmem>>, vector<16x128xf32>
    tpu.vector_store %arg9[%swap3A, %swap3A_8], %get3A_7 {strides = array<i32>} : memref<16x128xf32, #tpu.memory_space<vmem>>, vector<16x128xf32>,
    %get3A_10 = arith.constant 0 : index
    %get3A_11 = arith.constant 0 : index
    %get3A_12 = vector.load %arg12[%get3A_10, %get3A_11] : memref<16x128xf32, #tpu.memory_space<vmem>>, vector<16x128xf32>
    %swap3A_13 = arith.constant 0 : index
    %swap3A_14 = arith.constant 0 : index
    %swap3A_15 = vector.load %arg10[%swap3A_13, %swap3A_14] : memref<16x128xf32, #tpu.memory_space<vmem>>, vector<16x128xf32>
    tpu.vector_store %arg10[%swap3A_13, %swap3A_14], %get3A_12 {strides = array<i32>} : memref<16x128xf32, #tpu.memory_space<vmem>>, vector<16x128xf32>,
    return
  }
  func.func @transform_0(%arg0: i32) -> (i32, i32) {
    %c0_i32 = arith.constant 0 : i32
    %c0_i32_0 = arith.constant 0 : i32
    return %arg0, %c0_i32 : i32, i32
  }
  func.func @transform_1(%arg0: i32) -> (i32, i32) {
    %sub3A = arith.constant 7 : i32
    %sub3A_0 = arith.subi %sub3A, %arg0 : i32
    %c0_i32 = arith.constant 0 : i32
    %c0_i32_1 = arith.constant 0 : i32
    return %sub3A_0, %c0_i32 : i32, i32
  }
  func.func @transform_2(%arg0: i32) -> (i32, i32) {
    %c0_i32 = arith.constant 0 : i32
    %c0_i32_0 = arith.constant 0 : i32
    %c0_i32_1 = arith.constant 0 : i32
    return %c0_i32, %c0_i32_0 : i32, i32
  }
  func.func @transform_3(%arg0: i32) -> (i32, i32) {
    %c0_i32 = arith.constant 0 : i32
    %c0_i32_0 = arith.constant 0 : i32
    %c0_i32_1 = arith.constant 0 : i32
    return %c0_i32, %c0_i32_0 : i32, i32
  }
  func.func @transform_4(%arg0: i32) -> (i32, i32) {
    %c0_i32 = arith.constant 0 : i32
    %c0_i32_0 = arith.constant 0 : i32
    %c0_i32_1 = arith.constant 0 : i32
    return %c0_i32, %c0_i32_0 : i32, i32
  }
  func.func @transform_5(%arg0: i32) -> (i32, i32) {
    %c0_i32 = arith.constant 0 : i32
    %c0_i32_0 = arith.constant 0 : i32
    %c0_i32_1 = arith.constant 0 : i32
    return %c0_i32, %c0_i32_0 : i32, i32
  }
  func.func @transform_6(%arg0: i32) -> (i32, i32) {
    %c0_i32 = arith.constant 0 : i32
    %c0_i32_0 = arith.constant 0 : i32
    return %arg0, %c0_i32 : i32, i32
  }
  func.func @transform_7(%arg0: i32) -> (i32, i32) {
    %sub3A = arith.constant 7 : i32
    %sub3A_0 = arith.subi %sub3A, %arg0 : i32
    %c0_i32 = arith.constant 0 : i32
    %c0_i32_1 = arith.constant 0 : i32
    return %sub3A_0, %c0_i32 : i32, i32
  }
  func.func @transform_8(%arg0: i32) -> (i32, i32) {
    %c0_i32 = arith.constant 0 : i32
    %c0_i32_0 = arith.constant 0 : i32
    %c0_i32_1 = arith.constant 0 : i32
    return %c0_i32, %c0_i32_0 : i32, i32
  }
  func.func @transform_9(%arg0: i32) -> (i32, i32) {
    %c0_i32 = arith.constant 0 : i32
    %c0_i32_0 = arith.constant 0 : i32
    %c0_i32_1 = arith.constant 0 : i32
    return %c0_i32, %c0_i32_0 : i32, i32
  }
}

module attributes {stable_mosaic.version = 14 : i64} {
  func.func @body(%arg0: i32, %arg1: memref<1024x128xf32, #tpu.memory_space<vmem>>, %arg2: memref<1024x128xf32, #tpu.memory_space<vmem>>, %arg3: memref<128x768xf32, #tpu.memory_space<vmem>>, %arg4: memref<128x768xf32, #tpu.memory_space<vmem>>, %arg5: memref<1x768xf32, #tpu.memory_space<vmem>>, %arg6: memref<1024x768xf32, #tpu.memory_space<vmem>>) attributes {dimension_semantics = [#tpu.dimension_semantics<arbitrary>], iteration_bounds = array<i64: 8>, scalar_prefetch = 0 : i64, scratch_operands = 0 : i64, tpu.core_type = #tpu.core_type<tc>, window_params = [{transform_indices = @transform_0, window_bounds = array<i64: 1024, 128>}, {transform_indices = @transform_1, window_bounds = array<i64: 1024, 128>}, {pipeline_mode = #tpu.pipeline_mode<synchronous>, transform_indices = @transform_2, window_bounds = array<i64: 128, 768>}, {pipeline_mode = #tpu.pipeline_mode<synchronous>, transform_indices = @transform_3, window_bounds = array<i64: 128, 768>}, {pipeline_mode = #tpu.pipeline_mode<synchronous>, transform_indices = @transform_4, window_bounds = array<i64: 1, 768>}, {transform_indices = @transform_5, window_bounds = array<i64: 1024, 768>}]} {
    %get3A = arith.constant 0 : index
    %get3A_0 = arith.constant 0 : index
    %get3A_1 = vector.load %arg1[%get3A, %get3A_0] : memref<1024x128xf32, #tpu.memory_space<vmem>>, vector<1024x128xf32>
    %get3A_2 = arith.constant 0 : index
    %get3A_3 = arith.constant 0 : index
    %get3A_4 = vector.load %arg3[%get3A_2, %get3A_3] : memref<128x768xf32, #tpu.memory_space<vmem>>, vector<128x768xf32>
    %dot_general3A = arith.constant dense<0.000000e+00> : vector<1024x768xf32>
    %dot_general3A_5 = tpu.matmul %get3A_1, %get3A_4, %dot_general3A {dimension_numbers = #tpu.dot_dimension_numbers<[1], [0], [0], [1], [0, 0, 1, 1], [], []>, transpose_lhs_hint = false} : vector<1024x128xf32>, vector<128x768xf32>, vector<1024x768xf32> -> vector<1024x768xf32>
    %get3A_6 = arith.constant 0 : index
    %get3A_7 = arith.constant 0 : index
    %get3A_8 = vector.load %arg2[%get3A_6, %get3A_7] : memref<1024x128xf32, #tpu.memory_space<vmem>>, vector<1024x128xf32>
    %get3A_9 = arith.constant 0 : index
    %get3A_10 = arith.constant 0 : index
    %get3A_11 = vector.load %arg4[%get3A_9, %get3A_10] : memref<128x768xf32, #tpu.memory_space<vmem>>, vector<128x768xf32>
    %dot_general3A_12 = arith.constant dense<0.000000e+00> : vector<1024x768xf32>
    %dot_general3A_13 = tpu.matmul %get3A_8, %get3A_11, %dot_general3A_12 {dimension_numbers = #tpu.dot_dimension_numbers<[1], [0], [0], [1], [0, 0, 1, 1], [], []>, transpose_lhs_hint = false} : vector<1024x128xf32>, vector<128x768xf32>, vector<1024x768xf32> -> vector<1024x768xf32>
    %add3A = arith.addf %dot_general3A_5, %dot_general3A_13 : vector<1024x768xf32>
    %get3A_14 = arith.constant 0 : index
    %get3A_15 = arith.constant 0 : index
    %get3A_16 = vector.load %arg5[%get3A_14, %get3A_15] : memref<1x768xf32, #tpu.memory_space<vmem>>, vector<1x768xf32>
    %add3A_17 = vector.broadcast %get3A_16 : vector<1x768xf32> to vector<1024x768xf32>
    %add3A_18 = arith.addf %add3A, %add3A_17 : vector<1024x768xf32>
    %swap3A = arith.constant 0 : index
    %swap3A_19 = arith.constant 0 : index
    %swap3A_20 = vector.load %arg6[%swap3A, %swap3A_19] : memref<1024x768xf32, #tpu.memory_space<vmem>>, vector<1024x768xf32>
    tpu.vector_store %arg6[%swap3A, %swap3A_19], %add3A_18 {strides = array<i32>} : memref<1024x768xf32, #tpu.memory_space<vmem>>, vector<1024x768xf32>,
    return
  }
  func.func @transform_0(%arg0: i32) -> (i32, i32) {
    %c0_i32 = arith.constant 0 : i32
    %c0_i32_0 = arith.constant 0 : i32
    return %arg0, %c0_i32 : i32, i32
  }
  func.func @transform_1(%arg0: i32) -> (i32, i32) {
    %c0_i32 = arith.constant 0 : i32
    %c0_i32_0 = arith.constant 0 : i32
    return %arg0, %c0_i32 : i32, i32
  }
  func.func @transform_2(%arg0: i32) -> (i32, i32) {
    %c0_i32 = arith.constant 0 : i32
    %c0_i32_0 = arith.constant 0 : i32
    %c0_i32_1 = arith.constant 0 : i32
    return %c0_i32, %c0_i32_0 : i32, i32
  }
  func.func @transform_3(%arg0: i32) -> (i32, i32) {
    %c0_i32 = arith.constant 0 : i32
    %c0_i32_0 = arith.constant 0 : i32
    %c0_i32_1 = arith.constant 0 : i32
    return %c0_i32, %c0_i32_0 : i32, i32
  }
  func.func @transform_4(%arg0: i32) -> (i32, i32) {
    %c0_i32 = arith.constant 0 : i32
    %c0_i32_0 = arith.constant 0 : i32
    %c0_i32_1 = arith.constant 0 : i32
    return %c0_i32, %c0_i32_0 : i32, i32
  }
  func.func @transform_5(%arg0: i32) -> (i32, i32) {
    %c0_i32 = arith.constant 0 : i32
    %c0_i32_0 = arith.constant 0 : i32
    return %arg0, %c0_i32 : i32, i32
  }
}

module attributes {stable_mosaic.version = 14 : i64} {
  func.func @body(%arg0: i32, %arg1: memref<1024x128xf32, #tpu.memory_space<vmem>>, %arg2: memref<1024x128xf32, #tpu.memory_space<vmem>>, %arg3: memref<1024x128xf32, #tpu.memory_space<vmem>>, %arg4: memref<128x256xf32, #tpu.memory_space<vmem>>, %arg5: memref<128x256xf32, #tpu.memory_space<vmem>>, %arg6: memref<128x256xf32, #tpu.memory_space<vmem>>, %arg7: memref<1x256xf32, #tpu.memory_space<vmem>>, %arg8: memref<1024x256xf32, #tpu.memory_space<vmem>>) attributes {dimension_semantics = [#tpu.dimension_semantics<arbitrary>], iteration_bounds = array<i64: 8>, scalar_prefetch = 0 : i64, scratch_operands = 0 : i64, tpu.core_type = #tpu.core_type<tc>, window_params = [{transform_indices = @transform_0, window_bounds = array<i64: 1024, 128>}, {transform_indices = @transform_1, window_bounds = array<i64: 1024, 128>}, {transform_indices = @transform_2, window_bounds = array<i64: 1024, 128>}, {pipeline_mode = #tpu.pipeline_mode<synchronous>, transform_indices = @transform_3, window_bounds = array<i64: 128, 256>}, {pipeline_mode = #tpu.pipeline_mode<synchronous>, transform_indices = @transform_4, window_bounds = array<i64: 128, 256>}, {pipeline_mode = #tpu.pipeline_mode<synchronous>, transform_indices = @transform_5, window_bounds = array<i64: 128, 256>}, {pipeline_mode = #tpu.pipeline_mode<synchronous>, transform_indices = @transform_6, window_bounds = array<i64: 1, 256>}, {transform_indices = @transform_7, window_bounds = array<i64: 1024, 256>}]} {
    %get3A = arith.constant 0 : index
    %get3A_0 = arith.constant 0 : index
    %get3A_1 = vector.load %arg1[%get3A, %get3A_0] : memref<1024x128xf32, #tpu.memory_space<vmem>>, vector<1024x128xf32>
    %get3A_2 = arith.constant 0 : index
    %get3A_3 = arith.constant 0 : index
    %get3A_4 = vector.load %arg4[%get3A_2, %get3A_3] : memref<128x256xf32, #tpu.memory_space<vmem>>, vector<128x256xf32>
    %dot_general3A = arith.constant dense<0.000000e+00> : vector<1024x256xf32>
    %dot_general3A_5 = tpu.matmul %get3A_1, %get3A_4, %dot_general3A {dimension_numbers = #tpu.dot_dimension_numbers<[1], [0], [0], [1], [0, 0, 1, 1], [], []>, transpose_lhs_hint = false} : vector<1024x128xf32>, vector<128x256xf32>, vector<1024x256xf32> -> vector<1024x256xf32>
    %get3A_6 = arith.constant 0 : index
    %get3A_7 = arith.constant 0 : index
    %get3A_8 = vector.load %arg2[%get3A_6, %get3A_7] : memref<1024x128xf32, #tpu.memory_space<vmem>>, vector<1024x128xf32>
    %get3A_9 = arith.constant 0 : index
    %get3A_10 = arith.constant 0 : index
    %get3A_11 = vector.load %arg5[%get3A_9, %get3A_10] : memref<128x256xf32, #tpu.memory_space<vmem>>, vector<128x256xf32>
    %dot_general3A_12 = arith.constant dense<0.000000e+00> : vector<1024x256xf32>
    %dot_general3A_13 = tpu.matmul %get3A_8, %get3A_11, %dot_general3A_12 {dimension_numbers = #tpu.dot_dimension_numbers<[1], [0], [0], [1], [0, 0, 1, 1], [], []>, transpose_lhs_hint = false} : vector<1024x128xf32>, vector<128x256xf32>, vector<1024x256xf32> -> vector<1024x256xf32>
    %add3A = arith.addf %dot_general3A_5, %dot_general3A_13 : vector<1024x256xf32>
    %get3A_14 = arith.constant 0 : index
    %get3A_15 = arith.constant 0 : index
    %get3A_16 = vector.load %arg3[%get3A_14, %get3A_15] : memref<1024x128xf32, #tpu.memory_space<vmem>>, vector<1024x128xf32>
    %get3A_17 = arith.constant 0 : index
    %get3A_18 = arith.constant 0 : index
    %get3A_19 = vector.load %arg6[%get3A_17, %get3A_18] : memref<128x256xf32, #tpu.memory_space<vmem>>, vector<128x256xf32>
    %dot_general3A_20 = arith.constant dense<0.000000e+00> : vector<1024x256xf32>
    %dot_general3A_21 = tpu.matmul %get3A_16, %get3A_19, %dot_general3A_20 {dimension_numbers = #tpu.dot_dimension_numbers<[1], [0], [0], [1], [0, 0, 1, 1], [], []>, transpose_lhs_hint = false} : vector<1024x128xf32>, vector<128x256xf32>, vector<1024x256xf32> -> vector<1024x256xf32>
    %add3A_22 = arith.addf %add3A, %dot_general3A_21 : vector<1024x256xf32>
    %get3A_23 = arith.constant 0 : index
    %get3A_24 = arith.constant 0 : index
    %get3A_25 = vector.load %arg7[%get3A_23, %get3A_24] : memref<1x256xf32, #tpu.memory_space<vmem>>, vector<1x256xf32>
    %add3A_26 = vector.broadcast %get3A_25 : vector<1x256xf32> to vector<1024x256xf32>
    %add3A_27 = arith.addf %add3A_22, %add3A_26 : vector<1024x256xf32>
    %swap3A = arith.constant 0 : index
    %swap3A_28 = arith.constant 0 : index
    %swap3A_29 = vector.load %arg8[%swap3A, %swap3A_28] : memref<1024x256xf32, #tpu.memory_space<vmem>>, vector<1024x256xf32>
    tpu.vector_store %arg8[%swap3A, %swap3A_28], %add3A_27 {strides = array<i32>} : memref<1024x256xf32, #tpu.memory_space<vmem>>, vector<1024x256xf32>,
    return
  }
  func.func @transform_0(%arg0: i32) -> (i32, i32) {
    %c0_i32 = arith.constant 0 : i32
    %c0_i32_0 = arith.constant 0 : i32
    return %arg0, %c0_i32 : i32, i32
  }
  func.func @transform_1(%arg0: i32) -> (i32, i32) {
    %c0_i32 = arith.constant 0 : i32
    %c0_i32_0 = arith.constant 0 : i32
    return %arg0, %c0_i32 : i32, i32
  }
  func.func @transform_2(%arg0: i32) -> (i32, i32) {
    %c0_i32 = arith.constant 0 : i32
    %c0_i32_0 = arith.constant 0 : i32
    return %arg0, %c0_i32 : i32, i32
  }
  func.func @transform_3(%arg0: i32) -> (i32, i32) {
    %c0_i32 = arith.constant 0 : i32
    %c0_i32_0 = arith.constant 0 : i32
    %c0_i32_1 = arith.constant 0 : i32
    return %c0_i32, %c0_i32_0 : i32, i32
  }
  func.func @transform_4(%arg0: i32) -> (i32, i32) {
    %c0_i32 = arith.constant 0 : i32
    %c0_i32_0 = arith.constant 0 : i32
    %c0_i32_1 = arith.constant 0 : i32
    return %c0_i32, %c0_i32_0 : i32, i32
  }
  func.func @transform_5(%arg0: i32) -> (i32, i32) {
    %c0_i32 = arith.constant 0 : i32
    %c0_i32_0 = arith.constant 0 : i32
    %c0_i32_1 = arith.constant 0 : i32
    return %c0_i32, %c0_i32_0 : i32, i32
  }
  func.func @transform_6(%arg0: i32) -> (i32, i32) {
    %c0_i32 = arith.constant 0 : i32
    %c0_i32_0 = arith.constant 0 : i32
    %c0_i32_1 = arith.constant 0 : i32
    return %c0_i32, %c0_i32_0 : i32, i32
  }
  func.func @transform_7(%arg0: i32) -> (i32, i32) {
    %c0_i32 = arith.constant 0 : i32
    %c0_i32_0 = arith.constant 0 : i32
    return %arg0, %c0_i32 : i32, i32
  }
}

</mosaic_0001>

<sc_bundles>
// kernel: kernel.19.cloned.1.call-start
scs
__scs_entry_jumppad:
0x0: {  	(pc) =	sbr.rel $0x88, $3  }
0x1: {  	(tag) =	ssettag $0x0;
	lr =	simm.s32 $0x1  }
0x2: {  	[smem:$0x3F83] =	sst lr;
	_ =	strace $0xD0000000  }
0x3: {  	_ = 	snop  }
0x4: {  	_ = 	snop  }
0x5: {  	_ = 	snop  }
0x6: {  	_ = 	snop  }
0x7: {  	_ = 	snop  }
__scs_overlays_trampoline_lowered:
0x8: {  	[smem:$0x3F92] =	sst s0  }
0x9: {  	[smem:$0x3F93] =	sst s1  }
0xa: {  	[smem:$0x3F94] =	sst s2  }
0xb: {  	[smem:$0x3F95] =	sst s3  }
0xc: {  	[smem:$0x3F96] =	sst s4  }
0xd: {  	[smem:$0x3F97] =	sst s5  }
0xe: {  	[smem:$0x3F98] =	sst s6  }
0xf: {  	[smem:$0x3F99] =	sst s7  }
0x10: {  	[smem:$0x3F9A] =	sst s8  }
0x11: {  	[smem:$0x3F9B] =	sst s9;
	s0 =	simm.s32 @!p0 $0x0  }
0x12: {  	s1 =	sld [smem:$0x3F81];
	s0 =	simm.s32 @p0 $0x1  }
0x13: {  	[smem:$0x3F9C] =	sst s0;
	s0 =	simm.s32 @!p1 $0x0  }
0x14: {  	s2 =	sld [smem:$0x3F80];
	s0 =	simm.s32 @p1 $0x1  }
0x15: {  	[smem:$0x3F9D] =	sst s0;
	s0 =	simm.s32 @!p2 $0x0  }
0x16: {  	s3 =	sld [smem:$0x3FDB];
	s0 =	simm.s32 @p2 $0x1  }
0x17: {  	s4 =	simm.s32 $0x1BF5;
	[smem:$0x3F9F] =	sst s0  }
0x18: {  	s0 =	sld [smem:$0x3F82];
	_ =	swait.ge [sflag:s4], $0x0  }
0x19: {  	s7 =	sld [smem:$0x3F83]  }
0x1a: {  	s8 =	sadd.s32 $0xFFFFE003, lr  }
0x1b: {  	s9 =	sadd.s32 $0xFFFFFEF7, lr;
	s5 =	simm.s32 $0xFFFFFFFF;
	p2 =	slt.u32 s8, $0xFFFFF086  }
0x1c: {  	p1 =	slt.u32 s9, $0xF7A;
	s5 =	simm.s32 @!p2 $0x0  }
0x1d: {  	s5 =	simm.s32 @p1 $0x1;
	p0 =	seq.s32 s7, s2  }
0x1e: {  	s7 =	smul.u32 @!p0 $0xF7A, s2;
	p2 =	seq.s32 @!p0 s5, $0x0  }
0x1f: {  	s9 =	smul.u32 $0xF7A, s1;
	s8 =	simm.s32 @!p0 $0x1BF5;
	p2 =	por !p2, p0  }
0x20: {  	[sflag:s8] =	ssyncset.s32 @!p0 $0xFFFFF086;
	s6 =	sadd.s32 @!p0 s3, s7;
	s7 =	simm.s32 @!p0 $0x108  }
0x21: {  	s3 =	sadd.s32 s3, s9;
	s6 =	sadd.s32 @!p0 $0x88, s6;
	s7 =	simm.s32 @p2 $0x1082  }
0x22: {  	[simem:s7], [sflag:s8] =	dma.local @!p0 [hbm:s6], $0xF7A  }
0x23: {  	s9 =	sor.u32 $0xD0000000, s2;
	s6 =	simm.s32 $0x108;
	_ =	swait.ge @!p0 [sflag:s8], $0x0  }
0x24: {  	s3 =	sadd.s32 $0x88, s3;
	s6 =	simm.s32 @!p1 $0x1082;
	[sflag:s4] =	ssyncset.s32 $0xFFFFF086  }
0x25: {  	[simem:s6], [sflag:s4] =	dma.local [hbm:s3], $0xF7A  }
0x26: {  	[smem:$0x3F83] =	sst s1;
	(tag) =	ssettag s2;
	_ =	strace s9  }
0x27: {  	s1 =	sld [smem:$0x3F93]  }
0x28: {  	s2 =	sld [smem:$0x3F94]  }
0x29: {  	s4 =	sld [smem:$0x3F96]  }
0x2a: {  	p0 =	seq.s32 s5, $0x0;
	s5 =	sld [smem:$0x3F97]  }
0x2b: {  	s6 =	sld [smem:$0x3F98]  }
0x2c: {  	s7 =	sld [smem:$0x3F99]  }
0x2d: {  	s3 =	simm.s32 $0x108;
	s8 =	sld [smem:$0x3F9A]  }
0x2e: {  	s3 =	simm.s32 @!p0 $0x1082;
	s9 =	sld [smem:$0x3F9B]  }
0x2f: {  	lr =	sadd.s32 s0, s3;
	s0 =	sld [smem:$0x3F92]  }
0x30: {  	s3 =	sld [smem:$0x3F95]  }
0x31: {  	[smem:$0x3F9E] =	sst s10  }
0x32: {  	s10 =	sld [smem:$0x3F9C];
	_ =	sdelay $0x3  }
0x33: {  	p0 =	seq.s32 s10, $0x1;
	s10 =	sld [smem:$0x3F9E];
	_ =	sdelay $0x3  }
0x34: {  	[smem:$0x3F9E] =	sst s10  }
0x35: {  	s10 =	sld [smem:$0x3F9D];
	_ =	sdelay $0x3  }
0x36: {  	p1 =	seq.s32 s10, $0x1;
	s10 =	sld [smem:$0x3F9E];
	_ =	sdelay $0x3  }
0x37: {  	[smem:$0x3F9E] =	sst s10  }
0x38: {  	s10 =	sld [smem:$0x3F9F]  }
0x39: {  	_ = 	snop;
	(pc) =	sbr.ind lr, $3  }
0x3a: {  	_ = 	snop  }
0x3b: {  	_ = 	snop  }
0x3c: {  	p2 =	seq.s32 s10, $0x1;
	s10 =	sld [smem:$0x3F9E]  }
0x3d: {  	_ =	shalt  }
0x3e: {  	_ =	shalt  }
0x3f: {  	_ =	shalt  }
0x40: {  	_ =	shalt  }
0x41: {  	_ =	shalt  }
0x42: {  	_ =	shalt  }
0x43: {  	_ =	shalt  }
0x44: {  	_ =	shalt  }
0x45: {  	_ =	shalt  }
0x46: {  	_ =	shalt  }
0x47: {  	_ =	shalt  }
0x48: {  	_ =	shalt  }
0x49: {  	_ =	shalt  }
0x4a: {  	_ =	shalt  }
0x4b: {  	_ =	shalt  }
0x4c: {  	_ =	shalt  }
0x4d: {  	_ =	shalt  }
0x4e: {  	_ =	shalt  }
0x4f: {  	_ =	shalt  }
0x50: {  	_ =	shalt  }
0x51: {  	_ =	shalt  }
0x52: {  	_ =	shalt  }
0x53: {  	_ =	shalt  }
0x54: {  	_ =	shalt  }
0x55: {  	_ =	shalt  }
0x56: {  	_ =	shalt  }
0x57: {  	_ =	shalt  }
0x58: {  	_ =	shalt  }
0x59: {  	_ =	shalt  }
0x5a: {  	_ =	shalt  }
0x5b: {  	_ =	shalt  }
0x5c: {  	_ =	shalt  }
0x5d: {  	_ =	shalt  }
0x5e: {  	_ =	shalt  }
0x5f: {  	_ =	shalt  }
0x60: {  	_ =	shalt  }
0x61: {  	_ =	shalt  }
0x62: {  	_ =	shalt  }
0x63: {  	_ =	shalt  }
0x64: {  	_ =	shalt  }
0x65: {  	_ =	shalt  }
0x66: {  	_ =	shalt  }
0x67: {  	_ =	shalt  }
0x68: {  	_ =	shalt  }
0x69: {  	_ =	shalt  }
0x6a: {  	_ =	shalt  }
0x6b: {  	_ =	shalt  }
0x6c: {  	_ =	shalt  }
0x6d: {  	_ =	shalt  }
0x6e: {  	_ =	shalt  }
0x6f: {  	_ =	shalt  }
0x70: {  	_ =	shalt  }
0x71: {  	_ =	shalt  }
0x72: {  	_ =	shalt  }
0x73: {  	_ =	shalt  }
0x74: {  	_ =	shalt  }
0x75: {  	_ =	shalt  }
0x76: {  	_ =	shalt  }
0x77: {  	_ =	shalt  }
0x78: {  	_ =	shalt  }
0x79: {  	_ =	shalt  }
0x7a: {  	_ =	shalt  }
0x7b: {  	_ =	shalt  }
0x7c: {  	_ =	shalt  }
0x7d: {  	_ =	shalt  }
0x7e: {  	_ =	shalt  }
0x7f: {  	_ =	shalt  }
0x80: {  	_ =	shalt  }
0x81: {  	_ =	shalt  }
0x82: {  	_ =	shalt  }
0x83: {  	_ =	shalt  }
0x84: {  	_ =	shalt  }
0x85: {  	_ =	shalt  }
0x86: {  	_ =	shalt  }
0x87: {  	_ =	shalt  }
.Lfunc_end0:
.L_simem_size_0:
called_computation_lowered:
.L_overlay_start_0:
0x88: {  	s2 =	sld [smem:$0x3FD9]  }
0x89: {  	s3 =	sld [smem:$0x3FFE];
	_ =	sdelay $0x1  }
0x8a: {  	s1 =	srdreg.scid  }
0x8b: {  	s0 =	sand.u32 $0x1, s1  }
0x8c: {  	s15 =	sshll.u32 s0, $0xA;
	s2 =	sadd.s32 s3, s2  }
0x8d: {  	s2 =	sadd.s32 s2, s15  }
0x8e: {  	[smem:$0x3FAA] =	sst s2  }
0x8f: {  	_ = 	snop  }
0x90: {  	s16 =	sld [smem:$0x3FD0];
	_ =	sdelay $0x2  }
0x91: {  	s4 =	simm.s32 $0xB;
	s5 =	simm.s32 $0x10;
	s2 =	sld [smem:$0x3FC3]  }
0x92: {  	[smem:s5], [sflag:s4] =	dma.local [hbm:s16], $0x1  }
0x93: {  	_ =	swait.eq [sflag:s4], $0x1  }
0x94: {  	[sflag:s4] =	ssyncset.done $0x0  }
0x95: {  	[sflag:s4] =	ssyncadd.s32 $0xFFFFFFFF  }
0x96: {  	s17 =	sld [smem:$0x11];
	(tm) =	ssettm $0x1  }
0x97: {  	s18 =	sld [smem:$0x3FFB];
	_ =	sdelay $0x3  }
0x98: {  	_ =	strace s18  }
0x99: {  	s3 =	sld [smem:$0x3FFC];
	_ =	sdelay $0x3  }
0x9a: {  	_ =	strace s3  }
0x9b: {  	s3 =	sld [smem:$0x3FFD];
	_ =	sdelay $0x3  }
0x9c: {  	_ =	strace s3  }
0x9d: {  	_ =	strace $0x8FFFFFFF  }
0x9e: {  	s19 =	sld [smem:$0x3FDB];
	_ =	sdelay $0x1  }
0x9f: {  	s20 =	simm.s32 $_scs_section_size  }
0xa0: {  	s6 =	simm.s32 $_size__tile_overlayer_lowered;
	s7 =	simm.s32 $_tile_overlayer_lowered  }
0xa1: {  	s8 =	simm.s32 $0x1BFF;
	s21 =	sshll.u32 s7, $0x1;
	s5 =	sadd.s32 s20, s19  }
0xa2: {  	s22 =	simm.s32 $0x0;
	s6 =	sshll.u32 s6, $0x1;
	s7 =	sadd.s32 s21, s5  }
0xa3: {  	[timem:s22], [sflag:s8] =	dma.local [hbm:s7], s6  }
0xa4: {  	_ =	swait.ge [sflag:s8], s6  }
0xa5: {  	s6 =	ssub.s32 $0x0, s6;
	[sflag:s8] =	ssyncset.done $0x0  }
0xa6: {  	[sflag:s8] =	ssyncadd.s32 s6;
	_ =	sdelay $0x1  }
0xa7: {  	s23 =	simm.s32 $0x1B8B  }
0xa8: {  	_ =	swait.ge [sflag:s23], $0x1  }
0xa9: {  	[sflag:s23] =	ssyncset.done $0x0  }
0xaa: {  	[sflag:s23] =	ssyncadd.s32 $0xFFFFFFFF  }
0xab: {  	s6 =	sld [smem:$0x0]  }
0xac: {  	s7 =	sand.u32 $0xFFFFFFFE, s1  }
0xad: {  	p0 =	sne.s32 s1, s7  }
0xae: {  	s7 =	sshll.u32 @p0 s7, $0xE  }
0xaf: {  	s7 =	sadd.s32 @p0 $0x11B8D, s7;
	s8 =	sshll.u32 @p0 s6, $0x11  }
0xb0: {  	s7 =	sor.u32 @p0 s8, s7  }
0xb1: {  	[sflag:s7] =	ssyncadd.remote.s32 @p0 $0x1;
	_ =	sdelay $0x1  }
0xb2: {  	s7 =	simm.s32 @p0 $0x1B8D  }
0xb3: {  	_ =	swait.eq @p0 [sflag:s7], $0x1  }
0xb4: {  	[sflag:s7] =	ssyncadd.s32 @p0 $0xFFFFFFFF  }
0xb5: {  	s8 =	sshll.u32 @!p0 s1, $0xE  }
0xb6: {  	s8 =	sor.u32 @!p0 $0x4000, s8;
	s7 =	simm.s32 @!p0 $0x1B8D  }
0xb7: {  	s6 =	sshll.u32 @!p0 s6, $0x11;
	s8 =	sadd.s32 @!p0 $0x11B8D, s8;
	_ =	swait.eq @!p0 [sflag:s7], $0x1  }
0xb8: {  	s6 =	sor.u32 @!p0 s6, s8;
	[sflag:s7] =	ssyncadd.s32 @!p0 $0xFFFFFFFF  }
0xb9: {  	s25 =	simm.s32 $0x1B8E;
	s24 =	sld [smem:$0x3FFE];
	[sflag:s6] =	ssyncadd.remote.s32 @!p0 $0x1  }
0xba: {  	s26 =	simm.s32 $execute0_lowered;
	[smem:$0x3FD2] =	sst s25  }
0xbb: {  	s7 =	sshll.u32 s26, $0x1;
	_ =	strace $0x80000055;
	[dreg:$0x1] =	wrdreg $0xFFFFFFFF  }
0xbc: {  	s28 =	simm.s32 $_size_execute0_lowered;
	s5 =	sadd.s32 s5, s7;
	[dreg:$0x0] =	wrdreg $0x0  }
0xbd: {  	s7 =	sshll.u32 s28, $0x1;
	[dreg:$0x2] =	wrdreg s5  }
0xbe: {  	[dreg:$0x3] =	wrdreg s7  }
0xbf: {  	[dreg:$0x4] =	wrdreg $0xC0  }
0xc0: {  	_ =	task [dreg:s22], $0x5FFFF  }
0xc1: {  	[dreg:$0x1] =	wrdreg $0xFFFFFFFF  }
0xc2: {  	[dreg:$0x0] =	wrdreg $0x60  }
0xc3: {  	[dreg:$0x2] =	wrdreg s2  }
0xc4: {  	[dreg:$0x3] =	wrdreg s17  }
0xc5: {  	[dreg:$0x4] =	wrdreg s24  }
0xc6: {  	[dreg:$0x5] =	wrdreg $0x9  }
0xc7: {  	_ =	task.clear_ibuf [dreg:s22], $0x6FFFF;
	_ =	strace $0x90000055  }
0xc8: {  	s29 =	simm.s32 $0x9;
	_ =	strace $0x80000057  }
0xc9: {  	_ =	swait.ge [sflag:s29], $0x1  }
0xca: {  	[sflag:s29] =	ssyncadd.s32 $0xFFFFFFFF  }
0xcb: {  	_ =	strace $0x90000057  }
0xcc: {  	_ =	sfence  }
0xcd: {  	s30 =	sld [smem:$0x0];
	_ =	sdelay $0x2  }
0xce: {  	s31 =	sshll.u32 s1, $0xD;
	s1 =	sshrl.u32 s1, $0x2  }
0xcf: {  	s4 =	sand.u32 $0x4000, s31;
	s1 =	sadd.s32 s1, s30  }
0xd0: {  	s0 =	sor.u32 s4, s0;
	s1 =	sshll.u32 s1, $0x11  }
0xd1: {  	s0 =	sor.u32 s1, s0  }
0xd2: {  	s0 =	sadd.s32 $0x8F2B, s0  }
0xd3: {  	[sflag:s0] =	ssyncadd.remote.s32 $0x1  }
0xd4: {  	_ =	sfence.sel $0xFFFF  }
0xd5: {  	[dreg:$0x0] =	wrdreg $0xFFFFFFFF;
	(pc) =	sbr.abs _section_cstart, $3  }
0xd6: {  	[dreg:$0x1] =	wrdreg $0xFFFFFFFF  }
0xd7: {  	_ =	task.clear_ibuf [dreg:s22], $0x2FFFF;
	_ =	strace $0x9FFFFFFF  }
0xd8: {  	(tm) =	ssettm $0x7FFFFFFF  }
0xd9: {  	_ =	shalt  }
tec
execute0_lowered:
.L_overlay_start_1:
0x0: {  	(tag) =	ssettag $0x1  }
0x1: {  	s1 =	rddreg [dreg:$0x0];
	s2 =	srdreg.scid  }
0x2: {  	s4 =	rddreg [dreg:$0x1];
	s0 =	stileid.u32;
	s11 =	sand.u32 $0x1, s2  }
0x3: {  	s10 =	rddreg [dreg:$0x2];
	s5 =	sshll.u32 s0, $0x9;
	s6 =	sshll.u32 s11, $0x8  }
0x4: {  	s3 =	simm.s32 $0x0;
	s2 =	rddreg [dreg:$0x3];
	s12 =	sor.u32 s6, s5  }
0x5: {  	[smem:$0x7FF] =	sst s3;
	s5 =	sshrl.u32 s12, $0x3  }
0x6: {  	_ =	strace $0x80000056;
	s5 =	sadd.s32 s4, s5;
	s4 =	simm.s32 $0x3  }
0x7: {  	[tilespmem:s3], [sflag:$0x3] =	stream.linear.gather [hbm4b:s5+s3], $0x100, $0x38;
	[tilespmem:$0x8100] =	vst v63  }
0x8: {  	_ =	swait.ge [sflag:s4], $0x100  }
0x9: {  	[sflag:s4] =	ssyncset.done $0x0  }
0xa: {  	s7 =	simm.s32 $0x100;
	s6 =	simm.s32 $0x80;
	[sflag:s4] =	ssyncadd.s32 $0xFFFFFF00  }
0xb: {  	[tilespmem:s7], [sflag:$0x1] =	stream.indirect.gather [hbm4b:s1+s6], $0x80, s3, s6, $0xb8;
	[tilespmem:$0x8100] =	vst v63  }
0xc: {  	s8 =	simm.s32 $0x4100;
	s9 =	simm.s32 $0x1  }
0xd: {  	[tilespmem:s8], [sflag:$0x2] =	stream.indirect.gather [hbm4b:s1+s6], $0x80, s6, s6, $0xb8;
	[tilespmem:$0x8100] =	vst v63  }
0xe: {  	s12 =	sshll.u32 s12, $0x4;
	_ =	swait.ge [sflag:s9], $0x4000  }
0xf: {  	s12 =	sadd.s32 s12, s10;
	[sflag:s9] =	ssyncset.done $0x0  }
0x10: {  	s13 =	ssub.s32 $0x2, s11;
	s10 =	sadd.s32 $0x1CA00, s12;
	[sflag:s9] =	ssyncadd.s32 $0xFFFFC000  }
0x11: {  	[hbm4b:s10+s3] =	stream.linear.scatter [tilespmem:s7], [sflag:$0x3], $0x4000, $0x38;
	[tilespmem:$0x8100] =	vst v63  }
0x12: {  	s14 =	sshrl.u32 s13, $0x1;
	_ =	swait.ge [sflag:s4], $0x4000  }
0x13: {  	s13 =	ssub.s32 s13, s14;
	[sflag:s4] =	ssyncset.done $0x0  }
0x14: {  	s11 =	simm.s32 $0x2;
	s13 =	smax.u32 s13, $0x1;
	[sflag:s4] =	ssyncadd.s32 $0xFFFFC000  }
0x15: {  	p0 =	sne.s32 s13, $0x1;
	_ =	swait.ge [sflag:s11], $0x4000  }
.Ltmp0:
0x16: {  	[sflag:s11] =	ssyncset.done $0x0;
	(pc) =	sbr.rel @!p0 .LBB2_2-.Ltmp0, $4  }
0x17: {  	s12 =	sadd.s32 $0x1D200, s12;
	[sflag:s11] =	ssyncadd.s32 $0xFFFFC000  }
0x18: {  	[hbm4b:s12+s3] =	stream.linear.scatter [tilespmem:s8], [sflag:$0x3], $0x4000, $0x38;
	[tilespmem:$0x8100] =	vst v63  }
0x19: {  	_ =	swait.ge [sflag:s4], $0x4000  }
0x1a: {  	s13 =	sadd.s32 $0xFFFFFFFF, s13;
	[sflag:s4] =	ssyncset.done $0x0  }
.LBB2_1:
0x1b: {  	p0 =	sne.s32 s13, $0x1;
	s13 =	sadd.s32 $0xFFFFFFFF, s13;
	[sflag:s4] =	ssyncadd.s32 $0xFFFFC000  }
0x1c: {  	[tilespmem:s3], [sflag:$0x3] =	stream.linear.gather [hbm4b:s5+s3], $0x100, $0x38;
	[tilespmem:$0x8100] =	vst v63  }
0x1d: {  	_ =	swait.ge [sflag:s4], $0x100  }
0x1e: {  	[sflag:s4] =	ssyncset.done $0x0  }
0x1f: {  	[sflag:s4] =	ssyncadd.s32 $0xFFFFFF00  }
0x20: {  	[tilespmem:s7], [sflag:$0x1] =	stream.indirect.gather [hbm4b:s1+s6], $0x80, s3, s6, $0xb8;
	[tilespmem:$0x8100] =	vst v63  }
0x21: {  	_ = 	snop  }
0x22: {  	[tilespmem:s8], [sflag:$0x2] =	stream.indirect.gather [hbm4b:s1+s6], $0x80, s6, s6, $0xb8;
	[tilespmem:$0x8100] =	vst v63  }
0x23: {  	_ =	swait.ge [sflag:s9], $0x4000  }
0x24: {  	[sflag:s9] =	ssyncset.done $0x0  }
0x25: {  	[sflag:s9] =	ssyncadd.s32 $0xFFFFC000  }
0x26: {  	[hbm4b:s10+s3] =	stream.linear.scatter [tilespmem:s7], [sflag:$0x3], $0x4000, $0x38;
	[tilespmem:$0x8100] =	vst v63  }
0x27: {  	_ =	swait.ge [sflag:s4], $0x4000  }
0x28: {  	[sflag:s4] =	ssyncset.done $0x0  }
0x29: {  	[sflag:s4] =	ssyncadd.s32 $0xFFFFC000  }
0x2a: {  	_ =	swait.ge [sflag:s11], $0x4000  }
.Ltmp1:
0x2b: {  	[sflag:s11] =	ssyncset.done $0x0;
	(pc) =	sbr.rel @p0 .LBB2_1-.Ltmp1, $4  }
0x2c: {  	[sflag:s11] =	ssyncadd.s32 $0xFFFFC000  }
0x2d: {  	[hbm4b:s12+s3] =	stream.linear.scatter [tilespmem:s8], [sflag:$0x3], $0x4000, $0x38;
	[tilespmem:$0x8100] =	vst v63  }
0x2e: {  	_ =	swait.ge [sflag:s4], $0x4000  }
0x2f: {  	[sflag:s4] =	ssyncset.done $0x0  }
.LBB2_2:
0x30: {  	[sflag:s4] =	ssyncadd.s32 $0xFFFFC000  }
0x31: {  	_ =	sfence.sel $0x180000  }
0x32: {  	[bflag:$0x0] =	sbarrier.arrive $0xFFFF  }
0x33: {  	p0 =	sne.s32 s0, $0x0;
	_ =	strace $0x90000056  }
0x34: {  	s0 =	sadd.s32 @!p0 $0x100000, s2;
	[bflag:$0x2] =	sbarrier.arrive $0xFFFF  }
0x35: {  	[sflag:s0] =	ssyncadd.tile.s32 @!p0 $0x1;
	_ =	shalt  }
.Lfunc_end2:
_tile_overlayer_lowered:
.L_overlay_start_2:
0x36: {  	(tag) =	ssettag $0x2  }
0x37: {  	s0 =	rddreg [dreg:$0x0];
	s2 =	stileid.u32  }
0x38: {  	s1 =	rddreg [dreg:$0x1];
	p0 =	sne.s32 s2, $0x0  }
0x39: {  	s3 =	rddreg [dreg:$0x2];
	[bflag:$0x3] =	sbarrier.arrive $0xFFFF;
	s2 =	simm.s32 @!p0 $0x1C03  }
0x3a: {  	[timem:s3], [sflag:s2] =	dma.local @!p0 [hbm:s0], s1  }
0x3b: {  	s0 =	simm.s32 @!p0 $0x3  }
0x3c: {  	_ =	swait.ge @!p0 [sflag:s0], s1  }
0x3d: {  	s1 =	ssub.s32 @!p0 $0x0, s1;
	[sflag:s0] =	ssyncset.done @!p0 $0x0  }
0x3e: {  	[sflag:s0] =	ssyncadd.s32 @!p0 s1  }
0x3f: {  	[bflag:$0x3] =	sbarrier.arrive $0xFFFF  }
0x40: {  	_ =	shalt  }

// kernel: kernel.22.cloned.1.call-start
scs
__scs_entry_jumppad:
0x0: {  	(pc) =	sbr.rel $0x88, $3  }
0x1: {  	(tag) =	ssettag $0x0;
	lr =	simm.s32 $0x1  }
0x2: {  	[smem:$0x3F83] =	sst lr;
	_ =	strace $0xD0000000  }
0x3: {  	_ = 	snop  }
0x4: {  	_ = 	snop  }
0x5: {  	_ = 	snop  }
0x6: {  	_ = 	snop  }
0x7: {  	_ = 	snop  }
__scs_overlays_trampoline_lowered:
0x8: {  	[smem:$0x3F92] =	sst s0  }
0x9: {  	[smem:$0x3F93] =	sst s1  }
0xa: {  	[smem:$0x3F94] =	sst s2  }
0xb: {  	[smem:$0x3F95] =	sst s3  }
0xc: {  	[smem:$0x3F96] =	sst s4  }
0xd: {  	[smem:$0x3F97] =	sst s5  }
0xe: {  	[smem:$0x3F98] =	sst s6  }
0xf: {  	[smem:$0x3F99] =	sst s7  }
0x10: {  	[smem:$0x3F9A] =	sst s8  }
0x11: {  	[smem:$0x3F9B] =	sst s9;
	s0 =	simm.s32 @!p0 $0x0  }
0x12: {  	s1 =	sld [smem:$0x3F81];
	s0 =	simm.s32 @p0 $0x1  }
0x13: {  	[smem:$0x3F9C] =	sst s0;
	s0 =	simm.s32 @!p1 $0x0  }
0x14: {  	s2 =	sld [smem:$0x3F80];
	s0 =	simm.s32 @p1 $0x1  }
0x15: {  	[smem:$0x3F9D] =	sst s0;
	s0 =	simm.s32 @!p2 $0x0  }
0x16: {  	s3 =	sld [smem:$0x3FDB];
	s0 =	simm.s32 @p2 $0x1  }
0x17: {  	s4 =	simm.s32 $0x1BF5;
	[smem:$0x3F9F] =	sst s0  }
0x18: {  	s0 =	sld [smem:$0x3F82];
	_ =	swait.ge [sflag:s4], $0x0  }
0x19: {  	s7 =	sld [smem:$0x3F83]  }
0x1a: {  	s8 =	sadd.s32 $0xFFFFE003, lr  }
0x1b: {  	s9 =	sadd.s32 $0xFFFFFEF7, lr;
	s5 =	simm.s32 $0xFFFFFFFF;
	p2 =	slt.u32 s8, $0xFFFFF086  }
0x1c: {  	p1 =	slt.u32 s9, $0xF7A;
	s5 =	simm.s32 @!p2 $0x0  }
0x1d: {  	s5 =	simm.s32 @p1 $0x1;
	p0 =	seq.s32 s7, s2  }
0x1e: {  	s7 =	smul.u32 @!p0 $0xF7A, s2;
	p2 =	seq.s32 @!p0 s5, $0x0  }
0x1f: {  	s9 =	smul.u32 $0xF7A, s1;
	s8 =	simm.s32 @!p0 $0x1BF5;
	p2 =	por !p2, p0  }
0x20: {  	[sflag:s8] =	ssyncset.s32 @!p0 $0xFFFFF086;
	s6 =	sadd.s32 @!p0 s3, s7;
	s7 =	simm.s32 @!p0 $0x108  }
0x21: {  	s3 =	sadd.s32 s3, s9;
	s6 =	sadd.s32 @!p0 $0x88, s6;
	s7 =	simm.s32 @p2 $0x1082  }
0x22: {  	[simem:s7], [sflag:s8] =	dma.local @!p0 [hbm:s6], $0xF7A  }
0x23: {  	s9 =	sor.u32 $0xD0000000, s2;
	s6 =	simm.s32 $0x108;
	_ =	swait.ge @!p0 [sflag:s8], $0x0  }
0x24: {  	s3 =	sadd.s32 $0x88, s3;
	s6 =	simm.s32 @!p1 $0x1082;
	[sflag:s4] =	ssyncset.s32 $0xFFFFF086  }
0x25: {  	[simem:s6], [sflag:s4] =	dma.local [hbm:s3], $0xF7A  }
0x26: {  	[smem:$0x3F83] =	sst s1;
	(tag) =	ssettag s2;
	_ =	strace s9  }
0x27: {  	s1 =	sld [smem:$0x3F93]  }
0x28: {  	s2 =	sld [smem:$0x3F94]  }
0x29: {  	s4 =	sld [smem:$0x3F96]  }
0x2a: {  	p0 =	seq.s32 s5, $0x0;
	s5 =	sld [smem:$0x3F97]  }
0x2b: {  	s6 =	sld [smem:$0x3F98]  }
0x2c: {  	s7 =	sld [smem:$0x3F99]  }
0x2d: {  	s3 =	simm.s32 $0x108;
	s8 =	sld [smem:$0x3F9A]  }
0x2e: {  	s3 =	simm.s32 @!p0 $0x1082;
	s9 =	sld [smem:$0x3F9B]  }
0x2f: {  	lr =	sadd.s32 s0, s3;
	s0 =	sld [smem:$0x3F92]  }
0x30: {  	s3 =	sld [smem:$0x3F95]  }
0x31: {  	[smem:$0x3F9E] =	sst s10  }
0x32: {  	s10 =	sld [smem:$0x3F9C];
	_ =	sdelay $0x3  }
0x33: {  	p0 =	seq.s32 s10, $0x1;
	s10 =	sld [smem:$0x3F9E];
	_ =	sdelay $0x3  }
0x34: {  	[smem:$0x3F9E] =	sst s10  }
0x35: {  	s10 =	sld [smem:$0x3F9D];
	_ =	sdelay $0x3  }
0x36: {  	p1 =	seq.s32 s10, $0x1;
	s10 =	sld [smem:$0x3F9E];
	_ =	sdelay $0x3  }
0x37: {  	[smem:$0x3F9E] =	sst s10  }
0x38: {  	s10 =	sld [smem:$0x3F9F]  }
0x39: {  	_ = 	snop;
	(pc) =	sbr.ind lr, $3  }
0x3a: {  	_ = 	snop  }
0x3b: {  	_ = 	snop  }
0x3c: {  	p2 =	seq.s32 s10, $0x1;
	s10 =	sld [smem:$0x3F9E]  }
0x3d: {  	_ =	shalt  }
0x3e: {  	_ =	shalt  }
0x3f: {  	_ =	shalt  }
0x40: {  	_ =	shalt  }
0x41: {  	_ =	shalt  }
0x42: {  	_ =	shalt  }
0x43: {  	_ =	shalt  }
0x44: {  	_ =	shalt  }
0x45: {  	_ =	shalt  }
0x46: {  	_ =	shalt  }
0x47: {  	_ =	shalt  }
0x48: {  	_ =	shalt  }
0x49: {  	_ =	shalt  }
0x4a: {  	_ =	shalt  }
0x4b: {  	_ =	shalt  }
0x4c: {  	_ =	shalt  }
0x4d: {  	_ =	shalt  }
0x4e: {  	_ =	shalt  }
0x4f: {  	_ =	shalt  }
0x50: {  	_ =	shalt  }
0x51: {  	_ =	shalt  }
0x52: {  	_ =	shalt  }
0x53: {  	_ =	shalt  }
0x54: {  	_ =	shalt  }
0x55: {  	_ =	shalt  }
0x56: {  	_ =	shalt  }
0x57: {  	_ =	shalt  }
0x58: {  	_ =	shalt  }
0x59: {  	_ =	shalt  }
0x5a: {  	_ =	shalt  }
0x5b: {  	_ =	shalt  }
0x5c: {  	_ =	shalt  }
0x5d: {  	_ =	shalt  }
0x5e: {  	_ =	shalt  }
0x5f: {  	_ =	shalt  }
0x60: {  	_ =	shalt  }
0x61: {  	_ =	shalt  }
0x62: {  	_ =	shalt  }
0x63: {  	_ =	shalt  }
0x64: {  	_ =	shalt  }
0x65: {  	_ =	shalt  }
0x66: {  	_ =	shalt  }
0x67: {  	_ =	shalt  }
0x68: {  	_ =	shalt  }
0x69: {  	_ =	shalt  }
0x6a: {  	_ =	shalt  }
0x6b: {  	_ =	shalt  }
0x6c: {  	_ =	shalt  }
0x6d: {  	_ =	shalt  }
0x6e: {  	_ =	shalt  }
0x6f: {  	_ =	shalt  }
0x70: {  	_ =	shalt  }
0x71: {  	_ =	shalt  }
0x72: {  	_ =	shalt  }
0x73: {  	_ =	shalt  }
0x74: {  	_ =	shalt  }
0x75: {  	_ =	shalt  }
0x76: {  	_ =	shalt  }
0x77: {  	_ =	shalt  }
0x78: {  	_ =	shalt  }
0x79: {  	_ =	shalt  }
0x7a: {  	_ =	shalt  }
0x7b: {  	_ =	shalt  }
0x7c: {  	_ =	shalt  }
0x7d: {  	_ =	shalt  }
0x7e: {  	_ =	shalt  }
0x7f: {  	_ =	shalt  }
0x80: {  	_ =	shalt  }
0x81: {  	_ =	shalt  }
0x82: {  	_ =	shalt  }
0x83: {  	_ =	shalt  }
0x84: {  	_ =	shalt  }
0x85: {  	_ =	shalt  }
0x86: {  	_ =	shalt  }
0x87: {  	_ =	shalt  }
.Lfunc_end0:
.L_simem_size_0:
called_computation.1_lowered:
.L_overlay_start_0:
0x88: {  	s2 =	sld [smem:$0x3FD9]  }
0x89: {  	s3 =	sld [smem:$0x3FFE];
	_ =	sdelay $0x1  }
0x8a: {  	s1 =	srdreg.scid  }
0x8b: {  	s0 =	sand.u32 $0x1, s1  }
0x8c: {  	s14 =	sshll.u32 s0, $0xA;
	s2 =	sadd.s32 s3, s2  }
0x8d: {  	s2 =	sadd.s32 s2, s14  }
0x8e: {  	[smem:$0x3FAA] =	sst s2  }
0x8f: {  	_ = 	snop  }
0x90: {  	s2 =	sld [smem:$0x3FD0];
	_ =	sdelay $0x2  }
0x91: {  	s4 =	simm.s32 $0xB;
	s5 =	simm.s32 $0x10;
	s15 =	sld [smem:$0x3FC4]  }
0x92: {  	[smem:s5], [sflag:s4] =	dma.local [hbm:s2], $0x1  }
0x93: {  	_ =	swait.eq [sflag:s4], $0x1  }
0x94: {  	[sflag:s4] =	ssyncset.done $0x0  }
0x95: {  	[sflag:s4] =	ssyncadd.s32 $0xFFFFFFFF  }
0x96: {  	s16 =	sld [smem:$0x10];
	(tm) =	ssettm $0x1  }
0x97: {  	s17 =	sld [smem:$0x3FFB];
	_ =	sdelay $0x3  }
0x98: {  	_ =	strace s17  }
0x99: {  	s4 =	sld [smem:$0x3FFC];
	_ =	sdelay $0x3  }
0x9a: {  	_ =	strace s4  }
0x9b: {  	s4 =	sld [smem:$0x3FFD];
	_ =	sdelay $0x3  }
0x9c: {  	_ =	strace s4  }
0x9d: {  	_ =	strace $0x8FFFFFFF  }
0x9e: {  	s18 =	sld [smem:$0x3FDB];
	_ =	sdelay $0x1  }
0x9f: {  	s19 =	simm.s32 $_scs_section_size  }
0xa0: {  	s6 =	simm.s32 $_size__tile_overlayer_lowered;
	s7 =	simm.s32 $_tile_overlayer_lowered  }
0xa1: {  	s22 =	simm.s32 $0x1BFF;
	s21 =	sshll.u32 s7, $0x1;
	s4 =	sadd.s32 s19, s18  }
0xa2: {  	s8 =	simm.s32 $0x0;
	s20 =	sshll.u32 s6, $0x1;
	s6 =	sadd.s32 s21, s4  }
0xa3: {  	[timem:s8], [sflag:s22] =	dma.local [hbm:s6], s20  }
0xa4: {  	_ =	swait.ge [sflag:s22], s20  }
0xa5: {  	s5 =	ssub.s32 $0x0, s20;
	[sflag:s22] =	ssyncset.done $0x0  }
0xa6: {  	[sflag:s22] =	ssyncadd.s32 s5;
	_ =	sdelay $0x1  }
0xa7: {  	s23 =	simm.s32 $0x1B8B  }
0xa8: {  	_ =	swait.ge [sflag:s23], $0x1  }
0xa9: {  	[sflag:s23] =	ssyncset.done $0x0  }
0xaa: {  	s25 =	simm.s32 $0x1B8E;
	s24 =	sld [smem:$0x3FFE];
	[sflag:s23] =	ssyncadd.s32 $0xFFFFFFFF  }
0xab: {  	s26 =	simm.s32 $execute0_lowered;
	[smem:$0x3FD2] =	sst s25  }
0xac: {  	s6 =	sshll.u32 s26, $0x1;
	_ =	strace $0x80000046;
	[dreg:$0x1] =	wrdreg $0xFFFFFFFF  }
0xad: {  	s28 =	simm.s32 $_size_execute0_lowered;
	s4 =	sadd.s32 s4, s6;
	[dreg:$0x0] =	wrdreg $0x0  }
0xae: {  	s6 =	sshll.u32 s28, $0x1;
	[dreg:$0x2] =	wrdreg s4  }
0xaf: {  	[dreg:$0x3] =	wrdreg s6  }
0xb0: {  	[dreg:$0x4] =	wrdreg $0xC0  }
0xb1: {  	_ =	task [dreg:s8], $0x5FFFF  }
0xb2: {  	[dreg:$0x1] =	wrdreg $0xFFFFFFFF  }
0xb3: {  	[dreg:$0x0] =	wrdreg $0x60  }
0xb4: {  	[dreg:$0x2] =	wrdreg s15  }
0xb5: {  	[dreg:$0x3] =	wrdreg s24  }
0xb6: {  	[dreg:$0x4] =	wrdreg s16  }
0xb7: {  	[dreg:$0x5] =	wrdreg $0x9  }
0xb8: {  	_ =	task.clear_ibuf [dreg:s8], $0x6FFFF;
	_ =	strace $0x90000046  }
0xb9: {  	s29 =	simm.s32 $0x9;
	_ =	strace $0x80000048  }
0xba: {  	_ =	swait.ge [sflag:s29], $0x1  }
0xbb: {  	[sflag:s29] =	ssyncadd.s32 $0xFFFFFFFF  }
0xbc: {  	_ =	strace $0x90000048  }
0xbd: {  	_ =	sfence  }
0xbe: {  	s30 =	sld [smem:$0x0];
	_ =	sdelay $0x2  }
0xbf: {  	s31 =	sshll.u32 s1, $0xD;
	s1 =	sshrl.u32 s1, $0x2  }
0xc0: {  	s3 =	sand.u32 $0x4000, s31;
	s1 =	sadd.s32 s1, s30  }
0xc1: {  	s0 =	sor.u32 s3, s0;
	s1 =	sshll.u32 s1, $0x11  }
0xc2: {  	s0 =	sor.u32 s1, s0  }
0xc3: {  	s0 =	sadd.s32 $0x8F2B, s0  }
0xc4: {  	[sflag:s0] =	ssyncadd.remote.s32 $0x1  }
0xc5: {  	_ =	sfence.sel $0xFFFF  }
0xc6: {  	[dreg:$0x0] =	wrdreg $0xFFFFFFFF;
	(pc) =	sbr.abs _section_cstart, $3  }
0xc7: {  	[dreg:$0x1] =	wrdreg $0xFFFFFFFF  }
0xc8: {  	_ =	task.clear_ibuf [dreg:s8], $0x2FFFF;
	_ =	strace $0x9FFFFFFF  }
0xc9: {  	(tm) =	ssettm $0x7FFFFFFF  }
tec
execute0_lowered:
.L_overlay_start_1:
0x0: {  	(tag) =	ssettag $0x1  }
0x1: {  	s1 =	rddreg [dreg:$0x0]  }
0x2: {  	s2 =	srdreg.scid;
	s0 =	stileid.u32  }
0x3: {  	s4 =	rddreg [dreg:$0x1];
	s19 =	sand.u32 $0x1, s2;
	s30 =	sshll.u32 s0, $0x1  }
0x4: {  	s14 =	rddreg [dreg:$0x2];
	s12 =	sor.u32 s19, s30  }
0x5: {  	s3 =	simm.s32 $0x0;
	s2 =	rddreg [dreg:$0x3];
	s5 =	sshll.u32 s12, $0x7  }
0x6: {  	[smem:$0x7FF] =	sst s3;
	s4 =	sadd.s32 s5, s4  }
0x7: {  	_ =	strace $0x80000047;
	s5 =	sadd.s32 $0x7200, s4;
	s4 =	simm.s32 $0x3  }
0x8: {  	[tilespmem:s3], [sflag:$0x3] =	stream.linear.gather [hbm4b:s5+s3], $0x280, $0x38;
	[tilespmem:$0x4400] =	vst v63  }
0x9: {  	_ =	swait.ge [sflag:s4], $0x280  }
0xa: {  	[sflag:s4] =	ssyncset.done $0x0  }
0xb: {  	s6 =	simm.s32 $0x40;
	s7 =	simm.s32 $0x400;
	[sflag:s4] =	ssyncadd.s32 $0xFFFFFD80  }
0xc: {  	[tilespmem:s7], [sflag:$0x1] =	stream.indirect.gather [hbm4b:s1+s6], $0x80, s3, s6, $0xb8;
	[tilespmem:$0x4400] =	vst v63  }
0xd: {  	s8 =	simm.s32 $0x80;
	s9 =	simm.s32 $0x2400;
	s10 =	simm.s32 $0x1  }
0xe: {  	[tilespmem:s9], [sflag:$0x2] =	stream.indirect.gather [hbm4b:s1+s6], $0x80, s8, s6, $0xb8;
	[tilespmem:$0x4400] =	vst v63  }
0xf: {  	s11 =	smul.u32 $0x1400, s12;
	_ =	swait.ge [sflag:s10], $0x2000  }
0x10: {  	[sflag:s10] =	ssyncset.done $0x0  }
0x11: {  	s11 =	sadd.s32 s14, s11;
	[sflag:s10] =	ssyncadd.s32 $0xFFFFE000  }
0x12: {  	[hbm4b:s11+s3] =	stream.linear.scatter [tilespmem:s7], [sflag:$0x3], $0x2000, $0x38;
	[tilespmem:$0x4400] =	vst v63  }
0x13: {  	_ =	swait.ge [sflag:s4], $0x2000  }
0x14: {  	s13 =	simm.s32 $0x2;
	[sflag:s4] =	ssyncset.done $0x0  }
0x15: {  	s15 =	smul.u32 $0xA000, s12;
	s12 =	simm.s32 $0x100;
	[sflag:s4] =	ssyncadd.s32 $0xFFFFE000  }
0x16: {  	[tilespmem:s7], [sflag:$0x1] =	stream.indirect.gather [hbm4b:s1+s6], $0x80, s12, s6, $0xb8;
	[tilespmem:$0x4400] =	vst v63  }
0x17: {  	s15 =	sshrl.u32 s15, $0x3;
	_ =	swait.ge [sflag:s13], $0x2000  }
0x18: {  	s20 =	sadd.s32 s14, s15;
	[sflag:s13] =	ssyncset.done $0x0  }
0x19: {  	s14 =	sadd.s32 $0x400, s20;
	[sflag:s13] =	ssyncadd.s32 $0xFFFFE000  }
0x1a: {  	[hbm4b:s14+s3] =	stream.linear.scatter [tilespmem:s9], [sflag:$0x3], $0x2000, $0x38;
	[tilespmem:$0x4400] =	vst v63  }
0x1b: {  	_ =	swait.ge [sflag:s4], $0x2000  }
0x1c: {  	[sflag:s4] =	ssyncset.done $0x0  }
0x1d: {  	s15 =	simm.s32 $0x180;
	[sflag:s4] =	ssyncadd.s32 $0xFFFFE000  }
0x1e: {  	[tilespmem:s9], [sflag:$0x2] =	stream.indirect.gather [hbm4b:s1+s6], $0x80, s15, s6, $0xb8;
	[tilespmem:$0x4400] =	vst v63  }
0x1f: {  	_ =	swait.ge [sflag:s10], $0x2000  }
0x20: {  	[sflag:s10] =	ssyncset.done $0x0  }
0x21: {  	s16 =	sadd.s32 $0x800, s20;
	[sflag:s10] =	ssyncadd.s32 $0xFFFFE000  }
0x22: {  	[hbm4b:s16+s3] =	stream.linear.scatter [tilespmem:s7], [sflag:$0x3], $0x2000, $0x38;
	[tilespmem:$0x4400] =	vst v63  }
0x23: {  	_ =	swait.ge [sflag:s4], $0x2000  }
0x24: {  	[sflag:s4] =	ssyncset.done $0x0  }
0x25: {  	s17 =	simm.s32 $0x200;
	[sflag:s4] =	ssyncadd.s32 $0xFFFFE000  }
0x26: {  	[tilespmem:s7], [sflag:$0x1] =	stream.indirect.gather [hbm4b:s1+s6], $0x80, s17, s6, $0xb8;
	[tilespmem:$0x4400] =	vst v63  }
0x27: {  	_ =	swait.ge [sflag:s13], $0x2000  }
0x28: {  	[sflag:s13] =	ssyncset.done $0x0  }
0x29: {  	s19 =	ssub.s32 $0x2, s19;
	s18 =	sadd.s32 $0xC00, s20;
	[sflag:s13] =	ssyncadd.s32 $0xFFFFE000  }
0x2a: {  	[hbm4b:s18+s3] =	stream.linear.scatter [tilespmem:s9], [sflag:$0x3], $0x2000, $0x38;
	[tilespmem:$0x4400] =	vst v63  }
0x2b: {  	s21 =	sshrl.u32 s19, $0x1;
	_ =	swait.ge [sflag:s4], $0x2000  }
0x2c: {  	s21 =	ssub.s32 s19, s21;
	[sflag:s4] =	ssyncset.done $0x0  }
0x2d: {  	s31 =	smax.u32 s21, $0x1;
	[sflag:s4] =	ssyncadd.s32 $0xFFFFE000  }
0x2e: {  	p0 =	sne.s32 s31, $0x1;
	_ =	swait.ge [sflag:s10], $0x2000  }
.Ltmp0:
0x2f: {  	[sflag:s10] =	ssyncset.done $0x0;
	(pc) =	sbr.rel @!p0 .LBB2_2-.Ltmp0, $4  }
0x30: {  	s19 =	sadd.s32 $0x1000, s20;
	[sflag:s10] =	ssyncadd.s32 $0xFFFFE000  }
0x31: {  	[hbm4b:s19+s3] =	stream.linear.scatter [tilespmem:s7], [sflag:$0x3], $0x2000, $0x38;
	[tilespmem:$0x4400] =	vst v63  }
0x32: {  	_ =	swait.ge [sflag:s4], $0x2000  }
0x33: {  	s20 =	sadd.s32 $0xFFFFFFFF, s31;
	[sflag:s4] =	ssyncset.done $0x0  }
.LBB2_1:
0x34: {  	p0 =	sne.s32 s20, $0x1;
	s20 =	sadd.s32 $0xFFFFFFFF, s20;
	[sflag:s4] =	ssyncadd.s32 $0xFFFFE000  }
0x35: {  	[tilespmem:s3], [sflag:$0x3] =	stream.linear.gather [hbm4b:s5+s3], $0x280, $0x38;
	[tilespmem:$0x4400] =	vst v63  }
0x36: {  	_ =	swait.ge [sflag:s4], $0x280  }
0x37: {  	[sflag:s4] =	ssyncset.done $0x0  }
0x38: {  	[sflag:s4] =	ssyncadd.s32 $0xFFFFFD80  }
0x39: {  	[tilespmem:s7], [sflag:$0x1] =	stream.indirect.gather [hbm4b:s1+s6], $0x80, s3, s6, $0xb8;
	[tilespmem:$0x4400] =	vst v63  }
0x3a: {  	_ = 	snop  }
0x3b: {  	[tilespmem:s9], [sflag:$0x2] =	stream.indirect.gather [hbm4b:s1+s6], $0x80, s8, s6, $0xb8;
	[tilespmem:$0x4400] =	vst v63  }
0x3c: {  	_ =	swait.ge [sflag:s10], $0x2000  }
0x3d: {  	[sflag:s10] =	ssyncset.done $0x0  }
0x3e: {  	[sflag:s10] =	ssyncadd.s32 $0xFFFFE000  }
0x3f: {  	[hbm4b:s11+s3] =	stream.linear.scatter [tilespmem:s7], [sflag:$0x3], $0x2000, $0x38;
	[tilespmem:$0x4400] =	vst v63  }
0x40: {  	_ =	swait.ge [sflag:s4], $0x2000  }
0x41: {  	[sflag:s4] =	ssyncset.done $0x0  }
0x42: {  	[sflag:s4] =	ssyncadd.s32 $0xFFFFE000  }
0x43: {  	[tilespmem:s7], [sflag:$0x1] =	stream.indirect.gather [hbm4b:s1+s6], $0x80, s12, s6, $0xb8;
	[tilespmem:$0x4400] =	vst v63  }
0x44: {  	_ =	swait.ge [sflag:s13], $0x2000  }
0x45: {  	[sflag:s13] =	ssyncset.done $0x0  }
0x46: {  	[sflag:s13] =	ssyncadd.s32 $0xFFFFE000  }
0x47: {  	[hbm4b:s14+s3] =	stream.linear.scatter [tilespmem:s9], [sflag:$0x3], $0x2000, $0x38;
	[tilespmem:$0x4400] =	vst v63  }
0x48: {  	_ =	swait.ge [sflag:s4], $0x2000  }
0x49: {  	[sflag:s4] =	ssyncset.done $0x0  }
0x4a: {  	[sflag:s4] =	ssyncadd.s32 $0xFFFFE000  }
0x4b: {  	[tilespmem:s9], [sflag:$0x2] =	stream.indirect.gather [hbm4b:s1+s6], $0x80, s15, s6, $0xb8;
	[tilespmem:$0x4400] =	vst v63  }
0x4c: {  	_ =	swait.ge [sflag:s10], $0x2000  }
0x4d: {  	[sflag:s10] =	ssyncset.done $0x0  }
0x4e: {  	[sflag:s10] =	ssyncadd.s32 $0xFFFFE000  }
0x4f: {  	[hbm4b:s16+s3] =	stream.linear.scatter [tilespmem:s7], [sflag:$0x3], $0x2000, $0x38;
	[tilespmem:$0x4400] =	vst v63  }
0x50: {  	_ =	swait.ge [sflag:s4], $0x2000  }
0x51: {  	[sflag:s4] =	ssyncset.done $0x0  }
0x52: {  	[sflag:s4] =	ssyncadd.s32 $0xFFFFE000  }
0x53: {  	[tilespmem:s7], [sflag:$0x1] =	stream.indirect.gather [hbm4b:s1+s6], $0x80, s17, s6, $0xb8;
	[tilespmem:$0x4400] =	vst v63  }
0x54: {  	_ =	swait.ge [sflag:s13], $0x2000  }
0x55: {  	[sflag:s13] =	ssyncset.done $0x0  }
0x56: {  	[sflag:s13] =	ssyncadd.s32 $0xFFFFE000  }
0x57: {  	[hbm4b:s18+s3] =	stream.linear.scatter [tilespmem:s9], [sflag:$0x3], $0x2000, $0x38;
	[tilespmem:$0x4400] =	vst v63  }
0x58: {  	_ =	swait.ge [sflag:s4], $0x2000  }
0x59: {  	[sflag:s4] =	ssyncset.done $0x0  }
0x5a: {  	[sflag:s4] =	ssyncadd.s32 $0xFFFFE000  }
0x5b: {  	_ =	swait.ge [sflag:s10], $0x2000  }
.Ltmp1:
0x5c: {  	[sflag:s10] =	ssyncset.done $0x0;
	(pc) =	sbr.rel @p0 .LBB2_1-.Ltmp1, $4  }
0x5d: {  	[sflag:s10] =	ssyncadd.s32 $0xFFFFE000  }
0x5e: {  	[hbm4b:s19+s3] =	stream.linear.scatter [tilespmem:s7], [sflag:$0x3], $0x2000, $0x38;
	[tilespmem:$0x4400] =	vst v63  }
0x5f: {  	_ =	swait.ge [sflag:s4], $0x2000  }
0x60: {  	[sflag:s4] =	ssyncset.done $0x0  }
.LBB2_2:
0x61: {  	[sflag:s4] =	ssyncadd.s32 $0xFFFFE000  }
0x62: {  	_ =	sfence.sel $0x180000  }
0x63: {  	[bflag:$0x0] =	sbarrier.arrive $0xFFFF  }
0x64: {  	p0 =	sne.s32 s0, $0x0;
	_ =	strace $0x90000047  }
0x65: {  	s0 =	sadd.s32 @!p0 $0x100000, s2;
	[bflag:$0x2] =	sbarrier.arrive $0xFFFF  }
0x66: {  	[sflag:s0] =	ssyncadd.tile.s32 @!p0 $0x1;
	_ =	shalt  }
.Lfunc_end2:
_tile_overlayer_lowered:
.L_overlay_start_2:
0x67: {  	(tag) =	ssettag $0x2  }
0x68: {  	s0 =	rddreg [dreg:$0x0];
	s2 =	stileid.u32  }
0x69: {  	s1 =	rddreg [dreg:$0x1];
	p0 =	sne.s32 s2, $0x0  }
0x6a: {  	s3 =	rddreg [dreg:$0x2];
	[bflag:$0x3] =	sbarrier.arrive $0xFFFF;
	s2 =	simm.s32 @!p0 $0x1C03  }
0x6b: {  	[timem:s3], [sflag:s2] =	dma.local @!p0 [hbm:s0], s1  }
0x6c: {  	s0 =	simm.s32 @!p0 $0x3  }
0x6d: {  	_ =	swait.ge @!p0 [sflag:s0], s1  }
0x6e: {  	s1 =	ssub.s32 @!p0 $0x0, s1;
	[sflag:s0] =	ssyncset.done @!p0 $0x0  }
0x6f: {  	[sflag:s0] =	ssyncadd.s32 @!p0 s1  }
0x70: {  	[bflag:$0x3] =	sbarrier.arrive $0xFFFF  }
0x71: {  	_ =	shalt  }

// kernel: kernel.25.cloned.1.call-start
scs
__scs_entry_jumppad:
0x0: {  	(pc) =	sbr.rel $0x88, $3  }
0x1: {  	(tag) =	ssettag $0x0;
	lr =	simm.s32 $0x1  }
0x2: {  	[smem:$0x3F83] =	sst lr;
	_ =	strace $0xD0000000  }
0x3: {  	_ = 	snop  }
0x4: {  	_ = 	snop  }
0x5: {  	_ = 	snop  }
0x6: {  	_ = 	snop  }
0x7: {  	_ = 	snop  }
__scs_overlays_trampoline_lowered:
0x8: {  	[smem:$0x3F92] =	sst s0  }
0x9: {  	[smem:$0x3F93] =	sst s1  }
0xa: {  	[smem:$0x3F94] =	sst s2  }
0xb: {  	[smem:$0x3F95] =	sst s3  }
0xc: {  	[smem:$0x3F96] =	sst s4  }
0xd: {  	[smem:$0x3F97] =	sst s5  }
0xe: {  	[smem:$0x3F98] =	sst s6  }
0xf: {  	[smem:$0x3F99] =	sst s7  }
0x10: {  	[smem:$0x3F9A] =	sst s8  }
0x11: {  	[smem:$0x3F9B] =	sst s9;
	s0 =	simm.s32 @!p0 $0x0  }
0x12: {  	s1 =	sld [smem:$0x3F81];
	s0 =	simm.s32 @p0 $0x1  }
0x13: {  	[smem:$0x3F9C] =	sst s0;
	s0 =	simm.s32 @!p1 $0x0  }
0x14: {  	s2 =	sld [smem:$0x3F80];
	s0 =	simm.s32 @p1 $0x1  }
0x15: {  	[smem:$0x3F9D] =	sst s0;
	s0 =	simm.s32 @!p2 $0x0  }
0x16: {  	s3 =	sld [smem:$0x3FDB];
	s0 =	simm.s32 @p2 $0x1  }
0x17: {  	s4 =	simm.s32 $0x1BF5;
	[smem:$0x3F9F] =	sst s0  }
0x18: {  	s0 =	sld [smem:$0x3F82];
	_ =	swait.ge [sflag:s4], $0x0  }
0x19: {  	s7 =	sld [smem:$0x3F83]  }
0x1a: {  	s8 =	sadd.s32 $0xFFFFE003, lr  }
0x1b: {  	s9 =	sadd.s32 $0xFFFFFEF7, lr;
	s5 =	simm.s32 $0xFFFFFFFF;
	p2 =	slt.u32 s8, $0xFFFFF086  }
0x1c: {  	p1 =	slt.u32 s9, $0xF7A;
	s5 =	simm.s32 @!p2 $0x0  }
0x1d: {  	s5 =	simm.s32 @p1 $0x1;
	p0 =	seq.s32 s7, s2  }
0x1e: {  	s7 =	smul.u32 @!p0 $0xF7A, s2;
	p2 =	seq.s32 @!p0 s5, $0x0  }
0x1f: {  	s9 =	smul.u32 $0xF7A, s1;
	s8 =	simm.s32 @!p0 $0x1BF5;
	p2 =	por !p2, p0  }
0x20: {  	[sflag:s8] =	ssyncset.s32 @!p0 $0xFFFFF086;
	s6 =	sadd.s32 @!p0 s3, s7;
	s7 =	simm.s32 @!p0 $0x108  }
0x21: {  	s3 =	sadd.s32 s3, s9;
	s6 =	sadd.s32 @!p0 $0x88, s6;
	s7 =	simm.s32 @p2 $0x1082  }
0x22: {  	[simem:s7], [sflag:s8] =	dma.local @!p0 [hbm:s6], $0xF7A  }
0x23: {  	s9 =	sor.u32 $0xD0000000, s2;
	s6 =	simm.s32 $0x108;
	_ =	swait.ge @!p0 [sflag:s8], $0x0  }
0x24: {  	s3 =	sadd.s32 $0x88, s3;
	s6 =	simm.s32 @!p1 $0x1082;
	[sflag:s4] =	ssyncset.s32 $0xFFFFF086  }
0x25: {  	[simem:s6], [sflag:s4] =	dma.local [hbm:s3], $0xF7A  }
0x26: {  	[smem:$0x3F83] =	sst s1;
	(tag) =	ssettag s2;
	_ =	strace s9  }
0x27: {  	s1 =	sld [smem:$0x3F93]  }
0x28: {  	s2 =	sld [smem:$0x3F94]  }
0x29: {  	s4 =	sld [smem:$0x3F96]  }
0x2a: {  	p0 =	seq.s32 s5, $0x0;
	s5 =	sld [smem:$0x3F97]  }
0x2b: {  	s6 =	sld [smem:$0x3F98]  }
0x2c: {  	s7 =	sld [smem:$0x3F99]  }
0x2d: {  	s3 =	simm.s32 $0x108;
	s8 =	sld [smem:$0x3F9A]  }
0x2e: {  	s3 =	simm.s32 @!p0 $0x1082;
	s9 =	sld [smem:$0x3F9B]  }
0x2f: {  	lr =	sadd.s32 s0, s3;
	s0 =	sld [smem:$0x3F92]  }
0x30: {  	s3 =	sld [smem:$0x3F95]  }
0x31: {  	[smem:$0x3F9E] =	sst s10  }
0x32: {  	s10 =	sld [smem:$0x3F9C];
	_ =	sdelay $0x3  }
0x33: {  	p0 =	seq.s32 s10, $0x1;
	s10 =	sld [smem:$0x3F9E];
	_ =	sdelay $0x3  }
0x34: {  	[smem:$0x3F9E] =	sst s10  }
0x35: {  	s10 =	sld [smem:$0x3F9D];
	_ =	sdelay $0x3  }
0x36: {  	p1 =	seq.s32 s10, $0x1;
	s10 =	sld [smem:$0x3F9E];
	_ =	sdelay $0x3  }
0x37: {  	[smem:$0x3F9E] =	sst s10  }
0x38: {  	s10 =	sld [smem:$0x3F9F]  }
0x39: {  	_ = 	snop;
	(pc) =	sbr.ind lr, $3  }
0x3a: {  	_ = 	snop  }
0x3b: {  	_ = 	snop  }
0x3c: {  	p2 =	seq.s32 s10, $0x1;
	s10 =	sld [smem:$0x3F9E]  }
0x3d: {  	_ =	shalt  }
0x3e: {  	_ =	shalt  }
0x3f: {  	_ =	shalt  }
0x40: {  	_ =	shalt  }
0x41: {  	_ =	shalt  }
0x42: {  	_ =	shalt  }
0x43: {  	_ =	shalt  }
0x44: {  	_ =	shalt  }
0x45: {  	_ =	shalt  }
0x46: {  	_ =	shalt  }
0x47: {  	_ =	shalt  }
0x48: {  	_ =	shalt  }
0x49: {  	_ =	shalt  }
0x4a: {  	_ =	shalt  }
0x4b: {  	_ =	shalt  }
0x4c: {  	_ =	shalt  }
0x4d: {  	_ =	shalt  }
0x4e: {  	_ =	shalt  }
0x4f: {  	_ =	shalt  }
0x50: {  	_ =	shalt  }
0x51: {  	_ =	shalt  }
0x52: {  	_ =	shalt  }
0x53: {  	_ =	shalt  }
0x54: {  	_ =	shalt  }
0x55: {  	_ =	shalt  }
0x56: {  	_ =	shalt  }
0x57: {  	_ =	shalt  }
0x58: {  	_ =	shalt  }
0x59: {  	_ =	shalt  }
0x5a: {  	_ =	shalt  }
0x5b: {  	_ =	shalt  }
0x5c: {  	_ =	shalt  }
0x5d: {  	_ =	shalt  }
0x5e: {  	_ =	shalt  }
0x5f: {  	_ =	shalt  }
0x60: {  	_ =	shalt  }
0x61: {  	_ =	shalt  }
0x62: {  	_ =	shalt  }
0x63: {  	_ =	shalt  }
0x64: {  	_ =	shalt  }
0x65: {  	_ =	shalt  }
0x66: {  	_ =	shalt  }
0x67: {  	_ =	shalt  }
0x68: {  	_ =	shalt  }
0x69: {  	_ =	shalt  }
0x6a: {  	_ =	shalt  }
0x6b: {  	_ =	shalt  }
0x6c: {  	_ =	shalt  }
0x6d: {  	_ =	shalt  }
0x6e: {  	_ =	shalt  }
0x6f: {  	_ =	shalt  }
0x70: {  	_ =	shalt  }
0x71: {  	_ =	shalt  }
0x72: {  	_ =	shalt  }
0x73: {  	_ =	shalt  }
0x74: {  	_ =	shalt  }
0x75: {  	_ =	shalt  }
0x76: {  	_ =	shalt  }
0x77: {  	_ =	shalt  }
0x78: {  	_ =	shalt  }
0x79: {  	_ =	shalt  }
0x7a: {  	_ =	shalt  }
0x7b: {  	_ =	shalt  }
0x7c: {  	_ =	shalt  }
0x7d: {  	_ =	shalt  }
0x7e: {  	_ =	shalt  }
0x7f: {  	_ =	shalt  }
0x80: {  	_ =	shalt  }
0x81: {  	_ =	shalt  }
0x82: {  	_ =	shalt  }
0x83: {  	_ =	shalt  }
0x84: {  	_ =	shalt  }
0x85: {  	_ =	shalt  }
0x86: {  	_ =	shalt  }
0x87: {  	_ =	shalt  }
.Lfunc_end0:
.L_simem_size_0:
called_computation.2_lowered:
.L_overlay_start_0:
0x88: {  	s2 =	sld [smem:$0x3FD9]  }
0x89: {  	s3 =	sld [smem:$0x3FFE];
	_ =	sdelay $0x1  }
0x8a: {  	s1 =	srdreg.scid  }
0x8b: {  	s0 =	sand.u32 $0x1, s1  }
0x8c: {  	s14 =	sshll.u32 s0, $0xA;
	s2 =	sadd.s32 s3, s2  }
0x8d: {  	s2 =	sadd.s32 s2, s14  }
0x8e: {  	[smem:$0x3FAA] =	sst s2  }
0x8f: {  	_ = 	snop  }
0x90: {  	s2 =	sld [smem:$0x3FD0];
	_ =	sdelay $0x2  }
0x91: {  	s15 =	simm.s32 $0xB;
	s4 =	simm.s32 $0x10  }
0x92: {  	[smem:s4], [sflag:s15] =	dma.local [hbm:s2], $0x1  }
0x93: {  	_ =	swait.eq [sflag:s15], $0x1  }
0x94: {  	[sflag:s15] =	ssyncset.done $0x0  }
0x95: {  	[sflag:s15] =	ssyncadd.s32 $0xFFFFFFFF  }
0x96: {  	s16 =	sld [smem:$0x10];
	(tm) =	ssettm $0x1  }
0x97: {  	s17 =	sld [smem:$0x3FFB];
	_ =	sdelay $0x3  }
0x98: {  	_ =	strace s17  }
0x99: {  	s3 =	sld [smem:$0x3FFC];
	_ =	sdelay $0x3  }
0x9a: {  	_ =	strace s3  }
0x9b: {  	s3 =	sld [smem:$0x3FFD];
	_ =	sdelay $0x3  }
0x9c: {  	_ =	strace s3  }
0x9d: {  	_ =	strace $0x8FFFFFFF  }
0x9e: {  	s18 =	sld [smem:$0x3FDB];
	_ =	sdelay $0x1  }
0x9f: {  	s19 =	simm.s32 $_scs_section_size  }
0xa0: {  	s5 =	simm.s32 $_size__tile_overlayer_lowered;
	s6 =	simm.s32 $_tile_overlayer_lowered  }
0xa1: {  	s22 =	simm.s32 $0x1BFF;
	s21 =	sshll.u32 s6, $0x1;
	s3 =	sadd.s32 s19, s18  }
0xa2: {  	s7 =	simm.s32 $0x0;
	s20 =	sshll.u32 s5, $0x1;
	s5 =	sadd.s32 s21, s3  }
0xa3: {  	[timem:s7], [sflag:s22] =	dma.local [hbm:s5], s20  }
0xa4: {  	_ =	swait.ge [sflag:s22], s20  }
0xa5: {  	s4 =	ssub.s32 $0x0, s20;
	[sflag:s22] =	ssyncset.done $0x0  }
0xa6: {  	[sflag:s22] =	ssyncadd.s32 s4;
	_ =	sdelay $0x1  }
0xa7: {  	s23 =	simm.s32 $0x1B8B  }
0xa8: {  	_ =	swait.ge [sflag:s23], $0x1  }
0xa9: {  	[sflag:s23] =	ssyncset.done $0x0  }
0xaa: {  	s25 =	simm.s32 $0x1B8E;
	s24 =	sld [smem:$0x3FFE];
	[sflag:s23] =	ssyncadd.s32 $0xFFFFFFFF  }
0xab: {  	s26 =	simm.s32 $execute0_lowered;
	[smem:$0x3FD2] =	sst s25  }
0xac: {  	s5 =	sshll.u32 s26, $0x1;
	_ =	strace $0x80000049;
	[dreg:$0x1] =	wrdreg $0xFFFFFFFF  }
0xad: {  	s28 =	simm.s32 $_size_execute0_lowered;
	s3 =	sadd.s32 s3, s5;
	[dreg:$0x0] =	wrdreg $0x0  }
0xae: {  	s5 =	sshll.u32 s28, $0x1;
	[dreg:$0x2] =	wrdreg s3  }
0xaf: {  	[dreg:$0x3] =	wrdreg s5  }
0xb0: {  	[dreg:$0x4] =	wrdreg $0xC0  }
0xb1: {  	_ =	task [dreg:s7], $0x5FFFF  }
0xb2: {  	[dreg:$0x1] =	wrdreg $0xFFFFFFFF  }
0xb3: {  	[dreg:$0x0] =	wrdreg $0x60  }
0xb4: {  	[dreg:$0x2] =	wrdreg s16  }
0xb5: {  	[dreg:$0x3] =	wrdreg s24  }
0xb6: {  	[dreg:$0x4] =	wrdreg $0x90000  }
0xb7: {  	[dreg:$0x5] =	wrdreg $0x9  }
0xb8: {  	_ =	task.clear_ibuf [dreg:s7], $0x6FFFF;
	_ =	strace $0x90000049  }
0xb9: {  	s29 =	simm.s32 $0x9;
	_ =	strace $0x8000004B  }
0xba: {  	_ =	swait.ge [sflag:s29], $0x1  }
0xbb: {  	[sflag:s29] =	ssyncadd.s32 $0xFFFFFFFF  }
0xbc: {  	_ =	strace $0x9000004B  }
0xbd: {  	_ =	sfence  }
0xbe: {  	s30 =	sld [smem:$0x0];
	_ =	sdelay $0x2  }
0xbf: {  	s31 =	sshll.u32 s1, $0xD;
	s1 =	sshrl.u32 s1, $0x2  }
0xc0: {  	s3 =	sand.u32 $0x4000, s31;
	s1 =	sadd.s32 s1, s30  }
0xc1: {  	s0 =	sor.u32 s3, s0;
	s1 =	sshll.u32 s1, $0x11  }
0xc2: {  	s0 =	sor.u32 s1, s0  }
0xc3: {  	s0 =	sadd.s32 $0x8F2B, s0  }
0xc4: {  	[sflag:s0] =	ssyncadd.remote.s32 $0x1  }
0xc5: {  	_ =	sfence.sel $0xFFFF  }
0xc6: {  	[dreg:$0x0] =	wrdreg $0xFFFFFFFF;
	(pc) =	sbr.abs _section_cstart, $3  }
0xc7: {  	[dreg:$0x1] =	wrdreg $0xFFFFFFFF  }
0xc8: {  	_ =	task.clear_ibuf [dreg:s7], $0x2FFFF;
	_ =	strace $0x9FFFFFFF  }
0xc9: {  	(tm) =	ssettm $0x7FFFFFFF  }
tec
execute0_lowered:
.L_overlay_start_1:
0x0: {  	(tag) =	ssettag $0x1  }
0x1: {  	s1 =	rddreg [dreg:$0x0]  }
0x2: {  	s2 =	srdreg.scid;
	s7 =	rddreg [dreg:$0x1]  }
0x3: {  	s0 =	stileid.u32;
	s3 =	rddreg [dreg:$0x2]  }
0x4: {  	s4 =	simm.s32 $0x0;
	s13 =	simm.s32 $0x2800;
	s14 =	simm.s32 $0x80  }
0x5: {  	s15 =	simm.s32 $0x5000;
	s16 =	simm.s32 $0x1;
	s17 =	simm.s32 $0x0  }
0x6: {  	s6 =	sand.u32 $0x1, s2;
	s26 =	sshll.u32 s0, $0x1;
	s8 =	smul.u32 $0x2800, s0  }
0x7: {  	[smem:$0x7FF] =	sst s4;
	s11 =	smul.u32 $0x50000, s0;
	s31 =	sshll.u32 s0, $0x6  }
0x8: {  	s2 =	sor.u32 s6, s26;
	s9 =	smul.u32 $0x28000, s6;
	s6 =	ssub.s32 $0x2, s6  }
0x9: {  	s5 =	smul.u32 $0x500, s2;
	s2 =	rddreg [dreg:$0x3];
	_ =	strace $0x8000004A  }
0xa: {  	s28 =	sshrl.u32 s6, $0x1;
	s29 =	sshrl.u32 s11, $0x2;
	s8 =	sadd.s32 s8, s9  }
0xb: {  	s30 =	ssub.s32 s6, s28;
	s12 =	sadd.s32 s29, s3;
	s6 =	sor.u32 $0x1C02, s31  }
0xc: {  	s10 =	sadd.s32 s5, s7;
	s5 =	sadd.s32 $0x94A00, s7;
	s9 =	sadd.s32 s8, s7  }
0xd: {  	s11 =	sshrl.u32 s12, $0x3;
	s12 =	simm.s32 $0x2;
	s7 =	sadd.s32 $0x8200, s10  }
0xe: {  	s8 =	sadd.s32 $0x12200, s10;
	s9 =	sadd.s32 $0x97200, s9;
	s10 =	smax.u32 s30, $0x1  }
.LBB2_1:
0xf: {  	[spmem:s11], [sflag:s6] =	dma.local [hbm:s5], $0x2800  }
0x10: {  	_ =	swait.ge [sflag:s12], $0x2800  }
0x11: {  	[sflag:s12] =	ssyncset.done $0x0  }
0x12: {  	[sflag:s12] =	ssyncadd.s32 $0xFFFFD800  }
0x13: {  	[tilespmem:s4], [sflag:$0x2] =	stream.linear.gather [hbm4b:s7+s4], $0x2780, $0x38;
	[tilespmem:$0x1D000] =	vst v63  }
0x14: {  	_ =	swait.ge [sflag:s12], $0x2780  }
0x15: {  	[sflag:s12] =	ssyncset.done $0x0  }
0x16: {  	[sflag:s12] =	ssyncadd.s32 $0xFFFFD880  }
0x17: {  	[tilespmem:s13], [sflag:$0x2] =	stream.linear.gather [hbm4b:s8+s4], $0x2780, $0x38;
	[tilespmem:$0x1D000] =	vst v63  }
0x18: {  	_ =	swait.ge [sflag:s12], $0x2780  }
0x19: {  	[sflag:s12] =	ssyncset.done $0x0  }
0x1a: {  	[sflag:s12] =	ssyncadd.s32 $0xFFFFD880  }
0x1b: {  	s18 =	simm.s32 $0x0;
	[bflag:$0x0] =	sbarrier.arrive $0xFFFF  }
0x1c: {  	[tilespmem:s15], [sflag:$0x1] =	stream.indirect.gather [hbm4b:s1+s14], $0x80, s18, s14, $0xb8;
	[tilespmem:$0x1D000] =	vst v63  }
0x1d: {  	_ =	swait.ge [sflag:s16], $0x4000  }
0x1e: {  	[sflag:s16] =	ssyncset.done $0x0  }
0x1f: {  	s31 =	simm.s32 $0x2800;
	[sflag:s16] =	ssyncadd.s32 $0xFFFFC000  }
0x20: {  	[spmem:s3] =	stream.indirect.scatter.add.f32 [tilespmem:s15], [sflag:$0x2], $0x80, s31, s14, $0xb8;
	[tilespmem:$0x1D000] =	vst v63  }
0x21: {  	_ =	swait.ge [sflag:s12], $0x4000  }
0x22: {  	s19 =	simm.s32 $0x400;
	s18 =	simm.s32 $0x200;
	[sflag:s12] =	ssyncset.done $0x0  }
.LBB2_2:
0x23: {  	s20 =	sshra.s32 s18, $0x2  }
0x24: {  	[sflag:s12] =	ssyncadd.s32 $0xFFFFC000;
	s18 =	smov.u32 s19;
	s21 =	sadd.s32 $0x200, s19  }
0x25: {  	[tilespmem:s15], [sflag:$0x1] =	stream.indirect.gather [hbm4b:s1+s14], $0x80, s20, s14, $0xb8;
	[tilespmem:$0x1D000] =	vst v63  }
0x26: {  	p0 =	sne.s32 s19, $0x9C00;
	_ =	swait.ge [sflag:s16], $0x4000  }
.Ltmp0:
0x27: {  	[sflag:s16] =	ssyncset.done $0x0;
	(pc) =	sbr.rel @p0 .LBB2_2-.Ltmp0, $4  }
0x28: {  	s19 =	sadd.s32 $0x2800, s20;
	[sflag:s16] =	ssyncadd.s32 $0xFFFFC000  }
0x29: {  	[spmem:s3] =	stream.indirect.scatter.add.f32 [tilespmem:s15], [sflag:$0x2], $0x80, s19, s14, $0xb8;
	[tilespmem:$0x1D000] =	vst v63  }
0x2a: {  	_ =	swait.ge [sflag:s12], $0x4000  }
0x2b: {  	s19 =	smov.u32 s21;
	[sflag:s12] =	ssyncset.done $0x0  }
0x2c: {  	s18 =	sshra.s32 s18, $0x2;
	[sflag:s12] =	ssyncadd.s32 $0xFFFFC000  }
0x2d: {  	[tilespmem:s15], [sflag:$0x1] =	stream.indirect.gather [hbm4b:s1+s14], $0x80, s18, s14, $0xb8;
	[tilespmem:$0x1D000] =	vst v63  }
0x2e: {  	_ =	swait.ge [sflag:s16], $0x4000  }
0x2f: {  	[sflag:s16] =	ssyncset.done $0x0  }
0x30: {  	s18 =	sadd.s32 $0x2800, s18;
	[sflag:s16] =	ssyncadd.s32 $0xFFFFC000  }
0x31: {  	[spmem:s3] =	stream.indirect.scatter.add.f32 [tilespmem:s15], [sflag:$0x2], $0x80, s18, s14, $0xb8;
	[tilespmem:$0x1D000] =	vst v63  }
0x32: {  	_ =	swait.ge [sflag:s12], $0x4000  }
0x33: {  	s17 =	sadd.s32 $0x1, s17;
	[sflag:s12] =	ssyncset.done $0x0  }
0x34: {  	p0 =	sne.s32 s17, s10;
	[sflag:s12] =	ssyncadd.s32 $0xFFFFC000  }
.Ltmp1:
0x35: {  	[bflag:$0x0] =	sbarrier.arrive $0xFFFF;
	(pc) =	sbr.rel @p0 .LBB2_1-.Ltmp1, $4  }
0x36: {  	[hbm:s9], [sflag:s6] =	dma.local [spmem:s11], $0x2800  }
0x37: {  	_ =	swait.ge [sflag:s12], $0x2800  }
0x38: {  	[sflag:s12] =	ssyncset.done $0x0  }
0x39: {  	[sflag:s12] =	ssyncadd.s32 $0xFFFFD800  }
0x3a: {  	_ =	sfence.sel $0x180000  }
0x3b: {  	[bflag:$0x0] =	sbarrier.arrive $0xFFFF  }
0x3c: {  	p0 =	sne.s32 s0, $0x0;
	_ =	strace $0x9000004A  }
0x3d: {  	s0 =	sadd.s32 @!p0 $0x100000, s2;
	[bflag:$0x2] =	sbarrier.arrive $0xFFFF  }
0x3e: {  	[sflag:s0] =	ssyncadd.tile.s32 @!p0 $0x1;
	_ =	shalt  }
.Lfunc_end2:
_tile_overlayer_lowered:
.L_overlay_start_2:
0x3f: {  	(tag) =	ssettag $0x2  }
0x40: {  	s0 =	rddreg [dreg:$0x0];
	s2 =	stileid.u32  }
0x41: {  	s1 =	rddreg [dreg:$0x1];
	p0 =	sne.s32 s2, $0x0  }
0x42: {  	s3 =	rddreg [dreg:$0x2];
	[bflag:$0x3] =	sbarrier.arrive $0xFFFF;
	s2 =	simm.s32 @!p0 $0x1C02  }
0x43: {  	[timem:s3], [sflag:s2] =	dma.local @!p0 [hbm:s0], s1  }
0x44: {  	s0 =	simm.s32 @!p0 $0x2  }
0x45: {  	_ =	swait.ge @!p0 [sflag:s0], s1  }
0x46: {  	s1 =	ssub.s32 @!p0 $0x0, s1;
	[sflag:s0] =	ssyncset.done @!p0 $0x0  }
0x47: {  	[sflag:s0] =	ssyncadd.s32 @!p0 s1  }
0x48: {  	[bflag:$0x3] =	sbarrier.arrive $0xFFFF  }
0x49: {  	_ =	shalt  }

// kernel: kernel.28.cloned.1.call-start
scs
__scs_entry_jumppad:
0x0: {  	(pc) =	sbr.rel $0x88, $3  }
0x1: {  	(tag) =	ssettag $0x0;
	lr =	simm.s32 $0x1  }
0x2: {  	[smem:$0x3F83] =	sst lr;
	_ =	strace $0xD0000000  }
0x3: {  	_ = 	snop  }
0x4: {  	_ = 	snop  }
0x5: {  	_ = 	snop  }
0x6: {  	_ = 	snop  }
0x7: {  	_ = 	snop  }
__scs_overlays_trampoline_lowered:
0x8: {  	[smem:$0x3F92] =	sst s0  }
0x9: {  	[smem:$0x3F93] =	sst s1  }
0xa: {  	[smem:$0x3F94] =	sst s2  }
0xb: {  	[smem:$0x3F95] =	sst s3  }
0xc: {  	[smem:$0x3F96] =	sst s4  }
0xd: {  	[smem:$0x3F97] =	sst s5  }
0xe: {  	[smem:$0x3F98] =	sst s6  }
0xf: {  	[smem:$0x3F99] =	sst s7  }
0x10: {  	[smem:$0x3F9A] =	sst s8  }
0x11: {  	[smem:$0x3F9B] =	sst s9;
	s0 =	simm.s32 @!p0 $0x0  }
0x12: {  	s1 =	sld [smem:$0x3F81];
	s0 =	simm.s32 @p0 $0x1  }
0x13: {  	[smem:$0x3F9C] =	sst s0;
	s0 =	simm.s32 @!p1 $0x0  }
0x14: {  	s2 =	sld [smem:$0x3F80];
	s0 =	simm.s32 @p1 $0x1  }
0x15: {  	[smem:$0x3F9D] =	sst s0;
	s0 =	simm.s32 @!p2 $0x0  }
0x16: {  	s3 =	sld [smem:$0x3FDB];
	s0 =	simm.s32 @p2 $0x1  }
0x17: {  	s4 =	simm.s32 $0x1BF5;
	[smem:$0x3F9F] =	sst s0  }
0x18: {  	s0 =	sld [smem:$0x3F82];
	_ =	swait.ge [sflag:s4], $0x0  }
0x19: {  	s7 =	sld [smem:$0x3F83]  }
0x1a: {  	s8 =	sadd.s32 $0xFFFFE003, lr  }
0x1b: {  	s9 =	sadd.s32 $0xFFFFFEF7, lr;
	s5 =	simm.s32 $0xFFFFFFFF;
	p2 =	slt.u32 s8, $0xFFFFF086  }
0x1c: {  	p1 =	slt.u32 s9, $0xF7A;
	s5 =	simm.s32 @!p2 $0x0  }
0x1d: {  	s5 =	simm.s32 @p1 $0x1;
	p0 =	seq.s32 s7, s2  }
0x1e: {  	s7 =	smul.u32 @!p0 $0xF7A, s2;
	p2 =	seq.s32 @!p0 s5, $0x0  }
0x1f: {  	s9 =	smul.u32 $0xF7A, s1;
	s8 =	simm.s32 @!p0 $0x1BF5;
	p2 =	por !p2, p0  }
0x20: {  	[sflag:s8] =	ssyncset.s32 @!p0 $0xFFFFF086;
	s6 =	sadd.s32 @!p0 s3, s7;
	s7 =	simm.s32 @!p0 $0x108  }
0x21: {  	s3 =	sadd.s32 s3, s9;
	s6 =	sadd.s32 @!p0 $0x88, s6;
	s7 =	simm.s32 @p2 $0x1082  }
0x22: {  	[simem:s7], [sflag:s8] =	dma.local @!p0 [hbm:s6], $0xF7A  }
0x23: {  	s9 =	sor.u32 $0xD0000000, s2;
	s6 =	simm.s32 $0x108;
	_ =	swait.ge @!p0 [sflag:s8], $0x0  }
0x24: {  	s3 =	sadd.s32 $0x88, s3;
	s6 =	simm.s32 @!p1 $0x1082;
	[sflag:s4] =	ssyncset.s32 $0xFFFFF086  }
0x25: {  	[simem:s6], [sflag:s4] =	dma.local [hbm:s3], $0xF7A  }
0x26: {  	[smem:$0x3F83] =	sst s1;
	(tag) =	ssettag s2;
	_ =	strace s9  }
0x27: {  	s1 =	sld [smem:$0x3F93]  }
0x28: {  	s2 =	sld [smem:$0x3F94]  }
0x29: {  	s4 =	sld [smem:$0x3F96]  }
0x2a: {  	p0 =	seq.s32 s5, $0x0;
	s5 =	sld [smem:$0x3F97]  }
0x2b: {  	s6 =	sld [smem:$0x3F98]  }
0x2c: {  	s7 =	sld [smem:$0x3F99]  }
0x2d: {  	s3 =	simm.s32 $0x108;
	s8 =	sld [smem:$0x3F9A]  }
0x2e: {  	s3 =	simm.s32 @!p0 $0x1082;
	s9 =	sld [smem:$0x3F9B]  }
0x2f: {  	lr =	sadd.s32 s0, s3;
	s0 =	sld [smem:$0x3F92]  }
0x30: {  	s3 =	sld [smem:$0x3F95]  }
0x31: {  	[smem:$0x3F9E] =	sst s10  }
0x32: {  	s10 =	sld [smem:$0x3F9C];
	_ =	sdelay $0x3  }
0x33: {  	p0 =	seq.s32 s10, $0x1;
	s10 =	sld [smem:$0x3F9E];
	_ =	sdelay $0x3  }
0x34: {  	[smem:$0x3F9E] =	sst s10  }
0x35: {  	s10 =	sld [smem:$0x3F9D];
	_ =	sdelay $0x3  }
0x36: {  	p1 =	seq.s32 s10, $0x1;
	s10 =	sld [smem:$0x3F9E];
	_ =	sdelay $0x3  }
0x37: {  	[smem:$0x3F9E] =	sst s10  }
0x38: {  	s10 =	sld [smem:$0x3F9F]  }
0x39: {  	_ = 	snop;
	(pc) =	sbr.ind lr, $3  }
0x3a: {  	_ = 	snop  }
0x3b: {  	_ = 	snop  }
0x3c: {  	p2 =	seq.s32 s10, $0x1;
	s10 =	sld [smem:$0x3F9E]  }
0x3d: {  	_ =	shalt  }
0x3e: {  	_ =	shalt  }
0x3f: {  	_ =	shalt  }
0x40: {  	_ =	shalt  }
0x41: {  	_ =	shalt  }
0x42: {  	_ =	shalt  }
0x43: {  	_ =	shalt  }
0x44: {  	_ =	shalt  }
0x45: {  	_ =	shalt  }
0x46: {  	_ =	shalt  }
0x47: {  	_ =	shalt  }
0x48: {  	_ =	shalt  }
0x49: {  	_ =	shalt  }
0x4a: {  	_ =	shalt  }
0x4b: {  	_ =	shalt  }
0x4c: {  	_ =	shalt  }
0x4d: {  	_ =	shalt  }
0x4e: {  	_ =	shalt  }
0x4f: {  	_ =	shalt  }
0x50: {  	_ =	shalt  }
0x51: {  	_ =	shalt  }
0x52: {  	_ =	shalt  }
0x53: {  	_ =	shalt  }
0x54: {  	_ =	shalt  }
0x55: {  	_ =	shalt  }
0x56: {  	_ =	shalt  }
0x57: {  	_ =	shalt  }
0x58: {  	_ =	shalt  }
0x59: {  	_ =	shalt  }
0x5a: {  	_ =	shalt  }
0x5b: {  	_ =	shalt  }
0x5c: {  	_ =	shalt  }
0x5d: {  	_ =	shalt  }
0x5e: {  	_ =	shalt  }
0x5f: {  	_ =	shalt  }
0x60: {  	_ =	shalt  }
0x61: {  	_ =	shalt  }
0x62: {  	_ =	shalt  }
0x63: {  	_ =	shalt  }
0x64: {  	_ =	shalt  }
0x65: {  	_ =	shalt  }
0x66: {  	_ =	shalt  }
0x67: {  	_ =	shalt  }
0x68: {  	_ =	shalt  }
0x69: {  	_ =	shalt  }
0x6a: {  	_ =	shalt  }
0x6b: {  	_ =	shalt  }
0x6c: {  	_ =	shalt  }
0x6d: {  	_ =	shalt  }
0x6e: {  	_ =	shalt  }
0x6f: {  	_ =	shalt  }
0x70: {  	_ =	shalt  }
0x71: {  	_ =	shalt  }
0x72: {  	_ =	shalt  }
0x73: {  	_ =	shalt  }
0x74: {  	_ =	shalt  }
0x75: {  	_ =	shalt  }
0x76: {  	_ =	shalt  }
0x77: {  	_ =	shalt  }
0x78: {  	_ =	shalt  }
0x79: {  	_ =	shalt  }
0x7a: {  	_ =	shalt  }
0x7b: {  	_ =	shalt  }
0x7c: {  	_ =	shalt  }
0x7d: {  	_ =	shalt  }
0x7e: {  	_ =	shalt  }
0x7f: {  	_ =	shalt  }
0x80: {  	_ =	shalt  }
0x81: {  	_ =	shalt  }
0x82: {  	_ =	shalt  }
0x83: {  	_ =	shalt  }
0x84: {  	_ =	shalt  }
0x85: {  	_ =	shalt  }
0x86: {  	_ =	shalt  }
0x87: {  	_ =	shalt  }
.Lfunc_end0:
.L_simem_size_0:
called_computation.3_lowered:
.L_overlay_start_0:
0x88: {  	s2 =	sld [smem:$0x3FD9]  }
0x89: {  	s3 =	sld [smem:$0x3FFE];
	_ =	sdelay $0x1  }
0x8a: {  	s1 =	srdreg.scid  }
0x8b: {  	s0 =	sand.u32 $0x1, s1  }
0x8c: {  	s14 =	sshll.u32 s0, $0xA;
	s2 =	sadd.s32 s3, s2  }
0x8d: {  	s2 =	sadd.s32 s2, s14  }
0x8e: {  	[smem:$0x3FAA] =	sst s2  }
0x8f: {  	_ = 	snop  }
0x90: {  	s2 =	sld [smem:$0x3FD0];
	_ =	sdelay $0x2  }
0x91: {  	s15 =	simm.s32 $0xB;
	s4 =	simm.s32 $0x10  }
0x92: {  	[smem:s4], [sflag:s15] =	dma.local [hbm:s2], $0x1  }
0x93: {  	_ =	swait.eq [sflag:s15], $0x1  }
0x94: {  	[sflag:s15] =	ssyncset.done $0x0  }
0x95: {  	[sflag:s15] =	ssyncadd.s32 $0xFFFFFFFF  }
0x96: {  	s16 =	sld [smem:$0x10];
	(tm) =	ssettm $0x1  }
0x97: {  	s17 =	sld [smem:$0x3FFB];
	_ =	sdelay $0x3  }
0x98: {  	_ =	strace s17  }
0x99: {  	s3 =	sld [smem:$0x3FFC];
	_ =	sdelay $0x3  }
0x9a: {  	_ =	strace s3  }
0x9b: {  	s3 =	sld [smem:$0x3FFD];
	_ =	sdelay $0x3  }
0x9c: {  	_ =	strace s3  }
0x9d: {  	_ =	strace $0x8FFFFFFF  }
0x9e: {  	s18 =	sld [smem:$0x3FDB];
	_ =	sdelay $0x1  }
0x9f: {  	s19 =	simm.s32 $_scs_section_size  }
0xa0: {  	s5 =	simm.s32 $_size__tile_overlayer_lowered;
	s6 =	simm.s32 $_tile_overlayer_lowered  }
0xa1: {  	s22 =	simm.s32 $0x1BFF;
	s21 =	sshll.u32 s6, $0x1;
	s3 =	sadd.s32 s19, s18  }
0xa2: {  	s7 =	simm.s32 $0x0;
	s20 =	sshll.u32 s5, $0x1;
	s5 =	sadd.s32 s21, s3  }
0xa3: {  	[timem:s7], [sflag:s22] =	dma.local [hbm:s5], s20  }
0xa4: {  	_ =	swait.ge [sflag:s22], s20  }
0xa5: {  	s4 =	ssub.s32 $0x0, s20;
	[sflag:s22] =	ssyncset.done $0x0  }
0xa6: {  	[sflag:s22] =	ssyncadd.s32 s4;
	_ =	sdelay $0x1  }
0xa7: {  	s23 =	simm.s32 $0x1B8B  }
0xa8: {  	_ =	swait.ge [sflag:s23], $0x1  }
0xa9: {  	[sflag:s23] =	ssyncset.done $0x0  }
0xaa: {  	s25 =	simm.s32 $0x1B8E;
	s24 =	sld [smem:$0x3FFE];
	[sflag:s23] =	ssyncadd.s32 $0xFFFFFFFF  }
0xab: {  	s26 =	simm.s32 $execute0_lowered;
	[smem:$0x3FD2] =	sst s25  }
0xac: {  	s5 =	sshll.u32 s26, $0x1;
	_ =	strace $0x8000004C;
	[dreg:$0x1] =	wrdreg $0xFFFFFFFF  }
0xad: {  	s28 =	simm.s32 $_size_execute0_lowered;
	s3 =	sadd.s32 s3, s5;
	[dreg:$0x0] =	wrdreg $0x0  }
0xae: {  	s5 =	sshll.u32 s28, $0x1;
	[dreg:$0x2] =	wrdreg s3  }
0xaf: {  	[dreg:$0x3] =	wrdreg s5  }
0xb0: {  	[dreg:$0x4] =	wrdreg $0xC0  }
0xb1: {  	_ =	task [dreg:s7], $0x5FFFF  }
0xb2: {  	[dreg:$0x1] =	wrdreg $0xFFFFFFFF  }
0xb3: {  	[dreg:$0x0] =	wrdreg $0x60  }
0xb4: {  	[dreg:$0x2] =	wrdreg s16  }
0xb5: {  	[dreg:$0x3] =	wrdreg s24  }
0xb6: {  	[dreg:$0x4] =	wrdreg $0x90000  }
0xb7: {  	[dreg:$0x5] =	wrdreg $0x9  }
0xb8: {  	_ =	task.clear_ibuf [dreg:s7], $0x6FFFF;
	_ =	strace $0x9000004C  }
0xb9: {  	s29 =	simm.s32 $0x9;
	_ =	strace $0x8000004E  }
0xba: {  	_ =	swait.ge [sflag:s29], $0x1  }
0xbb: {  	[sflag:s29] =	ssyncadd.s32 $0xFFFFFFFF  }
0xbc: {  	_ =	strace $0x9000004E  }
0xbd: {  	_ =	sfence  }
0xbe: {  	s30 =	sld [smem:$0x0];
	_ =	sdelay $0x2  }
0xbf: {  	s31 =	sshll.u32 s1, $0xD;
	s1 =	sshrl.u32 s1, $0x2  }
0xc0: {  	s3 =	sand.u32 $0x4000, s31;
	s1 =	sadd.s32 s1, s30  }
0xc1: {  	s0 =	sor.u32 s3, s0;
	s1 =	sshll.u32 s1, $0x11  }
0xc2: {  	s0 =	sor.u32 s1, s0  }
0xc3: {  	s0 =	sadd.s32 $0x8F2B, s0  }
0xc4: {  	[sflag:s0] =	ssyncadd.remote.s32 $0x1  }
0xc5: {  	_ =	sfence.sel $0xFFFF  }
0xc6: {  	[dreg:$0x0] =	wrdreg $0xFFFFFFFF;
	(pc) =	sbr.abs _section_cstart, $3  }
0xc7: {  	[dreg:$0x1] =	wrdreg $0xFFFFFFFF  }
0xc8: {  	_ =	task.clear_ibuf [dreg:s7], $0x2FFFF;
	_ =	strace $0x9FFFFFFF  }
0xc9: {  	(tm) =	ssettm $0x7FFFFFFF  }
tec
execute0_lowered:
.L_overlay_start_1:
0x0: {  	(tag) =	ssettag $0x1  }
0x1: {  	s1 =	rddreg [dreg:$0x0]  }
0x2: {  	s2 =	srdreg.scid;
	s7 =	rddreg [dreg:$0x1]  }
0x3: {  	s0 =	stileid.u32;
	s3 =	rddreg [dreg:$0x2]  }
0x4: {  	s4 =	simm.s32 $0x0;
	s13 =	simm.s32 $0x2800;
	s14 =	simm.s32 $0x80  }
0x5: {  	s15 =	simm.s32 $0x5000;
	s16 =	simm.s32 $0x1;
	s17 =	simm.s32 $0x0  }
0x6: {  	s6 =	sand.u32 $0x1, s2;
	s26 =	sshll.u32 s0, $0x1;
	s8 =	smul.u32 $0x2800, s0  }
0x7: {  	[smem:$0x7FF] =	sst s4;
	s11 =	smul.u32 $0x50000, s0;
	s31 =	sshll.u32 s0, $0x6  }
0x8: {  	s2 =	sor.u32 s6, s26;
	s9 =	smul.u32 $0x28000, s6;
	s6 =	ssub.s32 $0x2, s6  }
0x9: {  	s5 =	smul.u32 $0x500, s2;
	s2 =	rddreg [dreg:$0x3];
	_ =	strace $0x8000004D  }
0xa: {  	s28 =	sshrl.u32 s6, $0x1;
	s29 =	sshrl.u32 s11, $0x2;
	s8 =	sadd.s32 s8, s9  }
0xb: {  	s30 =	ssub.s32 s6, s28;
	s12 =	sadd.s32 s29, s3;
	s6 =	sor.u32 $0x1C02, s31  }
0xc: {  	s10 =	sadd.s32 s5, s7;
	s5 =	sadd.s32 $0x94A00, s7;
	s9 =	sadd.s32 s8, s7  }
0xd: {  	s11 =	sshrl.u32 s12, $0x3;
	s12 =	simm.s32 $0x2;
	s7 =	sadd.s32 $0x8200, s10  }
0xe: {  	s8 =	sadd.s32 $0x12200, s10;
	s9 =	sadd.s32 $0x97200, s9;
	s10 =	smax.u32 s30, $0x1  }
.LBB2_1:
0xf: {  	[spmem:s11], [sflag:s6] =	dma.local [hbm:s5], $0x2800  }
0x10: {  	_ =	swait.ge [sflag:s12], $0x2800  }
0x11: {  	[sflag:s12] =	ssyncset.done $0x0  }
0x12: {  	[sflag:s12] =	ssyncadd.s32 $0xFFFFD800  }
0x13: {  	[tilespmem:s4], [sflag:$0x2] =	stream.linear.gather [hbm4b:s7+s4], $0x2780, $0x38;
	[tilespmem:$0x1D000] =	vst v63  }
0x14: {  	_ =	swait.ge [sflag:s12], $0x2780  }
0x15: {  	[sflag:s12] =	ssyncset.done $0x0  }
0x16: {  	[sflag:s12] =	ssyncadd.s32 $0xFFFFD880  }
0x17: {  	[tilespmem:s13], [sflag:$0x2] =	stream.linear.gather [hbm4b:s8+s4], $0x2780, $0x38;
	[tilespmem:$0x1D000] =	vst v63  }
0x18: {  	_ =	swait.ge [sflag:s12], $0x2780  }
0x19: {  	[sflag:s12] =	ssyncset.done $0x0  }
0x1a: {  	[sflag:s12] =	ssyncadd.s32 $0xFFFFD880  }
0x1b: {  	s18 =	simm.s32 $0x0;
	[bflag:$0x0] =	sbarrier.arrive $0xFFFF  }
0x1c: {  	[tilespmem:s15], [sflag:$0x1] =	stream.indirect.gather [hbm4b:s1+s14], $0x80, s18, s14, $0xb8;
	[tilespmem:$0x1D000] =	vst v63  }
0x1d: {  	_ =	swait.ge [sflag:s16], $0x4000  }
0x1e: {  	[sflag:s16] =	ssyncset.done $0x0  }
0x1f: {  	s31 =	simm.s32 $0x2800;
	[sflag:s16] =	ssyncadd.s32 $0xFFFFC000  }
0x20: {  	[spmem:s3] =	stream.indirect.scatter.add.f32 [tilespmem:s15], [sflag:$0x2], $0x80, s31, s14, $0xb8;
	[tilespmem:$0x1D000] =	vst v63  }
0x21: {  	_ =	swait.ge [sflag:s12], $0x4000  }
0x22: {  	s19 =	simm.s32 $0x400;
	s18 =	simm.s32 $0x200;
	[sflag:s12] =	ssyncset.done $0x0  }
.LBB2_2:
0x23: {  	s20 =	sshra.s32 s18, $0x2  }
0x24: {  	[sflag:s12] =	ssyncadd.s32 $0xFFFFC000;
	s18 =	smov.u32 s19;
	s21 =	sadd.s32 $0x200, s19  }
0x25: {  	[tilespmem:s15], [sflag:$0x1] =	stream.indirect.gather [hbm4b:s1+s14], $0x80, s20, s14, $0xb8;
	[tilespmem:$0x1D000] =	vst v63  }
0x26: {  	p0 =	sne.s32 s19, $0x9C00;
	_ =	swait.ge [sflag:s16], $0x4000  }
.Ltmp0:
0x27: {  	[sflag:s16] =	ssyncset.done $0x0;
	(pc) =	sbr.rel @p0 .LBB2_2-.Ltmp0, $4  }
0x28: {  	s19 =	sadd.s32 $0x2800, s20;
	[sflag:s16] =	ssyncadd.s32 $0xFFFFC000  }
0x29: {  	[spmem:s3] =	stream.indirect.scatter.add.f32 [tilespmem:s15], [sflag:$0x2], $0x80, s19, s14, $0xb8;
	[tilespmem:$0x1D000] =	vst v63  }
0x2a: {  	_ =	swait.ge [sflag:s12], $0x4000  }
0x2b: {  	s19 =	smov.u32 s21;
	[sflag:s12] =	ssyncset.done $0x0  }
0x2c: {  	s18 =	sshra.s32 s18, $0x2;
	[sflag:s12] =	ssyncadd.s32 $0xFFFFC000  }
0x2d: {  	[tilespmem:s15], [sflag:$0x1] =	stream.indirect.gather [hbm4b:s1+s14], $0x80, s18, s14, $0xb8;
	[tilespmem:$0x1D000] =	vst v63  }
0x2e: {  	_ =	swait.ge [sflag:s16], $0x4000  }
0x2f: {  	[sflag:s16] =	ssyncset.done $0x0  }
0x30: {  	s18 =	sadd.s32 $0x2800, s18;
	[sflag:s16] =	ssyncadd.s32 $0xFFFFC000  }
0x31: {  	[spmem:s3] =	stream.indirect.scatter.add.f32 [tilespmem:s15], [sflag:$0x2], $0x80, s18, s14, $0xb8;
	[tilespmem:$0x1D000] =	vst v63  }
0x32: {  	_ =	swait.ge [sflag:s12], $0x4000  }
0x33: {  	s17 =	sadd.s32 $0x1, s17;
	[sflag:s12] =	ssyncset.done $0x0  }
0x34: {  	p0 =	sne.s32 s17, s10;
	[sflag:s12] =	ssyncadd.s32 $0xFFFFC000  }
.Ltmp1:
0x35: {  	[bflag:$0x0] =	sbarrier.arrive $0xFFFF;
	(pc) =	sbr.rel @p0 .LBB2_1-.Ltmp1, $4  }
0x36: {  	[hbm:s9], [sflag:s6] =	dma.local [spmem:s11], $0x2800  }
0x37: {  	_ =	swait.ge [sflag:s12], $0x2800  }
0x38: {  	[sflag:s12] =	ssyncset.done $0x0  }
0x39: {  	[sflag:s12] =	ssyncadd.s32 $0xFFFFD800  }
0x3a: {  	_ =	sfence.sel $0x180000  }
0x3b: {  	[bflag:$0x0] =	sbarrier.arrive $0xFFFF  }
0x3c: {  	p0 =	sne.s32 s0, $0x0;
	_ =	strace $0x9000004D  }
0x3d: {  	s0 =	sadd.s32 @!p0 $0x100000, s2;
	[bflag:$0x2] =	sbarrier.arrive $0xFFFF  }
0x3e: {  	[sflag:s0] =	ssyncadd.tile.s32 @!p0 $0x1;
	_ =	shalt  }
.Lfunc_end2:
_tile_overlayer_lowered:
.L_overlay_start_2:
0x3f: {  	(tag) =	ssettag $0x2  }
0x40: {  	s0 =	rddreg [dreg:$0x0];
	s2 =	stileid.u32  }
0x41: {  	s1 =	rddreg [dreg:$0x1];
	p0 =	sne.s32 s2, $0x0  }
0x42: {  	s3 =	rddreg [dreg:$0x2];
	[bflag:$0x3] =	sbarrier.arrive $0xFFFF;
	s2 =	simm.s32 @!p0 $0x1C02  }
0x43: {  	[timem:s3], [sflag:s2] =	dma.local @!p0 [hbm:s0], s1  }
0x44: {  	s0 =	simm.s32 @!p0 $0x2  }
0x45: {  	_ =	swait.ge @!p0 [sflag:s0], s1  }
0x46: {  	s1 =	ssub.s32 @!p0 $0x0, s1;
	[sflag:s0] =	ssyncset.done @!p0 $0x0  }
0x47: {  	[sflag:s0] =	ssyncadd.s32 @!p0 s1  }
0x48: {  	[bflag:$0x3] =	sbarrier.arrive $0xFFFF  }
0x49: {  	_ =	shalt  }

// kernel: kernel.31.cloned.1.call-start
scs
__scs_entry_jumppad:
0x0: {  	(pc) =	sbr.rel $0x88, $3  }
0x1: {  	(tag) =	ssettag $0x0;
	lr =	simm.s32 $0x1  }
0x2: {  	[smem:$0x3F83] =	sst lr;
	_ =	strace $0xD0000000  }
0x3: {  	_ = 	snop  }
0x4: {  	_ = 	snop  }
0x5: {  	_ = 	snop  }
0x6: {  	_ = 	snop  }
0x7: {  	_ = 	snop  }
__scs_overlays_trampoline_lowered:
0x8: {  	[smem:$0x3F92] =	sst s0  }
0x9: {  	[smem:$0x3F93] =	sst s1  }
0xa: {  	[smem:$0x3F94] =	sst s2  }
0xb: {  	[smem:$0x3F95] =	sst s3  }
0xc: {  	[smem:$0x3F96] =	sst s4  }
0xd: {  	[smem:$0x3F97] =	sst s5  }
0xe: {  	[smem:$0x3F98] =	sst s6  }
0xf: {  	[smem:$0x3F99] =	sst s7  }
0x10: {  	[smem:$0x3F9A] =	sst s8  }
0x11: {  	[smem:$0x3F9B] =	sst s9;
	s0 =	simm.s32 @!p0 $0x0  }
0x12: {  	s1 =	sld [smem:$0x3F81];
	s0 =	simm.s32 @p0 $0x1  }
0x13: {  	[smem:$0x3F9C] =	sst s0;
	s0 =	simm.s32 @!p1 $0x0  }
0x14: {  	s2 =	sld [smem:$0x3F80];
	s0 =	simm.s32 @p1 $0x1  }
0x15: {  	[smem:$0x3F9D] =	sst s0;
	s0 =	simm.s32 @!p2 $0x0  }
0x16: {  	s3 =	sld [smem:$0x3FDB];
	s0 =	simm.s32 @p2 $0x1  }
0x17: {  	s4 =	simm.s32 $0x1BF5;
	[smem:$0x3F9F] =	sst s0  }
0x18: {  	s0 =	sld [smem:$0x3F82];
	_ =	swait.ge [sflag:s4], $0x0  }
0x19: {  	s7 =	sld [smem:$0x3F83]  }
0x1a: {  	s8 =	sadd.s32 $0xFFFFE003, lr  }
0x1b: {  	s9 =	sadd.s32 $0xFFFFFEF7, lr;
	s5 =	simm.s32 $0xFFFFFFFF;
	p2 =	slt.u32 s8, $0xFFFFF086  }
0x1c: {  	p1 =	slt.u32 s9, $0xF7A;
	s5 =	simm.s32 @!p2 $0x0  }
0x1d: {  	s5 =	simm.s32 @p1 $0x1;
	p0 =	seq.s32 s7, s2  }
0x1e: {  	s7 =	smul.u32 @!p0 $0xF7A, s2;
	p2 =	seq.s32 @!p0 s5, $0x0  }
0x1f: {  	s9 =	smul.u32 $0xF7A, s1;
	s8 =	simm.s32 @!p0 $0x1BF5;
	p2 =	por !p2, p0  }
0x20: {  	[sflag:s8] =	ssyncset.s32 @!p0 $0xFFFFF086;
	s6 =	sadd.s32 @!p0 s3, s7;
	s7 =	simm.s32 @!p0 $0x108  }
0x21: {  	s3 =	sadd.s32 s3, s9;
	s6 =	sadd.s32 @!p0 $0x88, s6;
	s7 =	simm.s32 @p2 $0x1082  }
0x22: {  	[simem:s7], [sflag:s8] =	dma.local @!p0 [hbm:s6], $0xF7A  }
0x23: {  	s9 =	sor.u32 $0xD0000000, s2;
	s6 =	simm.s32 $0x108;
	_ =	swait.ge @!p0 [sflag:s8], $0x0  }
0x24: {  	s3 =	sadd.s32 $0x88, s3;
	s6 =	simm.s32 @!p1 $0x1082;
	[sflag:s4] =	ssyncset.s32 $0xFFFFF086  }
0x25: {  	[simem:s6], [sflag:s4] =	dma.local [hbm:s3], $0xF7A  }
0x26: {  	[smem:$0x3F83] =	sst s1;
	(tag) =	ssettag s2;
	_ =	strace s9  }
0x27: {  	s1 =	sld [smem:$0x3F93]  }
0x28: {  	s2 =	sld [smem:$0x3F94]  }
0x29: {  	s4 =	sld [smem:$0x3F96]  }
0x2a: {  	p0 =	seq.s32 s5, $0x0;
	s5 =	sld [smem:$0x3F97]  }
0x2b: {  	s6 =	sld [smem:$0x3F98]  }
0x2c: {  	s7 =	sld [smem:$0x3F99]  }
0x2d: {  	s3 =	simm.s32 $0x108;
	s8 =	sld [smem:$0x3F9A]  }
0x2e: {  	s3 =	simm.s32 @!p0 $0x1082;
	s9 =	sld [smem:$0x3F9B]  }
0x2f: {  	lr =	sadd.s32 s0, s3;
	s0 =	sld [smem:$0x3F92]  }
0x30: {  	s3 =	sld [smem:$0x3F95]  }
0x31: {  	[smem:$0x3F9E] =	sst s10  }
0x32: {  	s10 =	sld [smem:$0x3F9C];
	_ =	sdelay $0x3  }
0x33: {  	p0 =	seq.s32 s10, $0x1;
	s10 =	sld [smem:$0x3F9E];
	_ =	sdelay $0x3  }
0x34: {  	[smem:$0x3F9E] =	sst s10  }
0x35: {  	s10 =	sld [smem:$0x3F9D];
	_ =	sdelay $0x3  }
0x36: {  	p1 =	seq.s32 s10, $0x1;
	s10 =	sld [smem:$0x3F9E];
	_ =	sdelay $0x3  }
0x37: {  	[smem:$0x3F9E] =	sst s10  }
0x38: {  	s10 =	sld [smem:$0x3F9F]  }
0x39: {  	_ = 	snop;
	(pc) =	sbr.ind lr, $3  }
0x3a: {  	_ = 	snop  }
0x3b: {  	_ = 	snop  }
0x3c: {  	p2 =	seq.s32 s10, $0x1;
	s10 =	sld [smem:$0x3F9E]  }
0x3d: {  	_ =	shalt  }
0x3e: {  	_ =	shalt  }
0x3f: {  	_ =	shalt  }
0x40: {  	_ =	shalt  }
0x41: {  	_ =	shalt  }
0x42: {  	_ =	shalt  }
0x43: {  	_ =	shalt  }
0x44: {  	_ =	shalt  }
0x45: {  	_ =	shalt  }
0x46: {  	_ =	shalt  }
0x47: {  	_ =	shalt  }
0x48: {  	_ =	shalt  }
0x49: {  	_ =	shalt  }
0x4a: {  	_ =	shalt  }
0x4b: {  	_ =	shalt  }
0x4c: {  	_ =	shalt  }
0x4d: {  	_ =	shalt  }
0x4e: {  	_ =	shalt  }
0x4f: {  	_ =	shalt  }
0x50: {  	_ =	shalt  }
0x51: {  	_ =	shalt  }
0x52: {  	_ =	shalt  }
0x53: {  	_ =	shalt  }
0x54: {  	_ =	shalt  }
0x55: {  	_ =	shalt  }
0x56: {  	_ =	shalt  }
0x57: {  	_ =	shalt  }
0x58: {  	_ =	shalt  }
0x59: {  	_ =	shalt  }
0x5a: {  	_ =	shalt  }
0x5b: {  	_ =	shalt  }
0x5c: {  	_ =	shalt  }
0x5d: {  	_ =	shalt  }
0x5e: {  	_ =	shalt  }
0x5f: {  	_ =	shalt  }
0x60: {  	_ =	shalt  }
0x61: {  	_ =	shalt  }
0x62: {  	_ =	shalt  }
0x63: {  	_ =	shalt  }
0x64: {  	_ =	shalt  }
0x65: {  	_ =	shalt  }
0x66: {  	_ =	shalt  }
0x67: {  	_ =	shalt  }
0x68: {  	_ =	shalt  }
0x69: {  	_ =	shalt  }
0x6a: {  	_ =	shalt  }
0x6b: {  	_ =	shalt  }
0x6c: {  	_ =	shalt  }
0x6d: {  	_ =	shalt  }
0x6e: {  	_ =	shalt  }
0x6f: {  	_ =	shalt  }
0x70: {  	_ =	shalt  }
0x71: {  	_ =	shalt  }
0x72: {  	_ =	shalt  }
0x73: {  	_ =	shalt  }
0x74: {  	_ =	shalt  }
0x75: {  	_ =	shalt  }
0x76: {  	_ =	shalt  }
0x77: {  	_ =	shalt  }
0x78: {  	_ =	shalt  }
0x79: {  	_ =	shalt  }
0x7a: {  	_ =	shalt  }
0x7b: {  	_ =	shalt  }
0x7c: {  	_ =	shalt  }
0x7d: {  	_ =	shalt  }
0x7e: {  	_ =	shalt  }
0x7f: {  	_ =	shalt  }
0x80: {  	_ =	shalt  }
0x81: {  	_ =	shalt  }
0x82: {  	_ =	shalt  }
0x83: {  	_ =	shalt  }
0x84: {  	_ =	shalt  }
0x85: {  	_ =	shalt  }
0x86: {  	_ =	shalt  }
0x87: {  	_ =	shalt  }
.Lfunc_end0:
.L_simem_size_0:
called_computation.4_lowered:
.L_overlay_start_0:
0x88: {  	s2 =	sld [smem:$0x3FD9]  }
0x89: {  	s3 =	sld [smem:$0x3FFE];
	_ =	sdelay $0x1  }
0x8a: {  	s1 =	srdreg.scid  }
0x8b: {  	s0 =	sand.u32 $0x1, s1  }
0x8c: {  	s14 =	sshll.u32 s0, $0xA;
	s2 =	sadd.s32 s3, s2  }
0x8d: {  	s2 =	sadd.s32 s2, s14  }
0x8e: {  	[smem:$0x3FAA] =	sst s2  }
0x8f: {  	_ = 	snop  }
0x90: {  	s2 =	sld [smem:$0x3FD0];
	_ =	sdelay $0x2  }
0x91: {  	s15 =	simm.s32 $0xB;
	s4 =	simm.s32 $0x10  }
0x92: {  	[smem:s4], [sflag:s15] =	dma.local [hbm:s2], $0x1  }
0x93: {  	_ =	swait.eq [sflag:s15], $0x1  }
0x94: {  	[sflag:s15] =	ssyncset.done $0x0  }
0x95: {  	[sflag:s15] =	ssyncadd.s32 $0xFFFFFFFF  }
0x96: {  	s16 =	sld [smem:$0x10];
	(tm) =	ssettm $0x1  }
0x97: {  	s17 =	sld [smem:$0x3FFB];
	_ =	sdelay $0x3  }
0x98: {  	_ =	strace s17  }
0x99: {  	s3 =	sld [smem:$0x3FFC];
	_ =	sdelay $0x3  }
0x9a: {  	_ =	strace s3  }
0x9b: {  	s3 =	sld [smem:$0x3FFD];
	_ =	sdelay $0x3  }
0x9c: {  	_ =	strace s3  }
0x9d: {  	_ =	strace $0x8FFFFFFF  }
0x9e: {  	s18 =	sld [smem:$0x3FDB];
	_ =	sdelay $0x1  }
0x9f: {  	s19 =	simm.s32 $_scs_section_size  }
0xa0: {  	s5 =	simm.s32 $_size__tile_overlayer_lowered;
	s6 =	simm.s32 $_tile_overlayer_lowered  }
0xa1: {  	s22 =	simm.s32 $0x1BFF;
	s21 =	sshll.u32 s6, $0x1;
	s3 =	sadd.s32 s19, s18  }
0xa2: {  	s7 =	simm.s32 $0x0;
	s20 =	sshll.u32 s5, $0x1;
	s5 =	sadd.s32 s21, s3  }
0xa3: {  	[timem:s7], [sflag:s22] =	dma.local [hbm:s5], s20  }
0xa4: {  	_ =	swait.ge [sflag:s22], s20  }
0xa5: {  	s4 =	ssub.s32 $0x0, s20;
	[sflag:s22] =	ssyncset.done $0x0  }
0xa6: {  	[sflag:s22] =	ssyncadd.s32 s4;
	_ =	sdelay $0x1  }
0xa7: {  	s23 =	simm.s32 $0x1B8B  }
0xa8: {  	_ =	swait.ge [sflag:s23], $0x1  }
0xa9: {  	[sflag:s23] =	ssyncset.done $0x0  }
0xaa: {  	s25 =	simm.s32 $0x1B8E;
	s24 =	sld [smem:$0x3FFE];
	[sflag:s23] =	ssyncadd.s32 $0xFFFFFFFF  }
0xab: {  	s26 =	simm.s32 $execute0_lowered;
	[smem:$0x3FD2] =	sst s25  }
0xac: {  	s5 =	sshll.u32 s26, $0x1;
	_ =	strace $0x8000004F;
	[dreg:$0x1] =	wrdreg $0xFFFFFFFF  }
0xad: {  	s28 =	simm.s32 $_size_execute0_lowered;
	s3 =	sadd.s32 s3, s5;
	[dreg:$0x0] =	wrdreg $0x0  }
0xae: {  	s5 =	sshll.u32 s28, $0x1;
	[dreg:$0x2] =	wrdreg s3  }
0xaf: {  	[dreg:$0x3] =	wrdreg s5  }
0xb0: {  	[dreg:$0x4] =	wrdreg $0xC0  }
0xb1: {  	_ =	task [dreg:s7], $0x5FFFF  }
0xb2: {  	[dreg:$0x1] =	wrdreg $0xFFFFFFFF  }
0xb3: {  	[dreg:$0x0] =	wrdreg $0x60  }
0xb4: {  	[dreg:$0x2] =	wrdreg s16  }
0xb5: {  	[dreg:$0x3] =	wrdreg s24  }
0xb6: {  	[dreg:$0x4] =	wrdreg $0x90000  }
0xb7: {  	[dreg:$0x5] =	wrdreg $0x9  }
0xb8: {  	_ =	task.clear_ibuf [dreg:s7], $0x6FFFF;
	_ =	strace $0x9000004F  }
0xb9: {  	s29 =	simm.s32 $0x9;
	_ =	strace $0x80000051  }
0xba: {  	_ =	swait.ge [sflag:s29], $0x1  }
0xbb: {  	[sflag:s29] =	ssyncadd.s32 $0xFFFFFFFF  }
0xbc: {  	_ =	strace $0x90000051  }
0xbd: {  	_ =	sfence  }
0xbe: {  	s30 =	sld [smem:$0x0];
	_ =	sdelay $0x2  }
0xbf: {  	s31 =	sshll.u32 s1, $0xD;
	s1 =	sshrl.u32 s1, $0x2  }
0xc0: {  	s3 =	sand.u32 $0x4000, s31;
	s1 =	sadd.s32 s1, s30  }
0xc1: {  	s0 =	sor.u32 s3, s0;
	s1 =	sshll.u32 s1, $0x11  }
0xc2: {  	s0 =	sor.u32 s1, s0  }
0xc3: {  	s0 =	sadd.s32 $0x8F2B, s0  }
0xc4: {  	[sflag:s0] =	ssyncadd.remote.s32 $0x1  }
0xc5: {  	_ =	sfence.sel $0xFFFF  }
0xc6: {  	[dreg:$0x0] =	wrdreg $0xFFFFFFFF;
	(pc) =	sbr.abs _section_cstart, $3  }
0xc7: {  	[dreg:$0x1] =	wrdreg $0xFFFFFFFF  }
0xc8: {  	_ =	task.clear_ibuf [dreg:s7], $0x2FFFF;
	_ =	strace $0x9FFFFFFF  }
0xc9: {  	(tm) =	ssettm $0x7FFFFFFF  }
tec
execute0_lowered:
.L_overlay_start_1:
0x0: {  	(tag) =	ssettag $0x1  }
0x1: {  	s1 =	rddreg [dreg:$0x0]  }
0x2: {  	s2 =	srdreg.scid;
	s7 =	rddreg [dreg:$0x1]  }
0x3: {  	s0 =	stileid.u32;
	s3 =	rddreg [dreg:$0x2]  }
0x4: {  	s4 =	simm.s32 $0x0;
	s13 =	simm.s32 $0x2800;
	s14 =	simm.s32 $0x80  }
0x5: {  	s15 =	simm.s32 $0x5000;
	s16 =	simm.s32 $0x1;
	s17 =	simm.s32 $0x0  }
0x6: {  	s6 =	sand.u32 $0x1, s2;
	s26 =	sshll.u32 s0, $0x1;
	s8 =	smul.u32 $0x2800, s0  }
0x7: {  	[smem:$0x7FF] =	sst s4;
	s11 =	smul.u32 $0x50000, s0;
	s31 =	sshll.u32 s0, $0x6  }
0x8: {  	s2 =	sor.u32 s6, s26;
	s9 =	smul.u32 $0x28000, s6;
	s6 =	ssub.s32 $0x2, s6  }
0x9: {  	s5 =	smul.u32 $0x500, s2;
	s2 =	rddreg [dreg:$0x3];
	_ =	strace $0x80000050  }
0xa: {  	s28 =	sshrl.u32 s6, $0x1;
	s29 =	sshrl.u32 s11, $0x2;
	s8 =	sadd.s32 s8, s9  }
0xb: {  	s30 =	ssub.s32 s6, s28;
	s12 =	sadd.s32 s29, s3;
	s6 =	sor.u32 $0x1C02, s31  }
0xc: {  	s10 =	sadd.s32 s5, s7;
	s5 =	sadd.s32 $0x94A00, s7;
	s9 =	sadd.s32 s8, s7  }
0xd: {  	s11 =	sshrl.u32 s12, $0x3;
	s12 =	simm.s32 $0x2;
	s7 =	sadd.s32 $0x8200, s10  }
0xe: {  	s8 =	sadd.s32 $0x12200, s10;
	s9 =	sadd.s32 $0x97200, s9;
	s10 =	smax.u32 s30, $0x1  }
.LBB2_1:
0xf: {  	[spmem:s11], [sflag:s6] =	dma.local [hbm:s5], $0x2800  }
0x10: {  	_ =	swait.ge [sflag:s12], $0x2800  }
0x11: {  	[sflag:s12] =	ssyncset.done $0x0  }
0x12: {  	[sflag:s12] =	ssyncadd.s32 $0xFFFFD800  }
0x13: {  	[tilespmem:s4], [sflag:$0x2] =	stream.linear.gather [hbm4b:s7+s4], $0x2780, $0x38;
	[tilespmem:$0x1D000] =	vst v63  }
0x14: {  	_ =	swait.ge [sflag:s12], $0x2780  }
0x15: {  	[sflag:s12] =	ssyncset.done $0x0  }
0x16: {  	[sflag:s12] =	ssyncadd.s32 $0xFFFFD880  }
0x17: {  	[tilespmem:s13], [sflag:$0x2] =	stream.linear.gather [hbm4b:s8+s4], $0x2780, $0x38;
	[tilespmem:$0x1D000] =	vst v63  }
0x18: {  	_ =	swait.ge [sflag:s12], $0x2780  }
0x19: {  	[sflag:s12] =	ssyncset.done $0x0  }
0x1a: {  	[sflag:s12] =	ssyncadd.s32 $0xFFFFD880  }
0x1b: {  	s18 =	simm.s32 $0x0;
	[bflag:$0x0] =	sbarrier.arrive $0xFFFF  }
0x1c: {  	[tilespmem:s15], [sflag:$0x1] =	stream.indirect.gather [hbm4b:s1+s14], $0x80, s18, s14, $0xb8;
	[tilespmem:$0x1D000] =	vst v63  }
0x1d: {  	_ =	swait.ge [sflag:s16], $0x4000  }
0x1e: {  	[sflag:s16] =	ssyncset.done $0x0  }
0x1f: {  	s31 =	simm.s32 $0x2800;
	[sflag:s16] =	ssyncadd.s32 $0xFFFFC000  }
0x20: {  	[spmem:s3] =	stream.indirect.scatter.add.f32 [tilespmem:s15], [sflag:$0x2], $0x80, s31, s14, $0xb8;
	[tilespmem:$0x1D000] =	vst v63  }
0x21: {  	_ =	swait.ge [sflag:s12], $0x4000  }
0x22: {  	s19 =	simm.s32 $0x400;
	s18 =	simm.s32 $0x200;
	[sflag:s12] =	ssyncset.done $0x0  }
.LBB2_2:
0x23: {  	s20 =	sshra.s32 s18, $0x2  }
0x24: {  	[sflag:s12] =	ssyncadd.s32 $0xFFFFC000;
	s18 =	smov.u32 s19;
	s21 =	sadd.s32 $0x200, s19  }
0x25: {  	[tilespmem:s15], [sflag:$0x1] =	stream.indirect.gather [hbm4b:s1+s14], $0x80, s20, s14, $0xb8;
	[tilespmem:$0x1D000] =	vst v63  }
0x26: {  	p0 =	sne.s32 s19, $0x9C00;
	_ =	swait.ge [sflag:s16], $0x4000  }
.Ltmp0:
0x27: {  	[sflag:s16] =	ssyncset.done $0x0;
	(pc) =	sbr.rel @p0 .LBB2_2-.Ltmp0, $4  }
0x28: {  	s19 =	sadd.s32 $0x2800, s20;
	[sflag:s16] =	ssyncadd.s32 $0xFFFFC000  }
0x29: {  	[spmem:s3] =	stream.indirect.scatter.add.f32 [tilespmem:s15], [sflag:$0x2], $0x80, s19, s14, $0xb8;
	[tilespmem:$0x1D000] =	vst v63  }
0x2a: {  	_ =	swait.ge [sflag:s12], $0x4000  }
0x2b: {  	s19 =	smov.u32 s21;
	[sflag:s12] =	ssyncset.done $0x0  }
0x2c: {  	s18 =	sshra.s32 s18, $0x2;
	[sflag:s12] =	ssyncadd.s32 $0xFFFFC000  }
0x2d: {  	[tilespmem:s15], [sflag:$0x1] =	stream.indirect.gather [hbm4b:s1+s14], $0x80, s18, s14, $0xb8;
	[tilespmem:$0x1D000] =	vst v63  }
0x2e: {  	_ =	swait.ge [sflag:s16], $0x4000  }
0x2f: {  	[sflag:s16] =	ssyncset.done $0x0  }
0x30: {  	s18 =	sadd.s32 $0x2800, s18;
	[sflag:s16] =	ssyncadd.s32 $0xFFFFC000  }
0x31: {  	[spmem:s3] =	stream.indirect.scatter.add.f32 [tilespmem:s15], [sflag:$0x2], $0x80, s18, s14, $0xb8;
	[tilespmem:$0x1D000] =	vst v63  }
0x32: {  	_ =	swait.ge [sflag:s12], $0x4000  }
0x33: {  	s17 =	sadd.s32 $0x1, s17;
	[sflag:s12] =	ssyncset.done $0x0  }
0x34: {  	p0 =	sne.s32 s17, s10;
	[sflag:s12] =	ssyncadd.s32 $0xFFFFC000  }
.Ltmp1:
0x35: {  	[bflag:$0x0] =	sbarrier.arrive $0xFFFF;
	(pc) =	sbr.rel @p0 .LBB2_1-.Ltmp1, $4  }
0x36: {  	[hbm:s9], [sflag:s6] =	dma.local [spmem:s11], $0x2800  }
0x37: {  	_ =	swait.ge [sflag:s12], $0x2800  }
0x38: {  	[sflag:s12] =	ssyncset.done $0x0  }
0x39: {  	[sflag:s12] =	ssyncadd.s32 $0xFFFFD800  }
0x3a: {  	_ =	sfence.sel $0x180000  }
0x3b: {  	[bflag:$0x0] =	sbarrier.arrive $0xFFFF  }
0x3c: {  	p0 =	sne.s32 s0, $0x0;
	_ =	strace $0x90000050  }
0x3d: {  	s0 =	sadd.s32 @!p0 $0x100000, s2;
	[bflag:$0x2] =	sbarrier.arrive $0xFFFF  }
0x3e: {  	[sflag:s0] =	ssyncadd.tile.s32 @!p0 $0x1;
	_ =	shalt  }
.Lfunc_end2:
_tile_overlayer_lowered:
.L_overlay_start_2:
0x3f: {  	(tag) =	ssettag $0x2  }
0x40: {  	s0 =	rddreg [dreg:$0x0];
	s2 =	stileid.u32  }
0x41: {  	s1 =	rddreg [dreg:$0x1];
	p0 =	sne.s32 s2, $0x0  }
0x42: {  	s3 =	rddreg [dreg:$0x2];
	[bflag:$0x3] =	sbarrier.arrive $0xFFFF;
	s2 =	simm.s32 @!p0 $0x1C02  }
0x43: {  	[timem:s3], [sflag:s2] =	dma.local @!p0 [hbm:s0], s1  }
0x44: {  	s0 =	simm.s32 @!p0 $0x2  }
0x45: {  	_ =	swait.ge @!p0 [sflag:s0], s1  }
0x46: {  	s1 =	ssub.s32 @!p0 $0x0, s1;
	[sflag:s0] =	ssyncset.done @!p0 $0x0  }
0x47: {  	[sflag:s0] =	ssyncadd.s32 @!p0 s1  }
0x48: {  	[bflag:$0x3] =	sbarrier.arrive $0xFFFF  }
0x49: {  	_ =	shalt  }

// kernel: kernel.34.cloned.1.call-start
scs
__scs_entry_jumppad:
0x0: {  	(pc) =	sbr.rel $0x88, $3  }
0x1: {  	(tag) =	ssettag $0x0;
	lr =	simm.s32 $0x1  }
0x2: {  	[smem:$0x3F83] =	sst lr;
	_ =	strace $0xD0000000  }
0x3: {  	_ = 	snop  }
0x4: {  	_ = 	snop  }
0x5: {  	_ = 	snop  }
0x6: {  	_ = 	snop  }
0x7: {  	_ = 	snop  }
__scs_overlays_trampoline_lowered:
0x8: {  	[smem:$0x3F92] =	sst s0  }
0x9: {  	[smem:$0x3F93] =	sst s1  }
0xa: {  	[smem:$0x3F94] =	sst s2  }
0xb: {  	[smem:$0x3F95] =	sst s3  }
0xc: {  	[smem:$0x3F96] =	sst s4  }
0xd: {  	[smem:$0x3F97] =	sst s5  }
0xe: {  	[smem:$0x3F98] =	sst s6  }
0xf: {  	[smem:$0x3F99] =	sst s7  }
0x10: {  	[smem:$0x3F9A] =	sst s8  }
0x11: {  	[smem:$0x3F9B] =	sst s9;
	s0 =	simm.s32 @!p0 $0x0  }
0x12: {  	s1 =	sld [smem:$0x3F81];
	s0 =	simm.s32 @p0 $0x1  }
0x13: {  	[smem:$0x3F9C] =	sst s0;
	s0 =	simm.s32 @!p1 $0x0  }
0x14: {  	s2 =	sld [smem:$0x3F80];
	s0 =	simm.s32 @p1 $0x1  }
0x15: {  	[smem:$0x3F9D] =	sst s0;
	s0 =	simm.s32 @!p2 $0x0  }
0x16: {  	s3 =	sld [smem:$0x3FDB];
	s0 =	simm.s32 @p2 $0x1  }
0x17: {  	s4 =	simm.s32 $0x1BF5;
	[smem:$0x3F9F] =	sst s0  }
0x18: {  	s0 =	sld [smem:$0x3F82];
	_ =	swait.ge [sflag:s4], $0x0  }
0x19: {  	s7 =	sld [smem:$0x3F83]  }
0x1a: {  	s8 =	sadd.s32 $0xFFFFE003, lr  }
0x1b: {  	s9 =	sadd.s32 $0xFFFFFEF7, lr;
	s5 =	simm.s32 $0xFFFFFFFF;
	p2 =	slt.u32 s8, $0xFFFFF086  }
0x1c: {  	p1 =	slt.u32 s9, $0xF7A;
	s5 =	simm.s32 @!p2 $0x0  }
0x1d: {  	s5 =	simm.s32 @p1 $0x1;
	p0 =	seq.s32 s7, s2  }
0x1e: {  	s7 =	smul.u32 @!p0 $0xF7A, s2;
	p2 =	seq.s32 @!p0 s5, $0x0  }
0x1f: {  	s9 =	smul.u32 $0xF7A, s1;
	s8 =	simm.s32 @!p0 $0x1BF5;
	p2 =	por !p2, p0  }
0x20: {  	[sflag:s8] =	ssyncset.s32 @!p0 $0xFFFFF086;
	s6 =	sadd.s32 @!p0 s3, s7;
	s7 =	simm.s32 @!p0 $0x108  }
0x21: {  	s3 =	sadd.s32 s3, s9;
	s6 =	sadd.s32 @!p0 $0x88, s6;
	s7 =	simm.s32 @p2 $0x1082  }
0x22: {  	[simem:s7], [sflag:s8] =	dma.local @!p0 [hbm:s6], $0xF7A  }
0x23: {  	s9 =	sor.u32 $0xD0000000, s2;
	s6 =	simm.s32 $0x108;
	_ =	swait.ge @!p0 [sflag:s8], $0x0  }
0x24: {  	s3 =	sadd.s32 $0x88, s3;
	s6 =	simm.s32 @!p1 $0x1082;
	[sflag:s4] =	ssyncset.s32 $0xFFFFF086  }
0x25: {  	[simem:s6], [sflag:s4] =	dma.local [hbm:s3], $0xF7A  }
0x26: {  	[smem:$0x3F83] =	sst s1;
	(tag) =	ssettag s2;
	_ =	strace s9  }
0x27: {  	s1 =	sld [smem:$0x3F93]  }
0x28: {  	s2 =	sld [smem:$0x3F94]  }
0x29: {  	s4 =	sld [smem:$0x3F96]  }
0x2a: {  	p0 =	seq.s32 s5, $0x0;
	s5 =	sld [smem:$0x3F97]  }
0x2b: {  	s6 =	sld [smem:$0x3F98]  }
0x2c: {  	s7 =	sld [smem:$0x3F99]  }
0x2d: {  	s3 =	simm.s32 $0x108;
	s8 =	sld [smem:$0x3F9A]  }
0x2e: {  	s3 =	simm.s32 @!p0 $0x1082;
	s9 =	sld [smem:$0x3F9B]  }
0x2f: {  	lr =	sadd.s32 s0, s3;
	s0 =	sld [smem:$0x3F92]  }
0x30: {  	s3 =	sld [smem:$0x3F95]  }
0x31: {  	[smem:$0x3F9E] =	sst s10  }
0x32: {  	s10 =	sld [smem:$0x3F9C];
	_ =	sdelay $0x3  }
0x33: {  	p0 =	seq.s32 s10, $0x1;
	s10 =	sld [smem:$0x3F9E];
	_ =	sdelay $0x3  }
0x34: {  	[smem:$0x3F9E] =	sst s10  }
0x35: {  	s10 =	sld [smem:$0x3F9D];
	_ =	sdelay $0x3  }
0x36: {  	p1 =	seq.s32 s10, $0x1;
	s10 =	sld [smem:$0x3F9E];
	_ =	sdelay $0x3  }
0x37: {  	[smem:$0x3F9E] =	sst s10  }
0x38: {  	s10 =	sld [smem:$0x3F9F]  }
0x39: {  	_ = 	snop;
	(pc) =	sbr.ind lr, $3  }
0x3a: {  	_ = 	snop  }
0x3b: {  	_ = 	snop  }
0x3c: {  	p2 =	seq.s32 s10, $0x1;
	s10 =	sld [smem:$0x3F9E]  }
0x3d: {  	_ =	shalt  }
0x3e: {  	_ =	shalt  }
0x3f: {  	_ =	shalt  }
0x40: {  	_ =	shalt  }
0x41: {  	_ =	shalt  }
0x42: {  	_ =	shalt  }
0x43: {  	_ =	shalt  }
0x44: {  	_ =	shalt  }
0x45: {  	_ =	shalt  }
0x46: {  	_ =	shalt  }
0x47: {  	_ =	shalt  }
0x48: {  	_ =	shalt  }
0x49: {  	_ =	shalt  }
0x4a: {  	_ =	shalt  }
0x4b: {  	_ =	shalt  }
0x4c: {  	_ =	shalt  }
0x4d: {  	_ =	shalt  }
0x4e: {  	_ =	shalt  }
0x4f: {  	_ =	shalt  }
0x50: {  	_ =	shalt  }
0x51: {  	_ =	shalt  }
0x52: {  	_ =	shalt  }
0x53: {  	_ =	shalt  }
0x54: {  	_ =	shalt  }
0x55: {  	_ =	shalt  }
0x56: {  	_ =	shalt  }
0x57: {  	_ =	shalt  }
0x58: {  	_ =	shalt  }
0x59: {  	_ =	shalt  }
0x5a: {  	_ =	shalt  }
0x5b: {  	_ =	shalt  }
0x5c: {  	_ =	shalt  }
0x5d: {  	_ =	shalt  }
0x5e: {  	_ =	shalt  }
0x5f: {  	_ =	shalt  }
0x60: {  	_ =	shalt  }
0x61: {  	_ =	shalt  }
0x62: {  	_ =	shalt  }
0x63: {  	_ =	shalt  }
0x64: {  	_ =	shalt  }
0x65: {  	_ =	shalt  }
0x66: {  	_ =	shalt  }
0x67: {  	_ =	shalt  }
0x68: {  	_ =	shalt  }
0x69: {  	_ =	shalt  }
0x6a: {  	_ =	shalt  }
0x6b: {  	_ =	shalt  }
0x6c: {  	_ =	shalt  }
0x6d: {  	_ =	shalt  }
0x6e: {  	_ =	shalt  }
0x6f: {  	_ =	shalt  }
0x70: {  	_ =	shalt  }
0x71: {  	_ =	shalt  }
0x72: {  	_ =	shalt  }
0x73: {  	_ =	shalt  }
0x74: {  	_ =	shalt  }
0x75: {  	_ =	shalt  }
0x76: {  	_ =	shalt  }
0x77: {  	_ =	shalt  }
0x78: {  	_ =	shalt  }
0x79: {  	_ =	shalt  }
0x7a: {  	_ =	shalt  }
0x7b: {  	_ =	shalt  }
0x7c: {  	_ =	shalt  }
0x7d: {  	_ =	shalt  }
0x7e: {  	_ =	shalt  }
0x7f: {  	_ =	shalt  }
0x80: {  	_ =	shalt  }
0x81: {  	_ =	shalt  }
0x82: {  	_ =	shalt  }
0x83: {  	_ =	shalt  }
0x84: {  	_ =	shalt  }
0x85: {  	_ =	shalt  }
0x86: {  	_ =	shalt  }
0x87: {  	_ =	shalt  }
.Lfunc_end0:
.L_simem_size_0:
called_computation.5_lowered:
.L_overlay_start_0:
0x88: {  	s2 =	sld [smem:$0x3FD9]  }
0x89: {  	s3 =	sld [smem:$0x3FFE];
	_ =	sdelay $0x1  }
0x8a: {  	s1 =	srdreg.scid  }
0x8b: {  	s0 =	sand.u32 $0x1, s1  }
0x8c: {  	s14 =	sshll.u32 s0, $0xA;
	s2 =	sadd.s32 s3, s2  }
0x8d: {  	s2 =	sadd.s32 s2, s14  }
0x8e: {  	[smem:$0x3FAA] =	sst s2  }
0x8f: {  	_ = 	snop  }
0x90: {  	s2 =	sld [smem:$0x3FD0];
	_ =	sdelay $0x2  }
0x91: {  	s15 =	simm.s32 $0xB;
	s4 =	simm.s32 $0x10  }
0x92: {  	[smem:s4], [sflag:s15] =	dma.local [hbm:s2], $0x1  }
0x93: {  	_ =	swait.eq [sflag:s15], $0x1  }
0x94: {  	[sflag:s15] =	ssyncset.done $0x0  }
0x95: {  	[sflag:s15] =	ssyncadd.s32 $0xFFFFFFFF  }
0x96: {  	s16 =	sld [smem:$0x10];
	(tm) =	ssettm $0x1  }
0x97: {  	s17 =	sld [smem:$0x3FFB];
	_ =	sdelay $0x3  }
0x98: {  	_ =	strace s17  }
0x99: {  	s3 =	sld [smem:$0x3FFC];
	_ =	sdelay $0x3  }
0x9a: {  	_ =	strace s3  }
0x9b: {  	s3 =	sld [smem:$0x3FFD];
	_ =	sdelay $0x3  }
0x9c: {  	_ =	strace s3  }
0x9d: {  	_ =	strace $0x8FFFFFFF  }
0x9e: {  	s18 =	sld [smem:$0x3FDB];
	_ =	sdelay $0x1  }
0x9f: {  	s19 =	simm.s32 $_scs_section_size  }
0xa0: {  	s5 =	simm.s32 $_size__tile_overlayer_lowered;
	s6 =	simm.s32 $_tile_overlayer_lowered  }
0xa1: {  	s22 =	simm.s32 $0x1BFF;
	s21 =	sshll.u32 s6, $0x1;
	s3 =	sadd.s32 s19, s18  }
0xa2: {  	s7 =	simm.s32 $0x0;
	s20 =	sshll.u32 s5, $0x1;
	s5 =	sadd.s32 s21, s3  }
0xa3: {  	[timem:s7], [sflag:s22] =	dma.local [hbm:s5], s20  }
0xa4: {  	_ =	swait.ge [sflag:s22], s20  }
0xa5: {  	s4 =	ssub.s32 $0x0, s20;
	[sflag:s22] =	ssyncset.done $0x0  }
0xa6: {  	[sflag:s22] =	ssyncadd.s32 s4;
	_ =	sdelay $0x1  }
0xa7: {  	s23 =	simm.s32 $0x1B8B  }
0xa8: {  	_ =	swait.ge [sflag:s23], $0x1  }
0xa9: {  	[sflag:s23] =	ssyncset.done $0x0  }
0xaa: {  	s25 =	simm.s32 $0x1B8E;
	s24 =	sld [smem:$0x3FFE];
	[sflag:s23] =	ssyncadd.s32 $0xFFFFFFFF  }
0xab: {  	s26 =	simm.s32 $execute0_lowered;
	[smem:$0x3FD2] =	sst s25  }
0xac: {  	s5 =	sshll.u32 s26, $0x1;
	_ =	strace $0x80000052;
	[dreg:$0x1] =	wrdreg $0xFFFFFFFF  }
0xad: {  	s28 =	simm.s32 $_size_execute0_lowered;
	s3 =	sadd.s32 s3, s5;
	[dreg:$0x0] =	wrdreg $0x0  }
0xae: {  	s5 =	sshll.u32 s28, $0x1;
	[dreg:$0x2] =	wrdreg s3  }
0xaf: {  	[dreg:$0x3] =	wrdreg s5  }
0xb0: {  	[dreg:$0x4] =	wrdreg $0xC0  }
0xb1: {  	_ =	task [dreg:s7], $0x5FFFF  }
0xb2: {  	[dreg:$0x1] =	wrdreg $0xFFFFFFFF  }
0xb3: {  	[dreg:$0x0] =	wrdreg $0x60  }
0xb4: {  	[dreg:$0x2] =	wrdreg s16  }
0xb5: {  	[dreg:$0x3] =	wrdreg s24  }
0xb6: {  	[dreg:$0x4] =	wrdreg $0x90000  }
0xb7: {  	[dreg:$0x5] =	wrdreg $0xA  }
0xb8: {  	_ =	task.clear_ibuf [dreg:s7], $0x6FFFF;
	_ =	strace $0x90000052  }
0xb9: {  	s29 =	simm.s32 $0xA;
	_ =	strace $0x80000054  }
0xba: {  	_ =	swait.ge [sflag:s29], $0x1  }
0xbb: {  	[sflag:s29] =	ssyncadd.s32 $0xFFFFFFFF  }
0xbc: {  	_ =	strace $0x90000054  }
0xbd: {  	_ =	sfence  }
0xbe: {  	s30 =	sld [smem:$0x0];
	_ =	sdelay $0x2  }
0xbf: {  	s31 =	sshll.u32 s1, $0xD;
	s1 =	sshrl.u32 s1, $0x2  }
0xc0: {  	s3 =	sand.u32 $0x4000, s31;
	s1 =	sadd.s32 s1, s30  }
0xc1: {  	s0 =	sor.u32 s3, s0;
	s1 =	sshll.u32 s1, $0x11  }
0xc2: {  	s0 =	sor.u32 s1, s0  }
0xc3: {  	s0 =	sadd.s32 $0x8F2B, s0  }
0xc4: {  	[sflag:s0] =	ssyncadd.remote.s32 $0x1  }
0xc5: {  	_ =	sfence.sel $0xFFFF  }
0xc6: {  	[dreg:$0x0] =	wrdreg $0xFFFFFFFF;
	(pc) =	sbr.abs _section_cstart, $3  }
0xc7: {  	[dreg:$0x1] =	wrdreg $0xFFFFFFFF  }
0xc8: {  	_ =	task.clear_ibuf [dreg:s7], $0x2FFFF;
	_ =	strace $0x9FFFFFFF  }
0xc9: {  	(tm) =	ssettm $0x7FFFFFFF  }
tec
execute0_lowered:
.L_overlay_start_1:
0x0: {  	(tag) =	ssettag $0x1  }
0x1: {  	s1 =	rddreg [dreg:$0x0]  }
0x2: {  	s2 =	srdreg.scid;
	s7 =	rddreg [dreg:$0x1]  }
0x3: {  	s0 =	stileid.u32;
	s3 =	rddreg [dreg:$0x2]  }
0x4: {  	s4 =	simm.s32 $0x0;
	s13 =	simm.s32 $0x2800;
	s14 =	simm.s32 $0x80  }
0x5: {  	s15 =	simm.s32 $0x5000;
	s16 =	simm.s32 $0x1;
	s17 =	simm.s32 $0x0  }
0x6: {  	s6 =	sand.u32 $0x1, s2;
	s26 =	sshll.u32 s0, $0x1;
	s8 =	smul.u32 $0x2800, s0  }
0x7: {  	[smem:$0x7FF] =	sst s4;
	s11 =	smul.u32 $0x50000, s0;
	s31 =	sshll.u32 s0, $0x6  }
0x8: {  	s2 =	sor.u32 s6, s26;
	s9 =	smul.u32 $0x28000, s6;
	s6 =	ssub.s32 $0x2, s6  }
0x9: {  	s5 =	smul.u32 $0x500, s2;
	s2 =	rddreg [dreg:$0x3];
	_ =	strace $0x80000053  }
0xa: {  	s28 =	sshrl.u32 s6, $0x1;
	s29 =	sshrl.u32 s11, $0x2;
	s8 =	sadd.s32 s8, s9  }
0xb: {  	s30 =	ssub.s32 s6, s28;
	s12 =	sadd.s32 s29, s3;
	s6 =	sor.u32 $0x1C02, s31  }
0xc: {  	s10 =	sadd.s32 s5, s7;
	s5 =	sadd.s32 $0x94A00, s7;
	s9 =	sadd.s32 s8, s7  }
0xd: {  	s11 =	sshrl.u32 s12, $0x3;
	s12 =	simm.s32 $0x2;
	s7 =	sadd.s32 $0x8200, s10  }
0xe: {  	s8 =	sadd.s32 $0x12200, s10;
	s9 =	sadd.s32 $0x97200, s9;
	s10 =	smax.u32 s30, $0x1  }
.LBB2_1:
0xf: {  	[spmem:s11], [sflag:s6] =	dma.local [hbm:s5], $0x2800  }
0x10: {  	_ =	swait.ge [sflag:s12], $0x2800  }
0x11: {  	[sflag:s12] =	ssyncset.done $0x0  }
0x12: {  	[sflag:s12] =	ssyncadd.s32 $0xFFFFD800  }
0x13: {  	[tilespmem:s4], [sflag:$0x2] =	stream.linear.gather [hbm4b:s7+s4], $0x2780, $0x38;
	[tilespmem:$0x1D000] =	vst v63  }
0x14: {  	_ =	swait.ge [sflag:s12], $0x2780  }
0x15: {  	[sflag:s12] =	ssyncset.done $0x0  }
0x16: {  	[sflag:s12] =	ssyncadd.s32 $0xFFFFD880  }
0x17: {  	[tilespmem:s13], [sflag:$0x2] =	stream.linear.gather [hbm4b:s8+s4], $0x2780, $0x38;
	[tilespmem:$0x1D000] =	vst v63  }
0x18: {  	_ =	swait.ge [sflag:s12], $0x2780  }
0x19: {  	[sflag:s12] =	ssyncset.done $0x0  }
0x1a: {  	[sflag:s12] =	ssyncadd.s32 $0xFFFFD880  }
0x1b: {  	s18 =	simm.s32 $0x0;
	[bflag:$0x0] =	sbarrier.arrive $0xFFFF  }
0x1c: {  	[tilespmem:s15], [sflag:$0x1] =	stream.indirect.gather [hbm4b:s1+s14], $0x80, s18, s14, $0xb8;
	[tilespmem:$0x1D000] =	vst v63  }
0x1d: {  	_ =	swait.ge [sflag:s16], $0x4000  }
0x1e: {  	[sflag:s16] =	ssyncset.done $0x0  }
0x1f: {  	s31 =	simm.s32 $0x2800;
	[sflag:s16] =	ssyncadd.s32 $0xFFFFC000  }
0x20: {  	[spmem:s3] =	stream.indirect.scatter.add.f32 [tilespmem:s15], [sflag:$0x2], $0x80, s31, s14, $0xb8;
	[tilespmem:$0x1D000] =	vst v63  }
0x21: {  	_ =	swait.ge [sflag:s12], $0x4000  }
0x22: {  	s19 =	simm.s32 $0x400;
	s18 =	simm.s32 $0x200;
	[sflag:s12] =	ssyncset.done $0x0  }
.LBB2_2:
0x23: {  	s20 =	sshra.s32 s18, $0x2  }
0x24: {  	[sflag:s12] =	ssyncadd.s32 $0xFFFFC000;
	s18 =	smov.u32 s19;
	s21 =	sadd.s32 $0x200, s19  }
0x25: {  	[tilespmem:s15], [sflag:$0x1] =	stream.indirect.gather [hbm4b:s1+s14], $0x80, s20, s14, $0xb8;
	[tilespmem:$0x1D000] =	vst v63  }
0x26: {  	p0 =	sne.s32 s19, $0x9C00;
	_ =	swait.ge [sflag:s16], $0x4000  }
.Ltmp0:
0x27: {  	[sflag:s16] =	ssyncset.done $0x0;
	(pc) =	sbr.rel @p0 .LBB2_2-.Ltmp0, $4  }
0x28: {  	s19 =	sadd.s32 $0x2800, s20;
	[sflag:s16] =	ssyncadd.s32 $0xFFFFC000  }
0x29: {  	[spmem:s3] =	stream.indirect.scatter.add.f32 [tilespmem:s15], [sflag:$0x2], $0x80, s19, s14, $0xb8;
	[tilespmem:$0x1D000] =	vst v63  }
0x2a: {  	_ =	swait.ge [sflag:s12], $0x4000  }
0x2b: {  	s19 =	smov.u32 s21;
	[sflag:s12] =	ssyncset.done $0x0  }
0x2c: {  	s18 =	sshra.s32 s18, $0x2;
	[sflag:s12] =	ssyncadd.s32 $0xFFFFC000  }
0x2d: {  	[tilespmem:s15], [sflag:$0x1] =	stream.indirect.gather [hbm4b:s1+s14], $0x80, s18, s14, $0xb8;
	[tilespmem:$0x1D000] =	vst v63  }
0x2e: {  	_ =	swait.ge [sflag:s16], $0x4000  }
0x2f: {  	[sflag:s16] =	ssyncset.done $0x0  }
0x30: {  	s18 =	sadd.s32 $0x2800, s18;
	[sflag:s16] =	ssyncadd.s32 $0xFFFFC000  }
0x31: {  	[spmem:s3] =	stream.indirect.scatter.add.f32 [tilespmem:s15], [sflag:$0x2], $0x80, s18, s14, $0xb8;
	[tilespmem:$0x1D000] =	vst v63  }
0x32: {  	_ =	swait.ge [sflag:s12], $0x4000  }
0x33: {  	s17 =	sadd.s32 $0x1, s17;
	[sflag:s12] =	ssyncset.done $0x0  }
0x34: {  	p0 =	sne.s32 s17, s10;
	[sflag:s12] =	ssyncadd.s32 $0xFFFFC000  }
.Ltmp1:
0x35: {  	[bflag:$0x0] =	sbarrier.arrive $0xFFFF;
	(pc) =	sbr.rel @p0 .LBB2_1-.Ltmp1, $4  }
0x36: {  	[hbm:s9], [sflag:s6] =	dma.local [spmem:s11], $0x2800  }
0x37: {  	_ =	swait.ge [sflag:s12], $0x2800  }
0x38: {  	[sflag:s12] =	ssyncset.done $0x0  }
0x39: {  	[sflag:s12] =	ssyncadd.s32 $0xFFFFD800  }
0x3a: {  	_ =	sfence.sel $0x180000  }
0x3b: {  	[bflag:$0x0] =	sbarrier.arrive $0xFFFF  }
0x3c: {  	p0 =	sne.s32 s0, $0x0;
	_ =	strace $0x90000053  }
0x3d: {  	s0 =	sadd.s32 @!p0 $0x100000, s2;
	[bflag:$0x2] =	sbarrier.arrive $0xFFFF  }
0x3e: {  	[sflag:s0] =	ssyncadd.tile.s32 @!p0 $0x1;
	_ =	shalt  }
.Lfunc_end2:
_tile_overlayer_lowered:
.L_overlay_start_2:
0x3f: {  	(tag) =	ssettag $0x2  }
0x40: {  	s0 =	rddreg [dreg:$0x0];
	s2 =	stileid.u32  }
0x41: {  	s1 =	rddreg [dreg:$0x1];
	p0 =	sne.s32 s2, $0x0  }
0x42: {  	s3 =	rddreg [dreg:$0x2];
	[bflag:$0x3] =	sbarrier.arrive $0xFFFF;
	s2 =	simm.s32 @!p0 $0x1C02  }
0x43: {  	[timem:s3], [sflag:s2] =	dma.local @!p0 [hbm:s0], s1  }
0x44: {  	s0 =	simm.s32 @!p0 $0x2  }
0x45: {  	_ =	swait.ge @!p0 [sflag:s0], s1  }
0x46: {  	s1 =	ssub.s32 @!p0 $0x0, s1;
	[sflag:s0] =	ssyncset.done @!p0 $0x0  }
0x47: {  	[sflag:s0] =	ssyncadd.s32 @!p0 s1  }
0x48: {  	[bflag:$0x3] =	sbarrier.arrive $0xFFFF  }
0x49: {  	_ =	shalt  }

// kernel: kernel.37.cloned.1.call-start
scs
__scs_entry_jumppad:
0x0: {  	(pc) =	sbr.rel $0x88, $3  }
0x1: {  	(tag) =	ssettag $0x0;
	lr =	simm.s32 $0x1  }
0x2: {  	[smem:$0x3F83] =	sst lr;
	_ =	strace $0xD0000000  }
0x3: {  	_ = 	snop  }
0x4: {  	_ = 	snop  }
0x5: {  	_ = 	snop  }
0x6: {  	_ = 	snop  }
0x7: {  	_ = 	snop  }
__scs_overlays_trampoline_lowered:
0x8: {  	[smem:$0x3F92] =	sst s0  }
0x9: {  	[smem:$0x3F93] =	sst s1  }
0xa: {  	[smem:$0x3F94] =	sst s2  }
0xb: {  	[smem:$0x3F95] =	sst s3  }
0xc: {  	[smem:$0x3F96] =	sst s4  }
0xd: {  	[smem:$0x3F97] =	sst s5  }
0xe: {  	[smem:$0x3F98] =	sst s6  }
0xf: {  	[smem:$0x3F99] =	sst s7  }
0x10: {  	[smem:$0x3F9A] =	sst s8  }
0x11: {  	[smem:$0x3F9B] =	sst s9;
	s0 =	simm.s32 @!p0 $0x0  }
0x12: {  	s1 =	sld [smem:$0x3F81];
	s0 =	simm.s32 @p0 $0x1  }
0x13: {  	[smem:$0x3F9C] =	sst s0;
	s0 =	simm.s32 @!p1 $0x0  }
0x14: {  	s2 =	sld [smem:$0x3F80];
	s0 =	simm.s32 @p1 $0x1  }
0x15: {  	[smem:$0x3F9D] =	sst s0;
	s0 =	simm.s32 @!p2 $0x0  }
0x16: {  	s3 =	sld [smem:$0x3FDB];
	s0 =	simm.s32 @p2 $0x1  }
0x17: {  	s4 =	simm.s32 $0x1BF5;
	[smem:$0x3F9F] =	sst s0  }
0x18: {  	s0 =	sld [smem:$0x3F82];
	_ =	swait.ge [sflag:s4], $0x0  }
0x19: {  	s7 =	sld [smem:$0x3F83]  }
0x1a: {  	s8 =	sadd.s32 $0xFFFFE003, lr  }
0x1b: {  	s9 =	sadd.s32 $0xFFFFFEF7, lr;
	s5 =	simm.s32 $0xFFFFFFFF;
	p2 =	slt.u32 s8, $0xFFFFF086  }
0x1c: {  	p1 =	slt.u32 s9, $0xF7A;
	s5 =	simm.s32 @!p2 $0x0  }
0x1d: {  	s5 =	simm.s32 @p1 $0x1;
	p0 =	seq.s32 s7, s2  }
0x1e: {  	s7 =	smul.u32 @!p0 $0xF7A, s2;
	p2 =	seq.s32 @!p0 s5, $0x0  }
0x1f: {  	s9 =	smul.u32 $0xF7A, s1;
	s8 =	simm.s32 @!p0 $0x1BF5;
	p2 =	por !p2, p0  }
0x20: {  	[sflag:s8] =	ssyncset.s32 @!p0 $0xFFFFF086;
	s6 =	sadd.s32 @!p0 s3, s7;
	s7 =	simm.s32 @!p0 $0x108  }
0x21: {  	s3 =	sadd.s32 s3, s9;
	s6 =	sadd.s32 @!p0 $0x88, s6;
	s7 =	simm.s32 @p2 $0x1082  }
0x22: {  	[simem:s7], [sflag:s8] =	dma.local @!p0 [hbm:s6], $0xF7A  }
0x23: {  	s9 =	sor.u32 $0xD0000000, s2;
	s6 =	simm.s32 $0x108;
	_ =	swait.ge @!p0 [sflag:s8], $0x0  }
0x24: {  	s3 =	sadd.s32 $0x88, s3;
	s6 =	simm.s32 @!p1 $0x1082;
	[sflag:s4] =	ssyncset.s32 $0xFFFFF086  }
0x25: {  	[simem:s6], [sflag:s4] =	dma.local [hbm:s3], $0xF7A  }
0x26: {  	[smem:$0x3F83] =	sst s1;
	(tag) =	ssettag s2;
	_ =	strace s9  }
0x27: {  	s1 =	sld [smem:$0x3F93]  }
0x28: {  	s2 =	sld [smem:$0x3F94]  }
0x29: {  	s4 =	sld [smem:$0x3F96]  }
0x2a: {  	p0 =	seq.s32 s5, $0x0;
	s5 =	sld [smem:$0x3F97]  }
0x2b: {  	s6 =	sld [smem:$0x3F98]  }
0x2c: {  	s7 =	sld [smem:$0x3F99]  }
0x2d: {  	s3 =	simm.s32 $0x108;
	s8 =	sld [smem:$0x3F9A]  }
0x2e: {  	s3 =	simm.s32 @!p0 $0x1082;
	s9 =	sld [smem:$0x3F9B]  }
0x2f: {  	lr =	sadd.s32 s0, s3;
	s0 =	sld [smem:$0x3F92]  }
0x30: {  	s3 =	sld [smem:$0x3F95]  }
0x31: {  	[smem:$0x3F9E] =	sst s10  }
0x32: {  	s10 =	sld [smem:$0x3F9C];
	_ =	sdelay $0x3  }
0x33: {  	p0 =	seq.s32 s10, $0x1;
	s10 =	sld [smem:$0x3F9E];
	_ =	sdelay $0x3  }
0x34: {  	[smem:$0x3F9E] =	sst s10  }
0x35: {  	s10 =	sld [smem:$0x3F9D];
	_ =	sdelay $0x3  }
0x36: {  	p1 =	seq.s32 s10, $0x1;
	s10 =	sld [smem:$0x3F9E];
	_ =	sdelay $0x3  }
0x37: {  	[smem:$0x3F9E] =	sst s10  }
0x38: {  	s10 =	sld [smem:$0x3F9F]  }
0x39: {  	_ = 	snop;
	(pc) =	sbr.ind lr, $3  }
0x3a: {  	_ = 	snop  }
0x3b: {  	_ = 	snop  }
0x3c: {  	p2 =	seq.s32 s10, $0x1;
	s10 =	sld [smem:$0x3F9E]  }
0x3d: {  	_ =	shalt  }
0x3e: {  	_ =	shalt  }
0x3f: {  	_ =	shalt  }
0x40: {  	_ =	shalt  }
0x41: {  	_ =	shalt  }
0x42: {  	_ =	shalt  }
0x43: {  	_ =	shalt  }
0x44: {  	_ =	shalt  }
0x45: {  	_ =	shalt  }
0x46: {  	_ =	shalt  }
0x47: {  	_ =	shalt  }
0x48: {  	_ =	shalt  }
0x49: {  	_ =	shalt  }
0x4a: {  	_ =	shalt  }
0x4b: {  	_ =	shalt  }
0x4c: {  	_ =	shalt  }
0x4d: {  	_ =	shalt  }
0x4e: {  	_ =	shalt  }
0x4f: {  	_ =	shalt  }
0x50: {  	_ =	shalt  }
0x51: {  	_ =	shalt  }
0x52: {  	_ =	shalt  }
0x53: {  	_ =	shalt  }
0x54: {  	_ =	shalt  }
0x55: {  	_ =	shalt  }
0x56: {  	_ =	shalt  }
0x57: {  	_ =	shalt  }
0x58: {  	_ =	shalt  }
0x59: {  	_ =	shalt  }
0x5a: {  	_ =	shalt  }
0x5b: {  	_ =	shalt  }
0x5c: {  	_ =	shalt  }
0x5d: {  	_ =	shalt  }
0x5e: {  	_ =	shalt  }
0x5f: {  	_ =	shalt  }
0x60: {  	_ =	shalt  }
0x61: {  	_ =	shalt  }
0x62: {  	_ =	shalt  }
0x63: {  	_ =	shalt  }
0x64: {  	_ =	shalt  }
0x65: {  	_ =	shalt  }
0x66: {  	_ =	shalt  }
0x67: {  	_ =	shalt  }
0x68: {  	_ =	shalt  }
0x69: {  	_ =	shalt  }
0x6a: {  	_ =	shalt  }
0x6b: {  	_ =	shalt  }
0x6c: {  	_ =	shalt  }
0x6d: {  	_ =	shalt  }
0x6e: {  	_ =	shalt  }
0x6f: {  	_ =	shalt  }
0x70: {  	_ =	shalt  }
0x71: {  	_ =	shalt  }
0x72: {  	_ =	shalt  }
0x73: {  	_ =	shalt  }
0x74: {  	_ =	shalt  }
0x75: {  	_ =	shalt  }
0x76: {  	_ =	shalt  }
0x77: {  	_ =	shalt  }
0x78: {  	_ =	shalt  }
0x79: {  	_ =	shalt  }
0x7a: {  	_ =	shalt  }
0x7b: {  	_ =	shalt  }
0x7c: {  	_ =	shalt  }
0x7d: {  	_ =	shalt  }
0x7e: {  	_ =	shalt  }
0x7f: {  	_ =	shalt  }
0x80: {  	_ =	shalt  }
0x81: {  	_ =	shalt  }
0x82: {  	_ =	shalt  }
0x83: {  	_ =	shalt  }
0x84: {  	_ =	shalt  }
0x85: {  	_ =	shalt  }
0x86: {  	_ =	shalt  }
0x87: {  	_ =	shalt  }
.Lfunc_end0:
.L_simem_size_0:
called_computation.6_lowered:
.L_overlay_start_0:
0x88: {  	s2 =	sld [smem:$0x3FD9]  }
0x89: {  	s3 =	sld [smem:$0x3FFE];
	_ =	sdelay $0x1  }
0x8a: {  	s1 =	srdreg.scid  }
0x8b: {  	s0 =	sand.u32 $0x1, s1  }
0x8c: {  	s15 =	sshll.u32 s0, $0xA;
	s2 =	sadd.s32 s3, s2  }
0x8d: {  	s2 =	sadd.s32 s2, s15  }
0x8e: {  	[smem:$0x3FAA] =	sst s2  }
0x8f: {  	_ = 	snop  }
0x90: {  	s2 =	sld [smem:$0x3FD0];
	_ =	sdelay $0x2  }
0x91: {  	s16 =	simm.s32 $0xB;
	s4 =	simm.s32 $0x10  }
0x92: {  	[smem:s4], [sflag:s16] =	dma.local [hbm:s2], $0x1  }
0x93: {  	_ =	swait.eq [sflag:s16], $0x1  }
0x94: {  	[sflag:s16] =	ssyncset.done $0x0  }
0x95: {  	[sflag:s16] =	ssyncadd.s32 $0xFFFFFFFF  }
0x96: {  	s17 =	sld [smem:$0x10];
	(tm) =	ssettm $0x1  }
0x97: {  	s18 =	sld [smem:$0x3FFB];
	_ =	sdelay $0x3  }
0x98: {  	_ =	strace s18  }
0x99: {  	s2 =	sld [smem:$0x3FFC];
	_ =	sdelay $0x3  }
0x9a: {  	_ =	strace s2  }
0x9b: {  	s2 =	sld [smem:$0x3FFD];
	_ =	sdelay $0x3  }
0x9c: {  	_ =	strace s2  }
0x9d: {  	_ =	strace $0x8FFFFFFF  }
0x9e: {  	s19 =	sld [smem:$0x3FDB];
	_ =	sdelay $0x1  }
0x9f: {  	s20 =	simm.s32 $_scs_section_size  }
0xa0: {  	s5 =	simm.s32 $_size__tile_overlayer_lowered;
	s6 =	simm.s32 $_tile_overlayer_lowered  }
0xa1: {  	s7 =	simm.s32 $0x1BFF;
	s21 =	sshll.u32 s6, $0x1;
	s4 =	sadd.s32 s20, s19  }
0xa2: {  	s22 =	simm.s32 $0x0;
	s5 =	sshll.u32 s5, $0x1;
	s6 =	sadd.s32 s21, s4  }
0xa3: {  	[timem:s22], [sflag:s7] =	dma.local [hbm:s6], s5  }
0xa4: {  	_ =	swait.ge [sflag:s7], s5  }
0xa5: {  	s5 =	ssub.s32 $0x0, s5;
	[sflag:s7] =	ssyncset.done $0x0  }
0xa6: {  	[sflag:s7] =	ssyncadd.s32 s5;
	_ =	sdelay $0x1  }
0xa7: {  	s23 =	simm.s32 $0x1B8B  }
0xa8: {  	_ =	swait.ge [sflag:s23], $0x1  }
0xa9: {  	[sflag:s23] =	ssyncset.done $0x0  }
0xaa: {  	[sflag:s23] =	ssyncadd.s32 $0xFFFFFFFF  }
0xab: {  	s5 =	sld [smem:$0x0]  }
0xac: {  	s6 =	sand.u32 $0xFFFFFFFE, s1  }
0xad: {  	p0 =	sne.s32 s1, s6  }
0xae: {  	s6 =	sshll.u32 @p0 s6, $0xE  }
0xaf: {  	s6 =	sadd.s32 @p0 $0x11B8D, s6;
	s7 =	sshll.u32 @p0 s5, $0x11  }
0xb0: {  	s6 =	sor.u32 @p0 s7, s6  }
0xb1: {  	[sflag:s6] =	ssyncadd.remote.s32 @p0 $0x1;
	_ =	sdelay $0x1  }
0xb2: {  	s6 =	simm.s32 @p0 $0x1B8D  }
0xb3: {  	_ =	swait.eq @p0 [sflag:s6], $0x1  }
0xb4: {  	[sflag:s6] =	ssyncadd.s32 @p0 $0xFFFFFFFF  }
0xb5: {  	s7 =	sshll.u32 @!p0 s1, $0xE  }
0xb6: {  	s7 =	sor.u32 @!p0 $0x4000, s7;
	s6 =	simm.s32 @!p0 $0x1B8D  }
0xb7: {  	s5 =	sshll.u32 @!p0 s5, $0x11;
	s7 =	sadd.s32 @!p0 $0x11B8D, s7;
	_ =	swait.eq @!p0 [sflag:s6], $0x1  }
0xb8: {  	s5 =	sor.u32 @!p0 s5, s7;
	[sflag:s6] =	ssyncadd.s32 @!p0 $0xFFFFFFFF  }
0xb9: {  	s25 =	simm.s32 $0x1B8E;
	s24 =	sld [smem:$0x3FFE];
	[sflag:s5] =	ssyncadd.remote.s32 @!p0 $0x1  }
0xba: {  	s26 =	simm.s32 $execute0_lowered;
	[smem:$0x3FD2] =	sst s25  }
0xbb: {  	s6 =	sshll.u32 s26, $0x1;
	_ =	strace $0x80000058;
	[dreg:$0x1] =	wrdreg $0xFFFFFFFF  }
0xbc: {  	s28 =	simm.s32 $_size_execute0_lowered;
	s4 =	sadd.s32 s4, s6;
	[dreg:$0x0] =	wrdreg $0x0  }
0xbd: {  	s6 =	sshll.u32 s28, $0x1;
	[dreg:$0x2] =	wrdreg s4  }
0xbe: {  	[dreg:$0x3] =	wrdreg s6  }
0xbf: {  	[dreg:$0x4] =	wrdreg $0xC0  }
0xc0: {  	_ =	task [dreg:s22], $0x5FFFF  }
0xc1: {  	[dreg:$0x1] =	wrdreg $0xFFFFFFFF  }
0xc2: {  	[dreg:$0x0] =	wrdreg $0x60  }
0xc3: {  	[dreg:$0x2] =	wrdreg s17  }
0xc4: {  	[dreg:$0x3] =	wrdreg s24  }
0xc5: {  	[dreg:$0x4] =	wrdreg $0xA  }
0xc6: {  	_ =	task.clear_ibuf [dreg:s22], $0x5FFFF;
	_ =	strace $0x90000058  }
0xc7: {  	s29 =	simm.s32 $0xA;
	_ =	strace $0x8000005A  }
0xc8: {  	_ =	swait.ge [sflag:s29], $0x1  }
0xc9: {  	[sflag:s29] =	ssyncadd.s32 $0xFFFFFFFF  }
0xca: {  	_ =	strace $0x9000005A  }
0xcb: {  	_ =	sfence  }
0xcc: {  	s30 =	sld [smem:$0x0];
	_ =	sdelay $0x2  }
0xcd: {  	s31 =	sshll.u32 s1, $0xD;
	s1 =	sshrl.u32 s1, $0x2  }
0xce: {  	s4 =	sand.u32 $0x4000, s31;
	s1 =	sadd.s32 s1, s30  }
0xcf: {  	s0 =	sor.u32 s4, s0;
	s1 =	sshll.u32 s1, $0x11  }
0xd0: {  	s0 =	sor.u32 s1, s0  }
0xd1: {  	s0 =	sadd.s32 $0x8F2B, s0  }
0xd2: {  	[sflag:s0] =	ssyncadd.remote.s32 $0x1  }
0xd3: {  	_ =	sfence.sel $0xFFFF  }
0xd4: {  	[dreg:$0x0] =	wrdreg $0xFFFFFFFF;
	(pc) =	sbr.abs _section_cstart, $3  }
0xd5: {  	[dreg:$0x1] =	wrdreg $0xFFFFFFFF  }
0xd6: {  	_ =	task.clear_ibuf [dreg:s22], $0x2FFFF;
	_ =	strace $0x9FFFFFFF  }
0xd7: {  	(tm) =	ssettm $0x7FFFFFFF  }
tec
execute0_lowered:
.L_overlay_start_1:
0x0: {  	(tag) =	ssettag $0x1  }
0x1: {  	s1 =	srdreg.scid  }
0x2: {  	s0 =	stileid.u32;
	s11 =	sand.u32 $0x1, s1  }
0x3: {  	s2 =	rddreg [dreg:$0x0];
	s31 =	sshll.u32 s0, $0x9;
	s3 =	sshll.u32 s11, $0x8  }
0x4: {  	s10 =	rddreg [dreg:$0x1];
	s12 =	sor.u32 s3, s31  }
0x5: {  	s1 =	rddreg [dreg:$0x2];
	s3 =	simm.s32 $0x0;
	s4 =	sshrl.u32 s12, $0x3  }
0x6: {  	[smem:$0x7FF] =	sst s3;
	s4 =	sadd.s32 s4, s10  }
0x7: {  	_ =	strace $0x80000059;
	s5 =	sadd.s32 $0x7200, s4;
	s4 =	simm.s32 $0x3  }
0x8: {  	[tilespmem:s3], [sflag:$0x3] =	stream.linear.gather [hbm4b:s5+s3], $0x100, $0x38;
	[tilespmem:$0x8100] =	vst v63  }
0x9: {  	_ =	swait.ge [sflag:s4], $0x100  }
0xa: {  	[sflag:s4] =	ssyncset.done $0x0  }
0xb: {  	s6 =	simm.s32 $0x80;
	s7 =	simm.s32 $0x100;
	[sflag:s4] =	ssyncadd.s32 $0xFFFFFF00  }
0xc: {  	[tilespmem:s7], [sflag:$0x1] =	stream.indirect.gather [hbm4b:s2+s6], $0x80, s3, s6, $0xb8;
	[tilespmem:$0x8100] =	vst v63  }
0xd: {  	s8 =	simm.s32 $0x4100;
	s9 =	simm.s32 $0x1  }
0xe: {  	[tilespmem:s8], [sflag:$0x2] =	stream.indirect.gather [hbm4b:s2+s6], $0x80, s6, s6, $0xb8;
	[tilespmem:$0x8100] =	vst v63  }
0xf: {  	s12 =	sshll.u32 s12, $0x4;
	_ =	swait.ge [sflag:s9], $0x4000  }
0x10: {  	s12 =	sadd.s32 s12, s10;
	[sflag:s9] =	ssyncset.done $0x0  }
0x11: {  	s13 =	ssub.s32 $0x2, s11;
	s10 =	sadd.s32 $0x3CA00, s12;
	[sflag:s9] =	ssyncadd.s32 $0xFFFFC000  }
0x12: {  	[hbm4b:s10+s3] =	stream.linear.scatter [tilespmem:s7], [sflag:$0x3], $0x4000, $0x38;
	[tilespmem:$0x8100] =	vst v63  }
0x13: {  	s14 =	sshrl.u32 s13, $0x1;
	_ =	swait.ge [sflag:s4], $0x4000  }
0x14: {  	s13 =	ssub.s32 s13, s14;
	[sflag:s4] =	ssyncset.done $0x0  }
0x15: {  	s11 =	simm.s32 $0x2;
	s13 =	smax.u32 s13, $0x1;
	[sflag:s4] =	ssyncadd.s32 $0xFFFFC000  }
0x16: {  	p0 =	sne.s32 s13, $0x1;
	_ =	swait.ge [sflag:s11], $0x4000  }
.Ltmp0:
0x17: {  	[sflag:s11] =	ssyncset.done $0x0;
	(pc) =	sbr.rel @!p0 .LBB2_2-.Ltmp0, $4  }
0x18: {  	s12 =	sadd.s32 $0x3D200, s12;
	[sflag:s11] =	ssyncadd.s32 $0xFFFFC000  }
0x19: {  	[hbm4b:s12+s3] =	stream.linear.scatter [tilespmem:s8], [sflag:$0x3], $0x4000, $0x38;
	[tilespmem:$0x8100] =	vst v63  }
0x1a: {  	_ =	swait.ge [sflag:s4], $0x4000  }
0x1b: {  	s13 =	sadd.s32 $0xFFFFFFFF, s13;
	[sflag:s4] =	ssyncset.done $0x0  }
.LBB2_1:
0x1c: {  	p0 =	sne.s32 s13, $0x1;
	s13 =	sadd.s32 $0xFFFFFFFF, s13;
	[sflag:s4] =	ssyncadd.s32 $0xFFFFC000  }
0x1d: {  	[tilespmem:s3], [sflag:$0x3] =	stream.linear.gather [hbm4b:s5+s3], $0x100, $0x38;
	[tilespmem:$0x8100] =	vst v63  }
0x1e: {  	_ =	swait.ge [sflag:s4], $0x100  }
0x1f: {  	[sflag:s4] =	ssyncset.done $0x0  }
0x20: {  	[sflag:s4] =	ssyncadd.s32 $0xFFFFFF00  }
0x21: {  	[tilespmem:s7], [sflag:$0x1] =	stream.indirect.gather [hbm4b:s2+s6], $0x80, s3, s6, $0xb8;
	[tilespmem:$0x8100] =	vst v63  }
0x22: {  	_ = 	snop  }
0x23: {  	[tilespmem:s8], [sflag:$0x2] =	stream.indirect.gather [hbm4b:s2+s6], $0x80, s6, s6, $0xb8;
	[tilespmem:$0x8100] =	vst v63  }
0x24: {  	_ =	swait.ge [sflag:s9], $0x4000  }
0x25: {  	[sflag:s9] =	ssyncset.done $0x0  }
0x26: {  	[sflag:s9] =	ssyncadd.s32 $0xFFFFC000  }
0x27: {  	[hbm4b:s10+s3] =	stream.linear.scatter [tilespmem:s7], [sflag:$0x3], $0x4000, $0x38;
	[tilespmem:$0x8100] =	vst v63  }
0x28: {  	_ =	swait.ge [sflag:s4], $0x4000  }
0x29: {  	[sflag:s4] =	ssyncset.done $0x0  }
0x2a: {  	[sflag:s4] =	ssyncadd.s32 $0xFFFFC000  }
0x2b: {  	_ =	swait.ge [sflag:s11], $0x4000  }
.Ltmp1:
0x2c: {  	[sflag:s11] =	ssyncset.done $0x0;
	(pc) =	sbr.rel @p0 .LBB2_1-.Ltmp1, $4  }
0x2d: {  	[sflag:s11] =	ssyncadd.s32 $0xFFFFC000  }
0x2e: {  	[hbm4b:s12+s3] =	stream.linear.scatter [tilespmem:s8], [sflag:$0x3], $0x4000, $0x38;
	[tilespmem:$0x8100] =	vst v63  }
0x2f: {  	_ =	swait.ge [sflag:s4], $0x4000  }
0x30: {  	[sflag:s4] =	ssyncset.done $0x0  }
.LBB2_2:
0x31: {  	[sflag:s4] =	ssyncadd.s32 $0xFFFFC000  }
0x32: {  	_ =	sfence.sel $0x180000  }
0x33: {  	[bflag:$0x0] =	sbarrier.arrive $0xFFFF  }
0x34: {  	p0 =	sne.s32 s0, $0x0;
	_ =	strace $0x90000059  }
0x35: {  	s0 =	sadd.s32 @!p0 $0x100000, s1;
	[bflag:$0x2] =	sbarrier.arrive $0xFFFF  }
0x36: {  	[sflag:s0] =	ssyncadd.tile.s32 @!p0 $0x1;
	_ =	shalt  }
.Lfunc_end2:
_tile_overlayer_lowered:
.L_overlay_start_2:
0x37: {  	(tag) =	ssettag $0x2  }
0x38: {  	s0 =	rddreg [dreg:$0x0];
	s2 =	stileid.u32  }
0x39: {  	s1 =	rddreg [dreg:$0x1];
	p0 =	sne.s32 s2, $0x0  }
0x3a: {  	s3 =	rddreg [dreg:$0x2];
	[bflag:$0x3] =	sbarrier.arrive $0xFFFF;
	s2 =	simm.s32 @!p0 $0x1C03  }
0x3b: {  	[timem:s3], [sflag:s2] =	dma.local @!p0 [hbm:s0], s1  }
0x3c: {  	s0 =	simm.s32 @!p0 $0x3  }
0x3d: {  	_ =	swait.ge @!p0 [sflag:s0], s1  }
0x3e: {  	s1 =	ssub.s32 @!p0 $0x0, s1;
	[sflag:s0] =	ssyncset.done @!p0 $0x0  }
0x3f: {  	[sflag:s0] =	ssyncadd.s32 @!p0 s1  }
0x40: {  	[bflag:$0x3] =	sbarrier.arrive $0xFFFF  }
0x41: {  	_ =	shalt  }

</sc_bundles>
